<compile_context>
chip_gen: v7x
topology: tpu7x:2x2x1
jax: 0.10.2.dev20260603
libtpu: 0.0.44.dev20260713+nightly
codegen_flags: <defaults>
</compile_context>

<pallas_src>
import functools

import jax
import jax.numpy as jnp
from jax import lax
from jax.experimental import pallas as pl
from jax.experimental.pallas import tpu as pltpu
from jax.experimental.pallas import tpu_sc as plsc

_N = 10000
_NPAD = 10240
_E = 160000
_EPAD = 163840
_NTILES = 32
_CHUNK = 128
_CHUNKS_PER_TILE = _EPAD // (_NTILES * _CHUNK)
_EDGES_PER_TILE = _EPAD // _NTILES
_RPT = _NPAD // 16
_HALF = 5120
_ACCR = _HALF + 128
_ART = _ACCR // 16
_EPT2 = _EPAD // 16
_CHUNKS2 = _EPT2 // _CHUNK
_CPAD = 1488
_TCHMAX = 88



def _mm_kernel(x_ref, w_ref, b_ref, o_ref, *, act):
    y = jnp.dot(x_ref[...], w_ref[...], preferred_element_type=jnp.float32)
    y = y + b_ref[...]
    if act == "relu":
        y = jnp.maximum(y, 0.0)
    o_ref[...] = y


def _mm(xa, w, b, act="relu", bm=1000):
    n, k = xa.shape
    f = w.shape[1]
    return pl.pallas_call(
        functools.partial(_mm_kernel, act=act),
        grid=(n // bm,),
        in_specs=[
            pl.BlockSpec((bm, k), lambda i: (i, 0)),
            pl.BlockSpec((k, f), lambda i: (0, 0)),
            pl.BlockSpec((1, f), lambda i: (0, 0)),
        ],
        out_specs=pl.BlockSpec((bm, f), lambda i: (i, 0)),
        out_shape=jax.ShapeDtypeStruct((n, f), jnp.float32),
    )(xa, w, b.reshape(1, f))


def _bigk_kernel(x_ref, w_ref, b_ref, o_ref):
    y = jnp.dot(x_ref[...], w_ref[...], preferred_element_type=jnp.float32)
    o_ref[...] = jnp.maximum(y + b_ref[...], 0.0)


def _bigk_mm(xa, w, b, bm=400):
    n, k = xa.shape
    f = w.shape[1]
    return pl.pallas_call(
        _bigk_kernel,
        grid=(n // bm,),
        in_specs=[
            pl.BlockSpec((bm, k), lambda i: (i, 0)),
            pl.BlockSpec((k, f), lambda i: (0, 0)),
            pl.BlockSpec((1, f), lambda i: (0, 0)),
        ],
        out_specs=pl.BlockSpec((bm, f), lambda i: (i, 0)),
        out_shape=jax.ShapeDtypeStruct((n, f), jnp.float32),
    )(xa, w, b.reshape(1, f))


def _wide_kernel(x_ref, w_ref, b_ref, o_ref):
    y = jnp.dot(x_ref[...], w_ref[...], preferred_element_type=jnp.float32)
    o_ref[...] = jax.nn.sigmoid(y + b_ref[...])


def _wide_mm(xa, w, b, bm=1000, bf=2048):
    n, k = xa.shape
    f = w.shape[1]
    return pl.pallas_call(
        _wide_kernel,
        grid=(n // bm, pl.cdiv(f, bf)),
        in_specs=[
            pl.BlockSpec((bm, k), lambda i, j: (i, 0)),
            pl.BlockSpec((k, bf), lambda i, j: (0, j)),
            pl.BlockSpec((1, bf), lambda i, j: (0, j)),
        ],
        out_specs=pl.BlockSpec((bm, bf), lambda i, j: (i, j)),
        out_shape=jax.ShapeDtypeStruct((n, f), jnp.float32),
    )(xa, w, b.reshape(1, f))


def _zzt_kernel(a_ref, b_ref, o_ref):
    y = lax.dot_general(a_ref[...], b_ref[...], (((1,), (1,)), ((), ())),
                        preferred_element_type=jnp.float32)
    o_ref[...] = jax.nn.sigmoid(y)


def _zzt(z, bm=1024):
    n, k = z.shape
    return pl.pallas_call(
        _zzt_kernel,
        grid=(pl.cdiv(n, bm), pl.cdiv(n, bm)),
        in_specs=[
            pl.BlockSpec((bm, k), lambda i, j: (i, 0)),
            pl.BlockSpec((bm, k), lambda i, j: (j, 0)),
        ],
        out_specs=pl.BlockSpec((bm, bm), lambda i, j: (i, j)),
        out_shape=jax.ShapeDtypeStruct((n, n), jnp.float32),
    )(z, z)


def _isqrt_kernel(d_ref, o_ref):
    od = jnp.maximum(d_ref[0:1, :] + d_ref[2:3, :], 1.0)
    idg = jnp.maximum(d_ref[1:2, :] + d_ref[3:4, :], 1.0)
    o_ref[...] = lax.rsqrt(jnp.concatenate([od, idg], axis=0))


def _isqrt(dpart):
    return pl.pallas_call(
        _isqrt_kernel,
        out_shape=jax.ShapeDtypeStruct((2, _NPAD), jnp.float32),
    )(dpart.reshape(4, _NPAD))


def _pre_kernel(x_ref, oi_ref, w_ref, g_ref):
    g_ref[...] = jnp.dot(x_ref[...] * oi_ref[...], w_ref[...],
                         preferred_element_type=jnp.float32)


def _pre(xa, oi, w, bm=1000):
    n, k = xa.shape
    return pl.pallas_call(
        _pre_kernel,
        grid=(n // bm,),
        in_specs=[
            pl.BlockSpec((bm, k), lambda i: (i, 0)),
            pl.BlockSpec((bm, 1), lambda i: (i, 0)),
            pl.BlockSpec((k, 128), lambda i: (0, 0)),
        ],
        out_specs=pl.BlockSpec((bm, 128), lambda i: (i, 0)),
        out_shape=jax.ShapeDtypeStruct((n, 128), jnp.float32),
    )(xa, oi, w)


def _step_kernel(m0_ref, m1_ref, ii_ref, b_ref, skip_ref, oi_ref, w_ref,
                 g_ref, t_ref):
    i = pl.program_id(0)
    mm = jnp.where(i < _HALF // 640, m0_ref[...], m1_ref[...])
    t = jnp.maximum(mm * ii_ref[...] + b_ref[...], 0.0)
    t = t + skip_ref[...]
    t_ref[...] = t
    g_ref[...] = jnp.dot(t * oi_ref[...], w_ref[...],
                         preferred_element_type=jnp.float32)


def _step(m, ii, b, skip, oi, w):
    bm = 640
    nhalf = _HALF // bm
    return pl.pallas_call(
        _step_kernel,
        grid=(16,),
        in_specs=[
            pl.BlockSpec((bm, 128), lambda i: (jnp.minimum(i, 7), 0)),
            pl.BlockSpec((bm, 128), lambda i: (jnp.maximum(i - 8, 0), 0)),
            pl.BlockSpec((bm, 1), lambda i: (i, 0)),
            pl.BlockSpec((1, 128), lambda i: (0, 0)),
            pl.BlockSpec((bm, 128), lambda i: (i, 0)),
            pl.BlockSpec((bm, 1), lambda i: (i, 0)),
            pl.BlockSpec((128, 128), lambda i: (0, 0)),
        ],
        out_specs=[
            pl.BlockSpec((bm, 128), lambda i: (i, 0)),
            pl.BlockSpec((bm, 128), lambda i: (i, 0)),
        ],
        out_shape=[
            jax.ShapeDtypeStruct((_N, 128), jnp.float32),
            jax.ShapeDtypeStruct((_N, 128), jnp.float32),
        ],
    )(m[0], m[1], ii, b.reshape(1, 128), skip, oi, w)



@functools.lru_cache(maxsize=None)
def _mesh():
    return plsc.VectorSubcoreMesh(core_axis_name="c", subcore_axis_name="s")


def _deg_body(srcd2, dstd2, zeros1, out_hbm, sv2, dv2, ones_v, zbuf, acc_out,
              acc_in):
    c = lax.axis_index("c")
    s = lax.axis_index("s")
    wid = s * 2 + c
    for j in range(_CHUNK // 16):
        ones_v[pl.ds(j * 16, 16)] = jnp.ones((16,), jnp.float32)
    pltpu.sync_copy(zeros1.at[pl.ds(0, _RPT)], zbuf)
    pltpu.sync_copy(zbuf, acc_out.at[pl.ds(s * _RPT, _RPT)])
    pltpu.sync_copy(zbuf, acc_in.at[pl.ds(s * _RPT, _RPT)])
    pltpu.sync_copy(srcd2.at[pl.ds(wid * _CHUNKS_PER_TILE, _CHUNKS_PER_TILE)],
                    sv2)
    pltpu.sync_copy(dstd2.at[pl.ds(wid * _CHUNKS_PER_TILE, _CHUNKS_PER_TILE)],
                    dv2)
    plsc.subcore_barrier()

    def body(k, carry):
        pltpu.sync_copy(ones_v, acc_out.at[sv2.at[k]], add=True)
        pltpu.sync_copy(ones_v, acc_in.at[dv2.at[k]], add=True)
        return carry

    lax.fori_loop(0, _CHUNKS_PER_TILE, body, 0)
    plsc.subcore_barrier()
    pltpu.sync_copy(acc_out.at[pl.ds(s * _RPT, _RPT)], zbuf)
    pltpu.sync_copy(zbuf,
                    out_hbm.at[pl.ds((c * 2 + 0) * _NPAD + s * _RPT, _RPT)])
    pltpu.sync_copy(acc_in.at[pl.ds(s * _RPT, _RPT)], zbuf)
    pltpu.sync_copy(zbuf,
                    out_hbm.at[pl.ds((c * 2 + 1) * _NPAD + s * _RPT, _RPT)])


def _degrees(srcd2, dstd2, zeros1):
    return pl.kernel(
        _deg_body,
        out_type=jax.ShapeDtypeStruct((4 * _NPAD,), jnp.float32),
        mesh=_mesh(),
        scratch_types=[
            pltpu.VMEM((_CHUNKS_PER_TILE, _CHUNK), jnp.int32),
            pltpu.VMEM((_CHUNKS_PER_TILE, _CHUNK), jnp.int32),
            pltpu.VMEM((_CHUNK,), jnp.float32),
            pltpu.VMEM((_RPT,), jnp.float32),
            pltpu.MemorySpace.VMEM_SHARED((_NPAD,), jnp.float32),
            pltpu.MemorySpace.VMEM_SHARED((_NPAD,), jnp.float32),
        ],
    )(srcd2, dstd2, zeros1)


def _scat_body(g_hbm, srcs, dsts2, zeros_nf, meta, out_hbm, sv, dv2, rows2,
               mv, sem0, sem1, acc):
    c = lax.axis_index("c")
    s = lax.axis_index("s")
    pltpu.sync_copy(zeros_nf.at[pl.ds(0, _CHUNK)], rows2.at[0])
    base = s * _ART
    pltpu.sync_copy(rows2.at[0], acc.at[pl.ds(base, 128)])
    pltpu.sync_copy(rows2.at[0], acc.at[pl.ds(base + 128, 128)])
    pltpu.sync_copy(rows2.at[0, pl.ds(0, 72)], acc.at[pl.ds(base + 256, 72)])
    pltpu.sync_copy(meta, mv)
    fc8 = jnp.max(mv[pl.ds(0, 16)])
    tch0 = jnp.max(mv[pl.ds(16, 16)])
    tch1 = jnp.max(mv[pl.ds(32, 16)])
    tch = jnp.where(c == 0, tch0, tch1)
    start = pl.multiple_of(jnp.where(c == 0, 0, fc8) + s * tch, 8)
    pltpu.sync_copy(srcs.at[pl.ds(start * _CHUNK, _TCHMAX * _CHUNK)], sv)
    pltpu.sync_copy(dsts2.at[c, pl.ds(start, _TCHMAX)], dv2)
    plsc.subcore_barrier()

    sems = (sem0, sem1)
    pltpu.async_copy(g_hbm.at[sv.at[pl.ds(0, _CHUNK)]], rows2.at[0], sem0)
    pltpu.async_copy(g_hbm.at[sv.at[pl.ds(_CHUNK, _CHUNK)]], rows2.at[1],
                     sem1)

    def body(kk, carry):
        for b in range(2):
            k = 2 * kk + b
            pltpu.make_async_copy(
                g_hbm.at[sv.at[pl.ds(k * _CHUNK, _CHUNK)]],
                rows2.at[b], sems[b]).wait()
            pltpu.sync_copy(rows2.at[b], acc.at[dv2.at[k]], add=True)
            knext = lax.rem(k + 2, tch) * _CHUNK
            pltpu.async_copy(g_hbm.at[sv.at[pl.ds(knext, _CHUNK)]],
                             rows2.at[b], sems[b])
        return carry

    lax.fori_loop(0, tch // 2, body, 0)
    pltpu.make_async_copy(
        g_hbm.at[sv.at[pl.ds(0, _CHUNK)]], rows2.at[0], sem0).wait()
    pltpu.make_async_copy(
        g_hbm.at[sv.at[pl.ds(_CHUNK, _CHUNK)]], rows2.at[1], sem1).wait()
    plsc.subcore_barrier()
    pltpu.sync_copy(acc.at[pl.ds(base, 128)], rows2.at[0])
    pltpu.sync_copy(rows2.at[0], out_hbm.at[c, pl.ds(base, 128)])
    pltpu.sync_copy(acc.at[pl.ds(base + 128, 128)], rows2.at[1])
    pltpu.sync_copy(rows2.at[1], out_hbm.at[c, pl.ds(base + 128, 128)])
    pltpu.sync_copy(acc.at[pl.ds(base + 256, 72)], rows2.at[0, pl.ds(0, 72)])
    pltpu.sync_copy(rows2.at[0, pl.ds(0, 72)],
                    out_hbm.at[c, pl.ds(base + 256, 72)])


def _scat(g, srcs, dsts2, zeros_nf, meta):
    return pl.kernel(
        _scat_body,
        out_type=jax.ShapeDtypeStruct((2, _ACCR, 128), jnp.float32),
        mesh=_mesh(),
        compiler_params=pltpu.CompilerParams(needs_layout_passes=False),
        scratch_types=[
            pltpu.VMEM((_TCHMAX * _CHUNK,), jnp.int32),
            pltpu.VMEM((_TCHMAX, _CHUNK), jnp.int32),
            pltpu.VMEM((2, _CHUNK, 128), jnp.float32),
            pltpu.VMEM((48,), jnp.int32),
            pltpu.SemaphoreType.DMA,
            pltpu.SemaphoreType.DMA,
            pltpu.MemorySpace.VMEM_SHARED((_ACCR, 128), jnp.float32),
        ],
    )(g, srcs, dsts2, zeros_nf, meta)



def kernel(x, edge_index, B, params):
    p = params
    src = edge_index[0]
    dst = edge_index[1]
    npad_extra = _NPAD - _N
    ar = jnp.arange(_EPAD - _E, dtype=jnp.int32)
    pad_hi = _N + (ar % npad_extra)
    pad_lo = (ar * 7919) % _N
    srcd = jnp.concatenate([src, pad_hi])
    dstd = jnp.concatenate([dst, pad_hi])
    srcs = jnp.concatenate([src, pad_lo])

    key = (dstd >= _HALF).astype(jnp.int32)
    perm = jnp.argsort(key, stable=True)
    srcp = srcs[perm]
    dstp = dstd[perm]
    extra = _CPAD * _CHUNK - _EPAD
    are = jnp.arange(extra, dtype=jnp.int32)
    srcp = jnp.concatenate([srcp, (are * 131) % _N])
    dstp = jnp.concatenate([dstp, 2 * _HALF + (are & 127)])
    r0 = jnp.where(dstp < _HALF, dstp, _HALF + (dstp & 127))
    t1 = dstp - _HALF
    r1 = jnp.where((t1 >= 0) & (t1 < _HALF), t1, _HALF + (dstp & 127))
    dstp2 = jnp.stack([r0, r1]).reshape(2, _CPAD, _CHUNK)
    k0 = _EPAD - jnp.sum(key)
    fc1 = k0 // _CHUNK
    fc8 = (fc1 // 8) * 8
    nc0 = (k0 + _CHUNK - 1) // _CHUNK
    tch0 = jnp.maximum(8, 8 * ((nc0 + 127) // 128))
    nr1 = 1280 - fc8
    tch1 = jnp.maximum(8, 8 * ((nr1 + 127) // 128))
    meta = jnp.concatenate([
        jnp.full((16,), fc8, jnp.int32),
        jnp.full((16,), tch0, jnp.int32),
        jnp.full((16,), tch1, jnp.int32)]).astype(jnp.int32)
    zeros1 = jnp.zeros((_NPAD,), jnp.float32)
    zerosa = jnp.zeros((_ACCR, 128), jnp.float32)

    def pad_w(w):
        fi, f = w.shape
        out = jnp.zeros((128, 128), jnp.float32)
        return out.at[:fi, :f].set(w)

    def pad_v(v):
        out = jnp.zeros((128,), jnp.float32)
        return out.at[:v.shape[0]].set(v)

    dpart = _degrees(srcd.reshape(-1, _CHUNK), dstd.reshape(-1, _CHUNK),
                     zeros1)
    isq = _isqrt(dpart)
    oi = isq[0, :_N].reshape(_N, 1)
    ii = isq[1, :_N].reshape(_N, 1)

    h1 = _bigk_mm(B, p["ce1_W"], p["ce1_b"])
    h2 = _mm(h1, p["ce2_W"], p["ce2_b"])
    z_a = _mm(h2, p["ce3_W"], p["ce3_b"])
    s1 = _mm(z_a, p["cd1_W"], p["cd1_b"])
    s2 = _mm(s1, p["cd2_W"], p["cd2_b"])

    ws = jnp.stack([pad_w(p["te2_W"]), pad_w(p["te3_W"]), pad_w(p["te4_W"]),
                    pad_w(p["ad1_W"]), pad_w(p["ad2_W"]), pad_w(p["ad3_W"]),
                    pad_w(p["ad4_W"]), pad_w(p["ad4_W"])])
    bsk = jnp.stack([pad_v(p["te1_b"]), pad_v(p["te2_b"]), pad_v(p["te3_b"]),
                     pad_v(p["te4_b"]), pad_v(p["ad1_b"]), pad_v(p["ad2_b"]),
                     pad_v(p["ad3_b"]), pad_v(p["ad4_b"])])
    skips = jnp.zeros((8, _N, 128), jnp.float32)
    skips = skips.at[0].set(h1)
    skips = skips.at[1, :, :64].set(h2)
    skips = skips.at[2, :, :32].set(z_a)

    B_hat = _wide_mm(s2, p["cd3_W"], p["cd3_b"])

    g0 = _pre(x, oi, p["te1_W"])
    zeros_t = jnp.zeros((_N, 128), jnp.float32)

    def body(i, carry):
        g, _, zcap = carry
        m = _scat(g, srcp, dstp2, zerosa, meta)
        w_l = lax.dynamic_index_in_dim(ws, i, keepdims=False)
        b_l = lax.dynamic_index_in_dim(bsk, i, keepdims=False)
        sk_l = lax.dynamic_index_in_dim(skips, i, keepdims=False)
        g2, t = _step(m, ii, b_l, sk_l, oi, w_l)
        zcap = jnp.where(i == 3, t, zcap)
        return (g2, t, zcap)

    _, t_last, z128 = lax.fori_loop(0, 8, body, (g0, zeros_t, zeros_t))
    z = z128[:, :32]
    X_hat = t_last

    A_hat = _zzt(z)
    return (A_hat, X_hat, B_hat, z, z_a)

# --- scband reference (transcript-rebuilt; emitter-appended) ---
"""Pipeline reference for scband-com-ga-base-45466523796169 (READ-ONLY COPY).

The authoritative reference and input builder live on the scoring server;
editing this copy changes nothing except your own understanding.
"""

import jax, jax.numpy as jnp
import numpy as np

N = 10000
F_IN = 128
N1 = 128
N2 = 64
N3 = 32
E = 160000


def _glorot(k, fan_in, fan_out):
    scale = jnp.sqrt(2.0 / (fan_in + fan_out))
    return jax.random.normal(k, (fan_in, fan_out), dtype=jnp.float32) * scale


def setup_inputs(seed: int = 0) -> dict:
    key = jax.random.key(seed)
    ks = jax.random.split(key, 32)
    x = jax.random.normal(ks[0], (N, F_IN), dtype=jnp.float32)
    edge_index = jax.random.randint(ks[1], (2, E), 0, N, dtype=jnp.int32)
    B = jax.random.uniform(ks[2], (N, N), dtype=jnp.float32)
    dims = {
        'ce1': (N, N1), 'ce2': (N1, N2), 'ce3': (N2, N3),
        'cd1': (N3, N2), 'cd2': (N2, N1), 'cd3': (N1, N),
        'te1': (F_IN, N1), 'te2': (N1, N2), 'te3': (N2, N3), 'te4': (N3, N3),
        'ad1': (N3, N3), 'ad2': (N3, N2), 'ad3': (N2, N1), 'ad4': (N1, F_IN),
    }
    params = {}
    i = 3
    for name, (fi, fo) in dims.items():
        params[name + '_W'] = _glorot(ks[i], fi, fo)
        params[name + '_b'] = jnp.zeros((fo,), dtype=jnp.float32)
        i += 1
    return {'x': x, 'edge_index': edge_index, 'B': B, 'params': params}


def _gconv(x, src, dst, W, b, out_deg_isqrt, in_deg_isqrt):
    # DGL GraphConv with norm='both': D_out^{-1/2} A D_in^{-1/2} X W + b, ReLU
    h = x * out_deg_isqrt[:, None]
    h = h @ W
    m = jnp.zeros((N, h.shape[1]), dtype=h.dtype).at[dst].add(h[src])
    m = m * in_deg_isqrt[:, None]
    return jax.nn.relu(m + b)


def reference(x, edge_index, B, params):
    p = params
    src = edge_index[0]
    dst = edge_index[1]
    ones_e = jnp.ones((E,), dtype=jnp.float32)
    out_deg = jnp.clip(jnp.zeros((N,), jnp.float32).at[src].add(ones_e), 1.0, None)
    in_deg = jnp.clip(jnp.zeros((N,), jnp.float32).at[dst].add(ones_e), 1.0, None)
    out_deg_isqrt = out_deg ** -0.5
    in_deg_isqrt = in_deg ** -0.5

    # CommunityAE (dropout=0.0 -> identity)
    h1 = jax.nn.relu(B @ p['ce1_W'] + p['ce1_b'])
    h2 = jax.nn.relu(h1 @ p['ce2_W'] + p['ce2_b'])
    z_a = jax.nn.relu(h2 @ p['ce3_W'] + p['ce3_b'])
    s1 = jax.nn.relu(z_a @ p['cd1_W'] + p['cd1_b'])
    s2 = jax.nn.relu(s1 @ p['cd2_W'] + p['cd2_b'])
    B_hat = jax.nn.sigmoid(s2 @ p['cd3_W'] + p['cd3_b'])

    # tGCNEncoder
    x1 = _gconv(x, src, dst, p['te1_W'], p['te1_b'], out_deg_isqrt, in_deg_isqrt)
    xa = x1 + h1
    x2 = _gconv(xa, src, dst, p['te2_W'], p['te2_b'], out_deg_isqrt, in_deg_isqrt)
    xb = x2 + h2
    x3 = _gconv(xb, src, dst, p['te3_W'], p['te3_b'], out_deg_isqrt, in_deg_isqrt)
    xc = x3 + z_a
    z = _gconv(xc, src, dst, p['te4_W'], p['te4_b'], out_deg_isqrt, in_deg_isqrt)

    # AttrDecoder
    d1 = _gconv(z, src, dst, p['ad1_W'], p['ad1_b'], out_deg_isqrt, in_deg_isqrt)
    d2 = _gconv(d1, src, dst, p['ad2_W'], p['ad2_b'], out_deg_isqrt, in_deg_isqrt)
    d3 = _gconv(d2, src, dst, p['ad3_W'], p['ad3_b'], out_deg_isqrt, in_deg_isqrt)
    X_hat = _gconv(d3, src, dst, p['ad4_W'], p['ad4_b'], out_deg_isqrt, in_deg_isqrt)

    # StruDecoder
    A_hat = jax.nn.sigmoid(z @ z.T)
    return (A_hat, X_hat, B_hat, z, z_a)

if __name__ == "__main__":
    import jax
    _d = setup_inputs()
    print(jax.jit(kernel)(*tuple(_d.values())))

</pallas_src>

<mosaic_0001>
#map = affine_map<(d0, d1) -> (0, 0)>
#map1 = affine_map<(d0, d1) -> (0)>
#map2 = affine_map<(d0, d1) -> (0, 0, 0)>
module attributes {stable_mosaic.version = 14 : i64} {
  func.func @_scat_body(%arg0: i32, %arg1: i32, %arg2: memref<10000x128xf32, #tpu.memory_space<hbm>>, %arg3: memref<190464xi32, #tpu.memory_space<hbm>>, %arg4: memref<2x1488x128xi32, #tpu.memory_space<hbm>>, %arg5: memref<5248x128xf32, #tpu.memory_space<hbm>>, %arg6: memref<48xi32, #tpu.memory_space<hbm>>, %arg7: memref<2x5248x128xf32, #tpu.memory_space<hbm>>, %arg8: memref<11264xi32, #tpu.memory_space<vmem>>, %arg9: memref<88x128xi32, #tpu.memory_space<vmem>>, %arg10: memref<2x128x128xf32, #tpu.memory_space<vmem>>, %arg11: memref<48xi32, #tpu.memory_space<vmem>>, %arg12: memref<!tpu.dma_semaphore, #tpu.memory_space<semaphore_mem>>, %arg13: memref<!tpu.dma_semaphore, #tpu.memory_space<semaphore_mem>>, %arg14: memref<5248x128xf32, #tpu.memory_space<vmem_shared>>) attributes {dimension_semantics = [#tpu.dimension_semantics<core_parallel>, #tpu.dimension_semantics<subcore_parallel>], iteration_bounds = array<i64: 2, 16>, scalar_prefetch = 0 : i64, scratch_operands = 7 : i64, tpu.core_type = #tpu.core_type<sc_vector_subcore>, window_params = [{transform_indices = #map}, {transform_indices = #map1}, {transform_indices = #map2}, {transform_indices = #map}, {transform_indices = #map1}, {transform_indices = #map2}]} {
    %run_scoped3A = arith.constant 0 : i32
    "tpu.region"() ({
      %run_scoped3A_123 = tpu.sem_alloc : memref<!tpu.dma_semaphore, #tpu.memory_space<semaphore_mem>>
      %dma_start3A_124 = arith.constant 0 : i32
      %dma_start3A_125 = arith.constant 0 : i32
      %dma_start3A_126 = tpu.memref_slice %arg10[%run_scoped3A, %dma_start3A_124, %dma_start3A_125] : memref<2x128x128xf32, #tpu.memory_space<vmem>> -> memref<1x128x128xf32, #tpu.memory_space<vmem>>
      %dma_start3A_127 = tpu.memref_squeeze %dma_start3A_126 : memref<1x128x128xf32, #tpu.memory_space<vmem>> -> memref<128x128xf32, #tpu.memory_space<vmem>>
      %dma_start3A_128 = arith.constant 0 : i32
      %dma_start3A_129 = arith.constant 0 : i32
      %dma_start3A_130 = tpu.memref_slice %arg5[%dma_start3A_128, %dma_start3A_129] : memref<5248x128xf32, #tpu.memory_space<hbm>> -> memref<128x128xf32, #tpu.memory_space<hbm>>
      %dma_start3A_131 = arith.constant 0 : i32
      %dma_start3A_132 = arith.constant 0 : i32
      %dma_start3A_133 = tpu.memref_slice %arg10[%run_scoped3A, %dma_start3A_131, %dma_start3A_132] : memref<2x128x128xf32, #tpu.memory_space<vmem>> -> memref<1x128x128xf32, #tpu.memory_space<vmem>>
      %dma_start3A_134 = tpu.memref_squeeze %dma_start3A_133 : memref<1x128x128xf32, #tpu.memory_space<vmem>> -> memref<128x128xf32, #tpu.memory_space<vmem>>
      %dma_start3A_135 = arith.constant 0 : i32
      %dma_start3A_136 = arith.constant 0 : i32
      %dma_start3A_137 = tpu.memref_slice %arg5[%dma_start3A_135, %dma_start3A_136] : memref<5248x128xf32, #tpu.memory_space<hbm>> -> memref<128x128xf32, #tpu.memory_space<hbm>>
      tpu.enqueue_dma source(%dma_start3A_137 : memref<128x128xf32, #tpu.memory_space<hbm>>) target(%dma_start3A_134 : memref<128x128xf32, #tpu.memory_space<vmem>>) target_semaphore(%run_scoped3A_123 : memref<!tpu.dma_semaphore, #tpu.memory_space<semaphore_mem>>)
      %dma_wait3A_138 = arith.constant 0 : i32
      %dma_wait3A_139 = arith.constant 0 : i32
      %dma_wait3A_140 = tpu.memref_slice %arg10[%run_scoped3A, %dma_wait3A_138, %dma_wait3A_139] : memref<2x128x128xf32, #tpu.memory_space<vmem>> -> memref<1x128x128xf32, #tpu.memory_space<vmem>>
      %dma_wait3A_141 = tpu.memref_squeeze %dma_wait3A_140 : memref<1x128x128xf32, #tpu.memory_space<vmem>> -> memref<128x128xf32, #tpu.memory_space<vmem>>
      %dma_wait3A_142 = arith.constant 0 : i32
      %dma_wait3A_143 = arith.constant 0 : i32
      %dma_wait3A_144 = tpu.memref_slice %arg5[%dma_wait3A_142, %dma_wait3A_143] : memref<5248x128xf32, #tpu.memory_space<hbm>> -> memref<128x128xf32, #tpu.memory_space<hbm>>
      %dma_wait3A_145 = arith.constant 0 : i32
      %dma_wait3A_146 = arith.constant 0 : i32
      %dma_wait3A_147 = tpu.memref_slice %arg10[%run_scoped3A, %dma_wait3A_145, %dma_wait3A_146] : memref<2x128x128xf32, #tpu.memory_space<vmem>> -> memref<1x128x128xf32, #tpu.memory_space<vmem>>
      %dma_wait3A_148 = tpu.memref_squeeze %dma_wait3A_147 : memref<1x128x128xf32, #tpu.memory_space<vmem>> -> memref<128x128xf32, #tpu.memory_space<vmem>>
      %dma_wait3A_149 = arith.constant 0 : i32
      %dma_wait3A_150 = arith.constant 0 : i32
      %dma_wait3A_151 = tpu.memref_slice %arg5[%dma_wait3A_149, %dma_wait3A_150] : memref<5248x128xf32, #tpu.memory_space<hbm>> -> memref<128x128xf32, #tpu.memory_space<hbm>>
      tpu.wait_dma2 semaphore(%run_scoped3A_123 : memref<!tpu.dma_semaphore, #tpu.memory_space<semaphore_mem>>) src(%dma_wait3A_151 : memref<128x128xf32, #tpu.memory_space<hbm>>) dst(%dma_wait3A_148 : memref<128x128xf32, #tpu.memory_space<vmem>>)
      tpu.yield
    }) : () -> ()
    %mul3A = arith.constant 328 : i32
    %mul3A_0 = arith.muli %arg1, %mul3A : i32
    %run_scoped3A_1 = arith.constant 0 : i32
    "tpu.region"() ({
      %run_scoped3A_123 = tpu.sem_alloc : memref<!tpu.dma_semaphore, #tpu.memory_space<semaphore_mem>>
      %dma_start3A_124 = arith.constant 0 : i32
      %dma_start3A_125 = arith.constant 0 : i32
      %dma_start3A_126 = tpu.memref_slice %arg10[%run_scoped3A_1, %dma_start3A_124, %dma_start3A_125] : memref<2x128x128xf32, #tpu.memory_space<vmem>> -> memref<1x128x128xf32, #tpu.memory_space<vmem>>
      %dma_start3A_127 = tpu.memref_squeeze %dma_start3A_126 : memref<1x128x128xf32, #tpu.memory_space<vmem>> -> memref<128x128xf32, #tpu.memory_space<vmem>>
      %dma_start3A_128 = arith.constant 0 : i32
      %dma_start3A_129 = tpu.memref_slice %arg14[%mul3A_0, %dma_start3A_128] : memref<5248x128xf32, #tpu.memory_space<vmem_shared>> -> memref<128x128xf32, #tpu.memory_space<vmem_shared>>
      %dma_start3A_130 = arith.constant 0 : i32
      %dma_start3A_131 = tpu.memref_slice %arg14[%mul3A_0, %dma_start3A_130] : memref<5248x128xf32, #tpu.memory_space<vmem_shared>> -> memref<128x128xf32, #tpu.memory_space<vmem_shared>>
      %dma_start3A_132 = arith.constant 0 : i32
      %dma_start3A_133 = arith.constant 0 : i32
      %dma_start3A_134 = tpu.memref_slice %arg10[%run_scoped3A_1, %dma_start3A_132, %dma_start3A_133] : memref<2x128x128xf32, #tpu.memory_space<vmem>> -> memref<1x128x128xf32, #tpu.memory_space<vmem>>
      %dma_start3A_135 = tpu.memref_squeeze %dma_start3A_134 : memref<1x128x128xf32, #tpu.memory_space<vmem>> -> memref<128x128xf32, #tpu.memory_space<vmem>>
      tpu.enqueue_dma source(%dma_start3A_135 : memref<128x128xf32, #tpu.memory_space<vmem>>) target(%dma_start3A_131 : memref<128x128xf32, #tpu.memory_space<vmem_shared>>) target_semaphore(%run_scoped3A_123 : memref<!tpu.dma_semaphore, #tpu.memory_space<semaphore_mem>>)
      %dma_wait3A_136 = arith.constant 0 : i32
      %dma_wait3A_137 = arith.constant 0 : i32
      %dma_wait3A_138 = tpu.memref_slice %arg10[%run_scoped3A_1, %dma_wait3A_136, %dma_wait3A_137] : memref<2x128x128xf32, #tpu.memory_space<vmem>> -> memref<1x128x128xf32, #tpu.memory_space<vmem>>
      %dma_wait3A_139 = tpu.memref_squeeze %dma_wait3A_138 : memref<1x128x128xf32, #tpu.memory_space<vmem>> -> memref<128x128xf32, #tpu.memory_space<vmem>>
      %dma_wait3A_140 = arith.constant 0 : i32
      %dma_wait3A_141 = tpu.memref_slice %arg14[%mul3A_0, %dma_wait3A_140] : memref<5248x128xf32, #tpu.memory_space<vmem_shared>> -> memref<128x128xf32, #tpu.memory_space<vmem_shared>>
      %dma_wait3A_142 = arith.constant 0 : i32
      %dma_wait3A_143 = tpu.memref_slice %arg14[%mul3A_0, %dma_wait3A_142] : memref<5248x128xf32, #tpu.memory_space<vmem_shared>> -> memref<128x128xf32, #tpu.memory_space<vmem_shared>>
      %dma_wait3A_144 = arith.constant 0 : i32
      %dma_wait3A_145 = arith.constant 0 : i32
      %dma_wait3A_146 = tpu.memref_slice %arg10[%run_scoped3A_1, %dma_wait3A_144, %dma_wait3A_145] : memref<2x128x128xf32, #tpu.memory_space<vmem>> -> memref<1x128x128xf32, #tpu.memory_space<vmem>>
      %dma_wait3A_147 = tpu.memref_squeeze %dma_wait3A_146 : memref<1x128x128xf32, #tpu.memory_space<vmem>> -> memref<128x128xf32, #tpu.memory_space<vmem>>
      tpu.wait_dma2 semaphore(%run_scoped3A_123 : memref<!tpu.dma_semaphore, #tpu.memory_space<semaphore_mem>>) src(%dma_wait3A_147 : memref<128x128xf32, #tpu.memory_space<vmem>>) dst(%dma_wait3A_143 : memref<128x128xf32, #tpu.memory_space<vmem_shared>>)
      tpu.yield
    }) : () -> ()
    %add3A = arith.constant 128 : i32
    %add3A_2 = arith.addi %mul3A_0, %add3A : i32
    %run_scoped3A_3 = arith.constant 0 : i32
    "tpu.region"() ({
      %run_scoped3A_123 = tpu.sem_alloc : memref<!tpu.dma_semaphore, #tpu.memory_space<semaphore_mem>>
      %dma_start3A_124 = arith.constant 0 : i32
      %dma_start3A_125 = arith.constant 0 : i32
      %dma_start3A_126 = tpu.memref_slice %arg10[%run_scoped3A_3, %dma_start3A_124, %dma_start3A_125] : memref<2x128x128xf32, #tpu.memory_space<vmem>> -> memref<1x128x128xf32, #tpu.memory_space<vmem>>
      %dma_start3A_127 = tpu.memref_squeeze %dma_start3A_126 : memref<1x128x128xf32, #tpu.memory_space<vmem>> -> memref<128x128xf32, #tpu.memory_space<vmem>>
      %dma_start3A_128 = arith.constant 0 : i32
      %dma_start3A_129 = tpu.memref_slice %arg14[%add3A_2, %dma_start3A_128] : memref<5248x128xf32, #tpu.memory_space<vmem_shared>> -> memref<128x128xf32, #tpu.memory_space<vmem_shared>>
      %dma_start3A_130 = arith.constant 0 : i32
      %dma_start3A_131 = tpu.memref_slice %arg14[%add3A_2, %dma_start3A_130] : memref<5248x128xf32, #tpu.memory_space<vmem_shared>> -> memref<128x128xf32, #tpu.memory_space<vmem_shared>>
      %dma_start3A_132 = arith.constant 0 : i32
      %dma_start3A_133 = arith.constant 0 : i32
      %dma_start3A_134 = tpu.memref_slice %arg10[%run_scoped3A_3, %dma_start3A_132, %dma_start3A_133] : memref<2x128x128xf32, #tpu.memory_space<vmem>> -> memref<1x128x128xf32, #tpu.memory_space<vmem>>
      %dma_start3A_135 = tpu.memref_squeeze %dma_start3A_134 : memref<1x128x128xf32, #tpu.memory_space<vmem>> -> memref<128x128xf32, #tpu.memory_space<vmem>>
      tpu.enqueue_dma source(%dma_start3A_135 : memref<128x128xf32, #tpu.memory_space<vmem>>) target(%dma_start3A_131 : memref<128x128xf32, #tpu.memory_space<vmem_shared>>) target_semaphore(%run_scoped3A_123 : memref<!tpu.dma_semaphore, #tpu.memory_space<semaphore_mem>>)
      %dma_wait3A_136 = arith.constant 0 : i32
      %dma_wait3A_137 = arith.constant 0 : i32
      %dma_wait3A_138 = tpu.memref_slice %arg10[%run_scoped3A_3, %dma_wait3A_136, %dma_wait3A_137] : memref<2x128x128xf32, #tpu.memory_space<vmem>> -> memref<1x128x128xf32, #tpu.memory_space<vmem>>
      %dma_wait3A_139 = tpu.memref_squeeze %dma_wait3A_138 : memref<1x128x128xf32, #tpu.memory_space<vmem>> -> memref<128x128xf32, #tpu.memory_space<vmem>>
      %dma_wait3A_140 = arith.constant 0 : i32
      %dma_wait3A_141 = tpu.memref_slice %arg14[%add3A_2, %dma_wait3A_140] : memref<5248x128xf32, #tpu.memory_space<vmem_shared>> -> memref<128x128xf32, #tpu.memory_space<vmem_shared>>
      %dma_wait3A_142 = arith.constant 0 : i32
      %dma_wait3A_143 = tpu.memref_slice %arg14[%add3A_2, %dma_wait3A_142] : memref<5248x128xf32, #tpu.memory_space<vmem_shared>> -> memref<128x128xf32, #tpu.memory_space<vmem_shared>>
      %dma_wait3A_144 = arith.constant 0 : i32
      %dma_wait3A_145 = arith.constant 0 : i32
      %dma_wait3A_146 = tpu.memref_slice %arg10[%run_scoped3A_3, %dma_wait3A_144, %dma_wait3A_145] : memref<2x128x128xf32, #tpu.memory_space<vmem>> -> memref<1x128x128xf32, #tpu.memory_space<vmem>>
      %dma_wait3A_147 = tpu.memref_squeeze %dma_wait3A_146 : memref<1x128x128xf32, #tpu.memory_space<vmem>> -> memref<128x128xf32, #tpu.memory_space<vmem>>
      tpu.wait_dma2 semaphore(%run_scoped3A_123 : memref<!tpu.dma_semaphore, #tpu.memory_space<semaphore_mem>>) src(%dma_wait3A_147 : memref<128x128xf32, #tpu.memory_space<vmem>>) dst(%dma_wait3A_143 : memref<128x128xf32, #tpu.memory_space<vmem_shared>>)
      tpu.yield
    }) : () -> ()
    %add3A_4 = arith.constant 256 : i32
    %add3A_5 = arith.addi %mul3A_0, %add3A_4 : i32
    %run_scoped3A_6 = arith.constant 0 : i32
    "tpu.region"() ({
      %run_scoped3A_123 = tpu.sem_alloc : memref<!tpu.dma_semaphore, #tpu.memory_space<semaphore_mem>>
      %dma_start3A_124 = arith.constant 0 : i32
      %dma_start3A_125 = arith.constant 0 : i32
      %dma_start3A_126 = tpu.memref_slice %arg10[%run_scoped3A_6, %dma_start3A_124, %dma_start3A_125] : memref<2x128x128xf32, #tpu.memory_space<vmem>> -> memref<1x72x128xf32, #tpu.memory_space<vmem>>
      %dma_start3A_127 = tpu.memref_squeeze %dma_start3A_126 : memref<1x72x128xf32, #tpu.memory_space<vmem>> -> memref<72x128xf32, #tpu.memory_space<vmem>>
      %dma_start3A_128 = arith.constant 0 : i32
      %dma_start3A_129 = tpu.memref_slice %arg14[%add3A_5, %dma_start3A_128] : memref<5248x128xf32, #tpu.memory_space<vmem_shared>> -> memref<72x128xf32, #tpu.memory_space<vmem_shared>>
      %dma_start3A_130 = arith.constant 0 : i32
      %dma_start3A_131 = tpu.memref_slice %arg14[%add3A_5, %dma_start3A_130] : memref<5248x128xf32, #tpu.memory_space<vmem_shared>> -> memref<72x128xf32, #tpu.memory_space<vmem_shared>>
      %dma_start3A_132 = arith.constant 0 : i32
      %dma_start3A_133 = arith.constant 0 : i32
      %dma_start3A_134 = tpu.memref_slice %arg10[%run_scoped3A_6, %dma_start3A_132, %dma_start3A_133] : memref<2x128x128xf32, #tpu.memory_space<vmem>> -> memref<1x72x128xf32, #tpu.memory_space<vmem>>
      %dma_start3A_135 = tpu.memref_squeeze %dma_start3A_134 : memref<1x72x128xf32, #tpu.memory_space<vmem>> -> memref<72x128xf32, #tpu.memory_space<vmem>>
      tpu.enqueue_dma source(%dma_start3A_135 : memref<72x128xf32, #tpu.memory_space<vmem>>) target(%dma_start3A_131 : memref<72x128xf32, #tpu.memory_space<vmem_shared>>) target_semaphore(%run_scoped3A_123 : memref<!tpu.dma_semaphore, #tpu.memory_space<semaphore_mem>>)
      %dma_wait3A_136 = arith.constant 0 : i32
      %dma_wait3A_137 = arith.constant 0 : i32
      %dma_wait3A_138 = tpu.memref_slice %arg10[%run_scoped3A_6, %dma_wait3A_136, %dma_wait3A_137] : memref<2x128x128xf32, #tpu.memory_space<vmem>> -> memref<1x72x128xf32, #tpu.memory_space<vmem>>
      %dma_wait3A_139 = tpu.memref_squeeze %dma_wait3A_138 : memref<1x72x128xf32, #tpu.memory_space<vmem>> -> memref<72x128xf32, #tpu.memory_space<vmem>>
      %dma_wait3A_140 = arith.constant 0 : i32
      %dma_wait3A_141 = tpu.memref_slice %arg14[%add3A_5, %dma_wait3A_140] : memref<5248x128xf32, #tpu.memory_space<vmem_shared>> -> memref<72x128xf32, #tpu.memory_space<vmem_shared>>
      %dma_wait3A_142 = arith.constant 0 : i32
      %dma_wait3A_143 = tpu.memref_slice %arg14[%add3A_5, %dma_wait3A_142] : memref<5248x128xf32, #tpu.memory_space<vmem_shared>> -> memref<72x128xf32, #tpu.memory_space<vmem_shared>>
      %dma_wait3A_144 = arith.constant 0 : i32
      %dma_wait3A_145 = arith.constant 0 : i32
      %dma_wait3A_146 = tpu.memref_slice %arg10[%run_scoped3A_6, %dma_wait3A_144, %dma_wait3A_145] : memref<2x128x128xf32, #tpu.memory_space<vmem>> -> memref<1x72x128xf32, #tpu.memory_space<vmem>>
      %dma_wait3A_147 = tpu.memref_squeeze %dma_wait3A_146 : memref<1x72x128xf32, #tpu.memory_space<vmem>> -> memref<72x128xf32, #tpu.memory_space<vmem>>
      tpu.wait_dma2 semaphore(%run_scoped3A_123 : memref<!tpu.dma_semaphore, #tpu.memory_space<semaphore_mem>>) src(%dma_wait3A_147 : memref<72x128xf32, #tpu.memory_space<vmem>>) dst(%dma_wait3A_143 : memref<72x128xf32, #tpu.memory_space<vmem_shared>>)
      tpu.yield
    }) : () -> ()
    "tpu.region"() ({
      %run_scoped3A_123 = tpu.sem_alloc : memref<!tpu.dma_semaphore, #tpu.memory_space<semaphore_mem>>
      tpu.enqueue_dma source(%arg6 : memref<48xi32, #tpu.memory_space<hbm>>) target(%arg11 : memref<48xi32, #tpu.memory_space<vmem>>) target_semaphore(%run_scoped3A_123 : memref<!tpu.dma_semaphore, #tpu.memory_space<semaphore_mem>>)
      tpu.wait_dma2 semaphore(%run_scoped3A_123 : memref<!tpu.dma_semaphore, #tpu.memory_space<semaphore_mem>>) src(%arg6 : memref<48xi32, #tpu.memory_space<hbm>>) dst(%arg11 : memref<48xi32, #tpu.memory_space<vmem>>)
      tpu.yield
    }) : () -> ()
    %get3A = arith.constant 0 : index
    %get3A_7 = tpu.vector_load %arg11[%get3A] {strides = array<i32>} : memref<48xi32, #tpu.memory_space<vmem>>, vector<16xi32>,
    %reduce_max3A = arith.constant true
    %reduce_max3A_8 = vector.broadcast %reduce_max3A : i1 to vector<16xi1>
    %reduce_max3A_9 = arith.constant -2147483648 : i32
    %reduce_max3A_10 = vector.broadcast %reduce_max3A_9 : i32 to vector<16xi32>
    %reduce_max3A_11 = arith.xori %get3A_7, %reduce_max3A_10 : vector<16xi32>
    %reduce_max3A_12 = tpu.scan <max>, %reduce_max3A_11 masked %reduce_max3A_8 : vector<16xi32>, vector<16xi1> -> vector<16xi32>
    %reduce_max3A_13 = arith.xori %reduce_max3A_12, %reduce_max3A_10 : vector<16xi32>
    %reduce_max3A_14 = vector.extract %reduce_max3A_13[15] : i32 from vector<16xi32>
    %get3A_15 = arith.constant 16 : index
    %get3A_16 = tpu.vector_load %arg11[%get3A_15] {strides = array<i32>} : memref<48xi32, #tpu.memory_space<vmem>>, vector<16xi32>,
    %reduce_max3A_17 = arith.constant true
    %reduce_max3A_18 = vector.broadcast %reduce_max3A_17 : i1 to vector<16xi1>
    %reduce_max3A_19 = arith.constant -2147483648 : i32
    %reduce_max3A_20 = vector.broadcast %reduce_max3A_19 : i32 to vector<16xi32>
    %reduce_max3A_21 = arith.xori %get3A_16, %reduce_max3A_20 : vector<16xi32>
    %reduce_max3A_22 = tpu.scan <max>, %reduce_max3A_21 masked %reduce_max3A_18 : vector<16xi32>, vector<16xi1> -> vector<16xi32>
    %reduce_max3A_23 = arith.xori %reduce_max3A_22, %reduce_max3A_20 : vector<16xi32>
    %reduce_max3A_24 = vector.extract %reduce_max3A_23[15] : i32 from vector<16xi32>
    %get3A_25 = arith.constant 32 : index
    %get3A_26 = tpu.vector_load %arg11[%get3A_25] {strides = array<i32>} : memref<48xi32, #tpu.memory_space<vmem>>, vector<16xi32>,
    %reduce_max3A_27 = arith.constant true
    %reduce_max3A_28 = vector.broadcast %reduce_max3A_27 : i1 to vector<16xi1>
    %reduce_max3A_29 = arith.constant -2147483648 : i32
    %reduce_max3A_30 = vector.broadcast %reduce_max3A_29 : i32 to vector<16xi32>
    %reduce_max3A_31 = arith.xori %get3A_26, %reduce_max3A_30 : vector<16xi32>
    %reduce_max3A_32 = tpu.scan <max>, %reduce_max3A_31 masked %reduce_max3A_28 : vector<16xi32>, vector<16xi1> -> vector<16xi32>
    %reduce_max3A_33 = arith.xori %reduce_max3A_32, %reduce_max3A_30 : vector<16xi32>
    %reduce_max3A_34 = vector.extract %reduce_max3A_33[15] : i32 from vector<16xi32>
    %eq3A = arith.constant 0 : i32
    %eq3A_35 = arith.cmpi eq, %arg0, %eq3A : i32
    %select_n3A = arith.select %eq3A_35, %reduce_max3A_24, %reduce_max3A_34 : i32
    %eq3A_36 = arith.constant 0 : i32
    %eq3A_37 = arith.cmpi eq, %arg0, %eq3A_36 : i32
    %jit3A = arith.constant 0 : i32
    %select_n3A_38 = arith.select %eq3A_37, %jit3A, %reduce_max3A_14 : i32
    %mul3A_39 = arith.muli %arg1, %select_n3A : i32
    %add3A_40 = arith.addi %select_n3A_38, %mul3A_39 : i32
    %multiple_of3A = tpu.assume_multiple %add3A_40, 8 : i32
    %mul3A_41 = arith.constant 128 : i32
    %mul3A_42 = arith.muli %multiple_of3A, %mul3A_41 : i32
    "tpu.region"() ({
      %run_scoped3A_123 = tpu.sem_alloc : memref<!tpu.dma_semaphore, #tpu.memory_space<semaphore_mem>>
      %dma_start3A_124 = tpu.memref_slice %arg3[%mul3A_42] : memref<190464xi32, #tpu.memory_space<hbm>> -> memref<11264xi32, #tpu.memory_space<hbm>>
      %dma_start3A_125 = tpu.memref_slice %arg3[%mul3A_42] : memref<190464xi32, #tpu.memory_space<hbm>> -> memref<11264xi32, #tpu.memory_space<hbm>>
      tpu.enqueue_dma source(%dma_start3A_125 : memref<11264xi32, #tpu.memory_space<hbm>>) target(%arg8 : memref<11264xi32, #tpu.memory_space<vmem>>) target_semaphore(%run_scoped3A_123 : memref<!tpu.dma_semaphore, #tpu.memory_space<semaphore_mem>>)
      %dma_wait3A_126 = tpu.memref_slice %arg3[%mul3A_42] : memref<190464xi32, #tpu.memory_space<hbm>> -> memref<11264xi32, #tpu.memory_space<hbm>>
      %dma_wait3A_127 = tpu.memref_slice %arg3[%mul3A_42] : memref<190464xi32, #tpu.memory_space<hbm>> -> memref<11264xi32, #tpu.memory_space<hbm>>
      tpu.wait_dma2 semaphore(%run_scoped3A_123 : memref<!tpu.dma_semaphore, #tpu.memory_space<semaphore_mem>>) src(%dma_wait3A_127 : memref<11264xi32, #tpu.memory_space<hbm>>) dst(%arg8 : memref<11264xi32, #tpu.memory_space<vmem>>)
      tpu.yield
    }) : () -> ()
    "tpu.region"() ({
      %run_scoped3A_123 = tpu.sem_alloc : memref<!tpu.dma_semaphore, #tpu.memory_space<semaphore_mem>>
      %dma_start3A_124 = arith.constant 0 : i32
      %dma_start3A_125 = tpu.memref_slice %arg4[%arg0, %multiple_of3A, %dma_start3A_124] : memref<2x1488x128xi32, #tpu.memory_space<hbm>> -> memref<1x88x128xi32, #tpu.memory_space<hbm>>
      %dma_start3A_126 = tpu.memref_squeeze %dma_start3A_125 : memref<1x88x128xi32, #tpu.memory_space<hbm>> -> memref<88x128xi32, #tpu.memory_space<hbm>>
      %dma_start3A_127 = arith.constant 0 : i32
      %dma_start3A_128 = tpu.memref_slice %arg4[%arg0, %multiple_of3A, %dma_start3A_127] : memref<2x1488x128xi32, #tpu.memory_space<hbm>> -> memref<1x88x128xi32, #tpu.memory_space<hbm>>
      %dma_start3A_129 = tpu.memref_squeeze %dma_start3A_128 : memref<1x88x128xi32, #tpu.memory_space<hbm>> -> memref<88x128xi32, #tpu.memory_space<hbm>>
      tpu.enqueue_dma source(%dma_start3A_129 : memref<88x128xi32, #tpu.memory_space<hbm>>) target(%arg9 : memref<88x128xi32, #tpu.memory_space<vmem>>) target_semaphore(%run_scoped3A_123 : memref<!tpu.dma_semaphore, #tpu.memory_space<semaphore_mem>>)
      %dma_wait3A_130 = arith.constant 0 : i32
      %dma_wait3A_131 = tpu.memref_slice %arg4[%arg0, %multiple_of3A, %dma_wait3A_130] : memref<2x1488x128xi32, #tpu.memory_space<hbm>> -> memref<1x88x128xi32, #tpu.memory_space<hbm>>
      %dma_wait3A_132 = tpu.memref_squeeze %dma_wait3A_131 : memref<1x88x128xi32, #tpu.memory_space<hbm>> -> memref<88x128xi32, #tpu.memory_space<hbm>>
      %dma_wait3A_133 = arith.constant 0 : i32
      %dma_wait3A_134 = tpu.memref_slice %arg4[%arg0, %multiple_of3A, %dma_wait3A_133] : memref<2x1488x128xi32, #tpu.memory_space<hbm>> -> memref<1x88x128xi32, #tpu.memory_space<hbm>>
      %dma_wait3A_135 = tpu.memref_squeeze %dma_wait3A_134 : memref<1x88x128xi32, #tpu.memory_space<hbm>> -> memref<88x128xi32, #tpu.memory_space<hbm>>
      tpu.wait_dma2 semaphore(%run_scoped3A_123 : memref<!tpu.dma_semaphore, #tpu.memory_space<semaphore_mem>>) src(%dma_wait3A_135 : memref<88x128xi32, #tpu.memory_space<hbm>>) dst(%arg9 : memref<88x128xi32, #tpu.memory_space<vmem>>)
      tpu.yield
    }) : () -> ()
    %barrier3A = arith.constant 0 : index
    tpu.barrier barrier_id(%barrier3A)
    %dma_start3A = arith.constant 0 : i32
    %dma_start3A_43 = arith.constant 0 : i32
    %dma_start3A_44 = arith.constant 0 : i32
    %dma_start3A_45 = tpu.memref_slice %arg10[%dma_start3A, %dma_start3A_43, %dma_start3A_44] : memref<2x128x128xf32, #tpu.memory_space<vmem>> -> memref<1x128x128xf32, #tpu.memory_space<vmem>>
    %dma_start3A_46 = tpu.memref_squeeze %dma_start3A_45 : memref<1x128x128xf32, #tpu.memory_space<vmem>> -> memref<128x128xf32, #tpu.memory_space<vmem>>
    %dma_start3A_47 = arith.constant 0 : i32
    %dma_start3A_48 = tpu.memref_slice %arg8[%dma_start3A_47] : memref<11264xi32, #tpu.memory_space<vmem>> -> memref<128xi32, #tpu.memory_space<vmem>>
    %dma_start3A_49 = arith.constant 0 : i32
    %dma_start3A_50 = arith.constant 0 : i32
    %dma_start3A_51 = tpu.memref_slice %arg2[%dma_start3A_49, %dma_start3A_50] : memref<10000x128xf32, #tpu.memory_space<hbm>> -> memref<10000x128xf32, #tpu.memory_space<hbm>>
    tpu.enqueue_indirect_dma source(%dma_start3A_51 : memref<10000x128xf32, #tpu.memory_space<hbm>>) target(%dma_start3A_46 : memref<128x128xf32, #tpu.memory_space<vmem>>) offsets(%dma_start3A_48 : memref<128xi32, #tpu.memory_space<vmem>>) semaphore(%arg12 : memref<!tpu.dma_semaphore, #tpu.memory_space<semaphore_mem>>)
    %dma_start3A_52 = arith.constant 1 : i32
    %dma_start3A_53 = arith.constant 0 : i32
    %dma_start3A_54 = arith.constant 0 : i32
    %dma_start3A_55 = tpu.memref_slice %arg10[%dma_start3A_52, %dma_start3A_53, %dma_start3A_54] : memref<2x128x128xf32, #tpu.memory_space<vmem>> -> memref<1x128x128xf32, #tpu.memory_space<vmem>>
    %dma_start3A_56 = tpu.memref_squeeze %dma_start3A_55 : memref<1x128x128xf32, #tpu.memory_space<vmem>> -> memref<128x128xf32, #tpu.memory_space<vmem>>
    %dma_start3A_57 = arith.constant 128 : i32
    %dma_start3A_58 = tpu.memref_slice %arg8[%dma_start3A_57] : memref<11264xi32, #tpu.memory_space<vmem>> -> memref<128xi32, #tpu.memory_space<vmem>>
    %dma_start3A_59 = arith.constant 0 : i32
    %dma_start3A_60 = arith.constant 0 : i32
    %dma_start3A_61 = tpu.memref_slice %arg2[%dma_start3A_59, %dma_start3A_60] : memref<10000x128xf32, #tpu.memory_space<hbm>> -> memref<10000x128xf32, #tpu.memory_space<hbm>>
    tpu.enqueue_indirect_dma source(%dma_start3A_61 : memref<10000x128xf32, #tpu.memory_space<hbm>>) target(%dma_start3A_56 : memref<128x128xf32, #tpu.memory_space<vmem>>) offsets(%dma_start3A_58 : memref<128xi32, #tpu.memory_space<vmem>>) semaphore(%arg13 : memref<!tpu.dma_semaphore, #tpu.memory_space<semaphore_mem>>)
    %jit3A_62 = arith.constant 2 : i32
    %div3A = arith.divsi %select_n3A, %jit3A_62 : i32
    %sign3A = arith.constant 0 : i32
    %sign3A_63 = arith.cmpi sgt, %select_n3A, %sign3A : i32
    %sign3A_64 = arith.extui %sign3A_63 : i1 to i32
    %sign3A_65 = arith.constant 0 : i32
    %sign3A_66 = arith.cmpi slt, %select_n3A, %sign3A_65 : i32
    %sign3A_67 = arith.extui %sign3A_66 : i1 to i32
    %sign3A_68 = arith.subi %sign3A_64, %sign3A_67 : i32
    %sign3A_69 = arith.constant 0 : i32
    %sign3A_70 = arith.cmpi sgt, %jit3A_62, %sign3A_69 : i32
    %sign3A_71 = arith.extui %sign3A_70 : i1 to i32
    %sign3A_72 = arith.constant 0 : i32
    %sign3A_73 = arith.cmpi slt, %jit3A_62, %sign3A_72 : i32
    %sign3A_74 = arith.extui %sign3A_73 : i1 to i32
    %sign3A_75 = arith.subi %sign3A_71, %sign3A_74 : i32
    %ne3A = arith.cmpi ne, %sign3A_68, %sign3A_75 : i32
    %rem3A = arith.remsi %select_n3A, %jit3A_62 : i32
    %ne3A_76 = arith.constant 0 : i32
    %ne3A_77 = arith.cmpi ne, %rem3A, %ne3A_76 : i32
    %and3A = arith.andi %ne3A, %ne3A_77 : i1
    %sub3A = arith.constant 1 : i32
    %sub3A_78 = arith.subi %div3A, %sub3A : i32
    %select_n3A_79 = arith.select %and3A, %sub3A_78, %div3A : i32
    %while3A = arith.constant 0 : i32
    %while3A_80 = arith.constant 0 : i32
    %while3A_81 = arith.subi %select_n3A_79, %while3A_80 : i32
    %while3A_82 = arith.addi %while3A_80, %while3A_81 : i32
    %while3A_83 = arith.constant 1 : i32
    %while3A_84 = arith.divsi %while3A_81, %while3A_83 : i32
    %while3A_85 = arith.muli %while3A_84, %while3A_83 : i32
    %while3A_86 = arith.addi %while3A_80, %while3A_85 : i32
    %while3A_87 = arith.constant 1 : i32
    scf.for %while3A_123 = %while3A_80 to %while3A_86 step %while3A_87  : i32 {
      %mul3A_124 = arith.constant 2 : i32
      %mul3A_125 = arith.muli %mul3A_124, %while3A_123 : i32
      %add3A_126 = arith.constant 0 : i32
      %add3A_127 = arith.addi %mul3A_125, %add3A_126 : i32
      %mul3A_128 = arith.constant 128 : i32
      %mul3A_129 = arith.muli %add3A_127, %mul3A_128 : i32
      %dma_wait3A_130 = arith.constant 0 : i32
      %dma_wait3A_131 = arith.constant 0 : i32
      %dma_wait3A_132 = arith.constant 0 : i32
      %dma_wait3A_133 = tpu.memref_slice %arg10[%dma_wait3A_130, %dma_wait3A_131, %dma_wait3A_132] : memref<2x128x128xf32, #tpu.memory_space<vmem>> -> memref<1x128x128xf32, #tpu.memory_space<vmem>>
      %dma_wait3A_134 = tpu.memref_squeeze %dma_wait3A_133 : memref<1x128x128xf32, #tpu.memory_space<vmem>> -> memref<128x128xf32, #tpu.memory_space<vmem>>
      %dma_wait3A_135 = tpu.memref_slice %arg8[%mul3A_129] : memref<11264xi32, #tpu.memory_space<vmem>> -> memref<128xi32, #tpu.memory_space<vmem>>
      %dma_wait3A_136 = arith.constant 0 : i32
      %dma_wait3A_137 = arith.constant 0 : i32
      %dma_wait3A_138 = tpu.memref_slice %arg2[%dma_wait3A_136, %dma_wait3A_137] : memref<10000x128xf32, #tpu.memory_space<hbm>> -> memref<10000x128xf32, #tpu.memory_space<hbm>>
      tpu.wait_indirect_dma semaphore(%arg12 : memref<!tpu.dma_semaphore, #tpu.memory_space<semaphore_mem>>) src(%dma_wait3A_138 : memref<10000x128xf32, #tpu.memory_space<hbm>>) dst(%dma_wait3A_134 : memref<128x128xf32, #tpu.memory_space<vmem>>)
      %run_scoped3A_139 = arith.constant 0 : i32
      "tpu.region"() ({
        %run_scoped3A_184 = tpu.sem_alloc : memref<!tpu.dma_semaphore, #tpu.memory_space<semaphore_mem>>
        %dma_start3A_185 = arith.constant 0 : i32
        %dma_start3A_186 = arith.constant 0 : i32
        %dma_start3A_187 = tpu.memref_slice %arg10[%run_scoped3A_139, %dma_start3A_185, %dma_start3A_186] : memref<2x128x128xf32, #tpu.memory_space<vmem>> -> memref<1x128x128xf32, #tpu.memory_space<vmem>>
        %dma_start3A_188 = tpu.memref_squeeze %dma_start3A_187 : memref<1x128x128xf32, #tpu.memory_space<vmem>> -> memref<128x128xf32, #tpu.memory_space<vmem>>
        %dma_start3A_189 = arith.constant 0 : i32
        %dma_start3A_190 = tpu.memref_slice %arg9[%add3A_127, %dma_start3A_189] : memref<88x128xi32, #tpu.memory_space<vmem>> -> memref<1x128xi32, #tpu.memory_space<vmem>>
        %dma_start3A_191 = tpu.memref_squeeze %dma_start3A_190 : memref<1x128xi32, #tpu.memory_space<vmem>> -> memref<128xi32, #tpu.memory_space<vmem>>
        %dma_start3A_192 = arith.constant 0 : i32
        %dma_start3A_193 = arith.constant 0 : i32
        %dma_start3A_194 = tpu.memref_slice %arg14[%dma_start3A_192, %dma_start3A_193] : memref<5248x128xf32, #tpu.memory_space<vmem_shared>> -> memref<5248x128xf32, #tpu.memory_space<vmem_shared>>
        tpu.enqueue_indirect_dma source(%dma_start3A_188 : memref<128x128xf32, #tpu.memory_space<vmem>>) target(%dma_start3A_194 : memref<5248x128xf32, #tpu.memory_space<vmem_shared>>) offsets(%dma_start3A_191 : memref<128xi32, #tpu.memory_space<vmem>>) semaphore(%run_scoped3A_184 : memref<!tpu.dma_semaphore, #tpu.memory_space<semaphore_mem>>) {add = true}
        %dma_wait3A_195 = arith.constant 0 : i32
        %dma_wait3A_196 = arith.constant 0 : i32
        %dma_wait3A_197 = tpu.memref_slice %arg10[%run_scoped3A_139, %dma_wait3A_195, %dma_wait3A_196] : memref<2x128x128xf32, #tpu.memory_space<vmem>> -> memref<1x128x128xf32, #tpu.memory_space<vmem>>
        %dma_wait3A_198 = tpu.memref_squeeze %dma_wait3A_197 : memref<1x128x128xf32, #tpu.memory_space<vmem>> -> memref<128x128xf32, #tpu.memory_space<vmem>>
        %dma_wait3A_199 = arith.constant 0 : i32
        %dma_wait3A_200 = tpu.memref_slice %arg9[%add3A_127, %dma_wait3A_199] : memref<88x128xi32, #tpu.memory_space<vmem>> -> memref<1x128xi32, #tpu.memory_space<vmem>>
        %dma_wait3A_201 = tpu.memref_squeeze %dma_wait3A_200 : memref<1x128xi32, #tpu.memory_space<vmem>> -> memref<128xi32, #tpu.memory_space<vmem>>
        %dma_wait3A_202 = arith.constant 0 : i32
        %dma_wait3A_203 = arith.constant 0 : i32
        %dma_wait3A_204 = tpu.memref_slice %arg14[%dma_wait3A_202, %dma_wait3A_203] : memref<5248x128xf32, #tpu.memory_space<vmem_shared>> -> memref<5248x128xf32, #tpu.memory_space<vmem_shared>>
        tpu.wait_indirect_dma semaphore(%run_scoped3A_184 : memref<!tpu.dma_semaphore, #tpu.memory_space<semaphore_mem>>) src(%dma_wait3A_198 : memref<128x128xf32, #tpu.memory_space<vmem>>) dst(%dma_wait3A_204 : memref<5248x128xf32, #tpu.memory_space<vmem_shared>>)
        tpu.yield
      }) : () -> ()
      %add3A_140 = arith.constant 2 : i32
      %add3A_141 = arith.addi %add3A_127, %add3A_140 : i32
      %rem3A_142 = arith.remsi %add3A_141, %select_n3A : i32
      %mul3A_143 = arith.constant 128 : i32
      %mul3A_144 = arith.muli %rem3A_142, %mul3A_143 : i32
      %dma_start3A_145 = arith.constant 0 : i32
      %dma_start3A_146 = arith.constant 0 : i32
      %dma_start3A_147 = arith.constant 0 : i32
      %dma_start3A_148 = tpu.memref_slice %arg10[%dma_start3A_145, %dma_start3A_146, %dma_start3A_147] : memref<2x128x128xf32, #tpu.memory_space<vmem>> -> memref<1x128x128xf32, #tpu.memory_space<vmem>>
      %dma_start3A_149 = tpu.memref_squeeze %dma_start3A_148 : memref<1x128x128xf32, #tpu.memory_space<vmem>> -> memref<128x128xf32, #tpu.memory_space<vmem>>
      %dma_start3A_150 = tpu.memref_slice %arg8[%mul3A_144] : memref<11264xi32, #tpu.memory_space<vmem>> -> memref<128xi32, #tpu.memory_space<vmem>>
      %dma_start3A_151 = arith.constant 0 : i32
      %dma_start3A_152 = arith.constant 0 : i32
      %dma_start3A_153 = tpu.memref_slice %arg2[%dma_start3A_151, %dma_start3A_152] : memref<10000x128xf32, #tpu.memory_space<hbm>> -> memref<10000x128xf32, #tpu.memory_space<hbm>>
      tpu.enqueue_indirect_dma source(%dma_start3A_153 : memref<10000x128xf32, #tpu.memory_space<hbm>>) target(%dma_start3A_149 : memref<128x128xf32, #tpu.memory_space<vmem>>) offsets(%dma_start3A_150 : memref<128xi32, #tpu.memory_space<vmem>>) semaphore(%arg12 : memref<!tpu.dma_semaphore, #tpu.memory_space<semaphore_mem>>)
      %mul3A_154 = arith.constant 2 : i32
      %mul3A_155 = arith.muli %mul3A_154, %while3A_123 : i32
      %add3A_156 = arith.constant 1 : i32
      %add3A_157 = arith.addi %mul3A_155, %add3A_156 : i32
      %mul3A_158 = arith.constant 128 : i32
      %mul3A_159 = arith.muli %add3A_157, %mul3A_158 : i32
      %dma_wait3A_160 = arith.constant 1 : i32
      %dma_wait3A_161 = arith.constant 0 : i32
      %dma_wait3A_162 = arith.constant 0 : i32
      %dma_wait3A_163 = tpu.memref_slice %arg10[%dma_wait3A_160, %dma_wait3A_161, %dma_wait3A_162] : memref<2x128x128xf32, #tpu.memory_space<vmem>> -> memref<1x128x128xf32, #tpu.memory_space<vmem>>
      %dma_wait3A_164 = tpu.memref_squeeze %dma_wait3A_163 : memref<1x128x128xf32, #tpu.memory_space<vmem>> -> memref<128x128xf32, #tpu.memory_space<vmem>>
      %dma_wait3A_165 = tpu.memref_slice %arg8[%mul3A_159] : memref<11264xi32, #tpu.memory_space<vmem>> -> memref<128xi32, #tpu.memory_space<vmem>>
      %dma_wait3A_166 = arith.constant 0 : i32
      %dma_wait3A_167 = arith.constant 0 : i32
      %dma_wait3A_168 = tpu.memref_slice %arg2[%dma_wait3A_166, %dma_wait3A_167] : memref<10000x128xf32, #tpu.memory_space<hbm>> -> memref<10000x128xf32, #tpu.memory_space<hbm>>
      tpu.wait_indirect_dma semaphore(%arg13 : memref<!tpu.dma_semaphore, #tpu.memory_space<semaphore_mem>>) src(%dma_wait3A_168 : memref<10000x128xf32, #tpu.memory_space<hbm>>) dst(%dma_wait3A_164 : memref<128x128xf32, #tpu.memory_space<vmem>>)
      %run_scoped3A_169 = arith.constant 1 : i32
      "tpu.region"() ({
        %run_scoped3A_184 = tpu.sem_alloc : memref<!tpu.dma_semaphore, #tpu.memory_space<semaphore_mem>>
        %dma_start3A_185 = arith.constant 0 : i32
        %dma_start3A_186 = arith.constant 0 : i32
        %dma_start3A_187 = tpu.memref_slice %arg10[%run_scoped3A_169, %dma_start3A_185, %dma_start3A_186] : memref<2x128x128xf32, #tpu.memory_space<vmem>> -> memref<1x128x128xf32, #tpu.memory_space<vmem>>
        %dma_start3A_188 = tpu.memref_squeeze %dma_start3A_187 : memref<1x128x128xf32, #tpu.memory_space<vmem>> -> memref<128x128xf32, #tpu.memory_space<vmem>>
        %dma_start3A_189 = arith.constant 0 : i32
        %dma_start3A_190 = tpu.memref_slice %arg9[%add3A_157, %dma_start3A_189] : memref<88x128xi32, #tpu.memory_space<vmem>> -> memref<1x128xi32, #tpu.memory_space<vmem>>
        %dma_start3A_191 = tpu.memref_squeeze %dma_start3A_190 : memref<1x128xi32, #tpu.memory_space<vmem>> -> memref<128xi32, #tpu.memory_space<vmem>>
        %dma_start3A_192 = arith.constant 0 : i32
        %dma_start3A_193 = arith.constant 0 : i32
        %dma_start3A_194 = tpu.memref_slice %arg14[%dma_start3A_192, %dma_start3A_193] : memref<5248x128xf32, #tpu.memory_space<vmem_shared>> -> memref<5248x128xf32, #tpu.memory_space<vmem_shared>>
        tpu.enqueue_indirect_dma source(%dma_start3A_188 : memref<128x128xf32, #tpu.memory_space<vmem>>) target(%dma_start3A_194 : memref<5248x128xf32, #tpu.memory_space<vmem_shared>>) offsets(%dma_start3A_191 : memref<128xi32, #tpu.memory_space<vmem>>) semaphore(%run_scoped3A_184 : memref<!tpu.dma_semaphore, #tpu.memory_space<semaphore_mem>>) {add = true}
        %dma_wait3A_195 = arith.constant 0 : i32
        %dma_wait3A_196 = arith.constant 0 : i32
        %dma_wait3A_197 = tpu.memref_slice %arg10[%run_scoped3A_169, %dma_wait3A_195, %dma_wait3A_196] : memref<2x128x128xf32, #tpu.memory_space<vmem>> -> memref<1x128x128xf32, #tpu.memory_space<vmem>>
        %dma_wait3A_198 = tpu.memref_squeeze %dma_wait3A_197 : memref<1x128x128xf32, #tpu.memory_space<vmem>> -> memref<128x128xf32, #tpu.memory_space<vmem>>
        %dma_wait3A_199 = arith.constant 0 : i32
        %dma_wait3A_200 = tpu.memref_slice %arg9[%add3A_157, %dma_wait3A_199] : memref<88x128xi32, #tpu.memory_space<vmem>> -> memref<1x128xi32, #tpu.memory_space<vmem>>
        %dma_wait3A_201 = tpu.memref_squeeze %dma_wait3A_200 : memref<1x128xi32, #tpu.memory_space<vmem>> -> memref<128xi32, #tpu.memory_space<vmem>>
        %dma_wait3A_202 = arith.constant 0 : i32
        %dma_wait3A_203 = arith.constant 0 : i32
        %dma_wait3A_204 = tpu.memref_slice %arg14[%dma_wait3A_202, %dma_wait3A_203] : memref<5248x128xf32, #tpu.memory_space<vmem_shared>> -> memref<5248x128xf32, #tpu.memory_space<vmem_shared>>
        tpu.wait_indirect_dma semaphore(%run_scoped3A_184 : memref<!tpu.dma_semaphore, #tpu.memory_space<semaphore_mem>>) src(%dma_wait3A_198 : memref<128x128xf32, #tpu.memory_space<vmem>>) dst(%dma_wait3A_204 : memref<5248x128xf32, #tpu.memory_space<vmem_shared>>)
        tpu.yield
      }) : () -> ()
      %add3A_170 = arith.constant 2 : i32
      %add3A_171 = arith.addi %add3A_157, %add3A_170 : i32
      %rem3A_172 = arith.remsi %add3A_171, %select_n3A : i32
      %mul3A_173 = arith.constant 128 : i32
      %mul3A_174 = arith.muli %rem3A_172, %mul3A_173 : i32
      %dma_start3A_175 = arith.constant 1 : i32
      %dma_start3A_176 = arith.constant 0 : i32
      %dma_start3A_177 = arith.constant 0 : i32
      %dma_start3A_178 = tpu.memref_slice %arg10[%dma_start3A_175, %dma_start3A_176, %dma_start3A_177] : memref<2x128x128xf32, #tpu.memory_space<vmem>> -> memref<1x128x128xf32, #tpu.memory_space<vmem>>
      %dma_start3A_179 = tpu.memref_squeeze %dma_start3A_178 : memref<1x128x128xf32, #tpu.memory_space<vmem>> -> memref<128x128xf32, #tpu.memory_space<vmem>>
      %dma_start3A_180 = tpu.memref_slice %arg8[%mul3A_174] : memref<11264xi32, #tpu.memory_space<vmem>> -> memref<128xi32, #tpu.memory_space<vmem>>
      %dma_start3A_181 = arith.constant 0 : i32
      %dma_start3A_182 = arith.constant 0 : i32
      %dma_start3A_183 = tpu.memref_slice %arg2[%dma_start3A_181, %dma_start3A_182] : memref<10000x128xf32, #tpu.memory_space<hbm>> -> memref<10000x128xf32, #tpu.memory_space<hbm>>
      tpu.enqueue_indirect_dma source(%dma_start3A_183 : memref<10000x128xf32, #tpu.memory_space<hbm>>) target(%dma_start3A_179 : memref<128x128xf32, #tpu.memory_space<vmem>>) offsets(%dma_start3A_180 : memref<128xi32, #tpu.memory_space<vmem>>) semaphore(%arg13 : memref<!tpu.dma_semaphore, #tpu.memory_space<semaphore_mem>>)
    }
    %while3A_88 = arith.constant 1 : i32
    scf.for %while3A_123 = %while3A_86 to %while3A_82 step %while3A_88  : i32 {
      %mul3A_124 = arith.constant 2 : i32
      %mul3A_125 = arith.muli %mul3A_124, %while3A_123 : i32
      %add3A_126 = arith.constant 0 : i32
      %add3A_127 = arith.addi %mul3A_125, %add3A_126 : i32
      %mul3A_128 = arith.constant 128 : i32
      %mul3A_129 = arith.muli %add3A_127, %mul3A_128 : i32
      %dma_wait3A_130 = arith.constant 0 : i32
      %dma_wait3A_131 = arith.constant 0 : i32
      %dma_wait3A_132 = arith.constant 0 : i32
      %dma_wait3A_133 = tpu.memref_slice %arg10[%dma_wait3A_130, %dma_wait3A_131, %dma_wait3A_132] : memref<2x128x128xf32, #tpu.memory_space<vmem>> -> memref<1x128x128xf32, #tpu.memory_space<vmem>>
      %dma_wait3A_134 = tpu.memref_squeeze %dma_wait3A_133 : memref<1x128x128xf32, #tpu.memory_space<vmem>> -> memref<128x128xf32, #tpu.memory_space<vmem>>
      %dma_wait3A_135 = tpu.memref_slice %arg8[%mul3A_129] : memref<11264xi32, #tpu.memory_space<vmem>> -> memref<128xi32, #tpu.memory_space<vmem>>
      %dma_wait3A_136 = arith.constant 0 : i32
      %dma_wait3A_137 = arith.constant 0 : i32
      %dma_wait3A_138 = tpu.memref_slice %arg2[%dma_wait3A_136, %dma_wait3A_137] : memref<10000x128xf32, #tpu.memory_space<hbm>> -> memref<10000x128xf32, #tpu.memory_space<hbm>>
      tpu.wait_indirect_dma semaphore(%arg12 : memref<!tpu.dma_semaphore, #tpu.memory_space<semaphore_mem>>) src(%dma_wait3A_138 : memref<10000x128xf32, #tpu.memory_space<hbm>>) dst(%dma_wait3A_134 : memref<128x128xf32, #tpu.memory_space<vmem>>)
      %run_scoped3A_139 = arith.constant 0 : i32
      "tpu.region"() ({
        %run_scoped3A_184 = tpu.sem_alloc : memref<!tpu.dma_semaphore, #tpu.memory_space<semaphore_mem>>
        %dma_start3A_185 = arith.constant 0 : i32
        %dma_start3A_186 = arith.constant 0 : i32
        %dma_start3A_187 = tpu.memref_slice %arg10[%run_scoped3A_139, %dma_start3A_185, %dma_start3A_186] : memref<2x128x128xf32, #tpu.memory_space<vmem>> -> memref<1x128x128xf32, #tpu.memory_space<vmem>>
        %dma_start3A_188 = tpu.memref_squeeze %dma_start3A_187 : memref<1x128x128xf32, #tpu.memory_space<vmem>> -> memref<128x128xf32, #tpu.memory_space<vmem>>
        %dma_start3A_189 = arith.constant 0 : i32
        %dma_start3A_190 = tpu.memref_slice %arg9[%add3A_127, %dma_start3A_189] : memref<88x128xi32, #tpu.memory_space<vmem>> -> memref<1x128xi32, #tpu.memory_space<vmem>>
        %dma_start3A_191 = tpu.memref_squeeze %dma_start3A_190 : memref<1x128xi32, #tpu.memory_space<vmem>> -> memref<128xi32, #tpu.memory_space<vmem>>
        %dma_start3A_192 = arith.constant 0 : i32
        %dma_start3A_193 = arith.constant 0 : i32
        %dma_start3A_194 = tpu.memref_slice %arg14[%dma_start3A_192, %dma_start3A_193] : memref<5248x128xf32, #tpu.memory_space<vmem_shared>> -> memref<5248x128xf32, #tpu.memory_space<vmem_shared>>
        tpu.enqueue_indirect_dma source(%dma_start3A_188 : memref<128x128xf32, #tpu.memory_space<vmem>>) target(%dma_start3A_194 : memref<5248x128xf32, #tpu.memory_space<vmem_shared>>) offsets(%dma_start3A_191 : memref<128xi32, #tpu.memory_space<vmem>>) semaphore(%run_scoped3A_184 : memref<!tpu.dma_semaphore, #tpu.memory_space<semaphore_mem>>) {add = true}
        %dma_wait3A_195 = arith.constant 0 : i32
        %dma_wait3A_196 = arith.constant 0 : i32
        %dma_wait3A_197 = tpu.memref_slice %arg10[%run_scoped3A_139, %dma_wait3A_195, %dma_wait3A_196] : memref<2x128x128xf32, #tpu.memory_space<vmem>> -> memref<1x128x128xf32, #tpu.memory_space<vmem>>
        %dma_wait3A_198 = tpu.memref_squeeze %dma_wait3A_197 : memref<1x128x128xf32, #tpu.memory_space<vmem>> -> memref<128x128xf32, #tpu.memory_space<vmem>>
        %dma_wait3A_199 = arith.constant 0 : i32
        %dma_wait3A_200 = tpu.memref_slice %arg9[%add3A_127, %dma_wait3A_199] : memref<88x128xi32, #tpu.memory_space<vmem>> -> memref<1x128xi32, #tpu.memory_space<vmem>>
        %dma_wait3A_201 = tpu.memref_squeeze %dma_wait3A_200 : memref<1x128xi32, #tpu.memory_space<vmem>> -> memref<128xi32, #tpu.memory_space<vmem>>
        %dma_wait3A_202 = arith.constant 0 : i32
        %dma_wait3A_203 = arith.constant 0 : i32
        %dma_wait3A_204 = tpu.memref_slice %arg14[%dma_wait3A_202, %dma_wait3A_203] : memref<5248x128xf32, #tpu.memory_space<vmem_shared>> -> memref<5248x128xf32, #tpu.memory_space<vmem_shared>>
        tpu.wait_indirect_dma semaphore(%run_scoped3A_184 : memref<!tpu.dma_semaphore, #tpu.memory_space<semaphore_mem>>) src(%dma_wait3A_198 : memref<128x128xf32, #tpu.memory_space<vmem>>) dst(%dma_wait3A_204 : memref<5248x128xf32, #tpu.memory_space<vmem_shared>>)
        tpu.yield
      }) : () -> ()
      %add3A_140 = arith.constant 2 : i32
      %add3A_141 = arith.addi %add3A_127, %add3A_140 : i32
      %rem3A_142 = arith.remsi %add3A_141, %select_n3A : i32
      %mul3A_143 = arith.constant 128 : i32
      %mul3A_144 = arith.muli %rem3A_142, %mul3A_143 : i32
      %dma_start3A_145 = arith.constant 0 : i32
      %dma_start3A_146 = arith.constant 0 : i32
      %dma_start3A_147 = arith.constant 0 : i32
      %dma_start3A_148 = tpu.memref_slice %arg10[%dma_start3A_145, %dma_start3A_146, %dma_start3A_147] : memref<2x128x128xf32, #tpu.memory_space<vmem>> -> memref<1x128x128xf32, #tpu.memory_space<vmem>>
      %dma_start3A_149 = tpu.memref_squeeze %dma_start3A_148 : memref<1x128x128xf32, #tpu.memory_space<vmem>> -> memref<128x128xf32, #tpu.memory_space<vmem>>
      %dma_start3A_150 = tpu.memref_slice %arg8[%mul3A_144] : memref<11264xi32, #tpu.memory_space<vmem>> -> memref<128xi32, #tpu.memory_space<vmem>>
      %dma_start3A_151 = arith.constant 0 : i32
      %dma_start3A_152 = arith.constant 0 : i32
      %dma_start3A_153 = tpu.memref_slice %arg2[%dma_start3A_151, %dma_start3A_152] : memref<10000x128xf32, #tpu.memory_space<hbm>> -> memref<10000x128xf32, #tpu.memory_space<hbm>>
      tpu.enqueue_indirect_dma source(%dma_start3A_153 : memref<10000x128xf32, #tpu.memory_space<hbm>>) target(%dma_start3A_149 : memref<128x128xf32, #tpu.memory_space<vmem>>) offsets(%dma_start3A_150 : memref<128xi32, #tpu.memory_space<vmem>>) semaphore(%arg12 : memref<!tpu.dma_semaphore, #tpu.memory_space<semaphore_mem>>)
      %mul3A_154 = arith.constant 2 : i32
      %mul3A_155 = arith.muli %mul3A_154, %while3A_123 : i32
      %add3A_156 = arith.constant 1 : i32
      %add3A_157 = arith.addi %mul3A_155, %add3A_156 : i32
      %mul3A_158 = arith.constant 128 : i32
      %mul3A_159 = arith.muli %add3A_157, %mul3A_158 : i32
      %dma_wait3A_160 = arith.constant 1 : i32
      %dma_wait3A_161 = arith.constant 0 : i32
      %dma_wait3A_162 = arith.constant 0 : i32
      %dma_wait3A_163 = tpu.memref_slice %arg10[%dma_wait3A_160, %dma_wait3A_161, %dma_wait3A_162] : memref<2x128x128xf32, #tpu.memory_space<vmem>> -> memref<1x128x128xf32, #tpu.memory_space<vmem>>
      %dma_wait3A_164 = tpu.memref_squeeze %dma_wait3A_163 : memref<1x128x128xf32, #tpu.memory_space<vmem>> -> memref<128x128xf32, #tpu.memory_space<vmem>>
      %dma_wait3A_165 = tpu.memref_slice %arg8[%mul3A_159] : memref<11264xi32, #tpu.memory_space<vmem>> -> memref<128xi32, #tpu.memory_space<vmem>>
      %dma_wait3A_166 = arith.constant 0 : i32
      %dma_wait3A_167 = arith.constant 0 : i32
      %dma_wait3A_168 = tpu.memref_slice %arg2[%dma_wait3A_166, %dma_wait3A_167] : memref<10000x128xf32, #tpu.memory_space<hbm>> -> memref<10000x128xf32, #tpu.memory_space<hbm>>
      tpu.wait_indirect_dma semaphore(%arg13 : memref<!tpu.dma_semaphore, #tpu.memory_space<semaphore_mem>>) src(%dma_wait3A_168 : memref<10000x128xf32, #tpu.memory_space<hbm>>) dst(%dma_wait3A_164 : memref<128x128xf32, #tpu.memory_space<vmem>>)
      %run_scoped3A_169 = arith.constant 1 : i32
      "tpu.region"() ({
        %run_scoped3A_184 = tpu.sem_alloc : memref<!tpu.dma_semaphore, #tpu.memory_space<semaphore_mem>>
        %dma_start3A_185 = arith.constant 0 : i32
        %dma_start3A_186 = arith.constant 0 : i32
        %dma_start3A_187 = tpu.memref_slice %arg10[%run_scoped3A_169, %dma_start3A_185, %dma_start3A_186] : memref<2x128x128xf32, #tpu.memory_space<vmem>> -> memref<1x128x128xf32, #tpu.memory_space<vmem>>
        %dma_start3A_188 = tpu.memref_squeeze %dma_start3A_187 : memref<1x128x128xf32, #tpu.memory_space<vmem>> -> memref<128x128xf32, #tpu.memory_space<vmem>>
        %dma_start3A_189 = arith.constant 0 : i32
        %dma_start3A_190 = tpu.memref_slice %arg9[%add3A_157, %dma_start3A_189] : memref<88x128xi32, #tpu.memory_space<vmem>> -> memref<1x128xi32, #tpu.memory_space<vmem>>
        %dma_start3A_191 = tpu.memref_squeeze %dma_start3A_190 : memref<1x128xi32, #tpu.memory_space<vmem>> -> memref<128xi32, #tpu.memory_space<vmem>>
        %dma_start3A_192 = arith.constant 0 : i32
        %dma_start3A_193 = arith.constant 0 : i32
        %dma_start3A_194 = tpu.memref_slice %arg14[%dma_start3A_192, %dma_start3A_193] : memref<5248x128xf32, #tpu.memory_space<vmem_shared>> -> memref<5248x128xf32, #tpu.memory_space<vmem_shared>>
        tpu.enqueue_indirect_dma source(%dma_start3A_188 : memref<128x128xf32, #tpu.memory_space<vmem>>) target(%dma_start3A_194 : memref<5248x128xf32, #tpu.memory_space<vmem_shared>>) offsets(%dma_start3A_191 : memref<128xi32, #tpu.memory_space<vmem>>) semaphore(%run_scoped3A_184 : memref<!tpu.dma_semaphore, #tpu.memory_space<semaphore_mem>>) {add = true}
        %dma_wait3A_195 = arith.constant 0 : i32
        %dma_wait3A_196 = arith.constant 0 : i32
        %dma_wait3A_197 = tpu.memref_slice %arg10[%run_scoped3A_169, %dma_wait3A_195, %dma_wait3A_196] : memref<2x128x128xf32, #tpu.memory_space<vmem>> -> memref<1x128x128xf32, #tpu.memory_space<vmem>>
        %dma_wait3A_198 = tpu.memref_squeeze %dma_wait3A_197 : memref<1x128x128xf32, #tpu.memory_space<vmem>> -> memref<128x128xf32, #tpu.memory_space<vmem>>
        %dma_wait3A_199 = arith.constant 0 : i32
        %dma_wait3A_200 = tpu.memref_slice %arg9[%add3A_157, %dma_wait3A_199] : memref<88x128xi32, #tpu.memory_space<vmem>> -> memref<1x128xi32, #tpu.memory_space<vmem>>
        %dma_wait3A_201 = tpu.memref_squeeze %dma_wait3A_200 : memref<1x128xi32, #tpu.memory_space<vmem>> -> memref<128xi32, #tpu.memory_space<vmem>>
        %dma_wait3A_202 = arith.constant 0 : i32
        %dma_wait3A_203 = arith.constant 0 : i32
        %dma_wait3A_204 = tpu.memref_slice %arg14[%dma_wait3A_202, %dma_wait3A_203] : memref<5248x128xf32, #tpu.memory_space<vmem_shared>> -> memref<5248x128xf32, #tpu.memory_space<vmem_shared>>
        tpu.wait_indirect_dma semaphore(%run_scoped3A_184 : memref<!tpu.dma_semaphore, #tpu.memory_space<semaphore_mem>>) src(%dma_wait3A_198 : memref<128x128xf32, #tpu.memory_space<vmem>>) dst(%dma_wait3A_204 : memref<5248x128xf32, #tpu.memory_space<vmem_shared>>)
        tpu.yield
      }) : () -> ()
      %add3A_170 = arith.constant 2 : i32
      %add3A_171 = arith.addi %add3A_157, %add3A_170 : i32
      %rem3A_172 = arith.remsi %add3A_171, %select_n3A : i32
      %mul3A_173 = arith.constant 128 : i32
      %mul3A_174 = arith.muli %rem3A_172, %mul3A_173 : i32
      %dma_start3A_175 = arith.constant 1 : i32
      %dma_start3A_176 = arith.constant 0 : i32
      %dma_start3A_177 = arith.constant 0 : i32
      %dma_start3A_178 = tpu.memref_slice %arg10[%dma_start3A_175, %dma_start3A_176, %dma_start3A_177] : memref<2x128x128xf32, #tpu.memory_space<vmem>> -> memref<1x128x128xf32, #tpu.memory_space<vmem>>
      %dma_start3A_179 = tpu.memref_squeeze %dma_start3A_178 : memref<1x128x128xf32, #tpu.memory_space<vmem>> -> memref<128x128xf32, #tpu.memory_space<vmem>>
      %dma_start3A_180 = tpu.memref_slice %arg8[%mul3A_174] : memref<11264xi32, #tpu.memory_space<vmem>> -> memref<128xi32, #tpu.memory_space<vmem>>
      %dma_start3A_181 = arith.constant 0 : i32
      %dma_start3A_182 = arith.constant 0 : i32
      %dma_start3A_183 = tpu.memref_slice %arg2[%dma_start3A_181, %dma_start3A_182] : memref<10000x128xf32, #tpu.memory_space<hbm>> -> memref<10000x128xf32, #tpu.memory_space<hbm>>
      tpu.enqueue_indirect_dma source(%dma_start3A_183 : memref<10000x128xf32, #tpu.memory_space<hbm>>) target(%dma_start3A_179 : memref<128x128xf32, #tpu.memory_space<vmem>>) offsets(%dma_start3A_180 : memref<128xi32, #tpu.memory_space<vmem>>) semaphore(%arg13 : memref<!tpu.dma_semaphore, #tpu.memory_space<semaphore_mem>>)
    }
    %dma_wait3A = arith.constant 0 : i32
    %dma_wait3A_89 = arith.constant 0 : i32
    %dma_wait3A_90 = arith.constant 0 : i32
    %dma_wait3A_91 = tpu.memref_slice %arg10[%dma_wait3A, %dma_wait3A_89, %dma_wait3A_90] : memref<2x128x128xf32, #tpu.memory_space<vmem>> -> memref<1x128x128xf32, #tpu.memory_space<vmem>>
    %dma_wait3A_92 = tpu.memref_squeeze %dma_wait3A_91 : memref<1x128x128xf32, #tpu.memory_space<vmem>> -> memref<128x128xf32, #tpu.memory_space<vmem>>
    %dma_wait3A_93 = arith.constant 0 : i32
    %dma_wait3A_94 = tpu.memref_slice %arg8[%dma_wait3A_93] : memref<11264xi32, #tpu.memory_space<vmem>> -> memref<128xi32, #tpu.memory_space<vmem>>
    %dma_wait3A_95 = arith.constant 0 : i32
    %dma_wait3A_96 = arith.constant 0 : i32
    %dma_wait3A_97 = tpu.memref_slice %arg2[%dma_wait3A_95, %dma_wait3A_96] : memref<10000x128xf32, #tpu.memory_space<hbm>> -> memref<10000x128xf32, #tpu.memory_space<hbm>>
    tpu.wait_indirect_dma semaphore(%arg12 : memref<!tpu.dma_semaphore, #tpu.memory_space<semaphore_mem>>) src(%dma_wait3A_97 : memref<10000x128xf32, #tpu.memory_space<hbm>>) dst(%dma_wait3A_92 : memref<128x128xf32, #tpu.memory_space<vmem>>)
    %dma_wait3A_98 = arith.constant 1 : i32
    %dma_wait3A_99 = arith.constant 0 : i32
    %dma_wait3A_100 = arith.constant 0 : i32
    %dma_wait3A_101 = tpu.memref_slice %arg10[%dma_wait3A_98, %dma_wait3A_99, %dma_wait3A_100] : memref<2x128x128xf32, #tpu.memory_space<vmem>> -> memref<1x128x128xf32, #tpu.memory_space<vmem>>
    %dma_wait3A_102 = tpu.memref_squeeze %dma_wait3A_101 : memref<1x128x128xf32, #tpu.memory_space<vmem>> -> memref<128x128xf32, #tpu.memory_space<vmem>>
    %dma_wait3A_103 = arith.constant 128 : i32
    %dma_wait3A_104 = tpu.memref_slice %arg8[%dma_wait3A_103] : memref<11264xi32, #tpu.memory_space<vmem>> -> memref<128xi32, #tpu.memory_space<vmem>>
    %dma_wait3A_105 = arith.constant 0 : i32
    %dma_wait3A_106 = arith.constant 0 : i32
    %dma_wait3A_107 = tpu.memref_slice %arg2[%dma_wait3A_105, %dma_wait3A_106] : memref<10000x128xf32, #tpu.memory_space<hbm>> -> memref<10000x128xf32, #tpu.memory_space<hbm>>
    tpu.wait_indirect_dma semaphore(%arg13 : memref<!tpu.dma_semaphore, #tpu.memory_space<semaphore_mem>>) src(%dma_wait3A_107 : memref<10000x128xf32, #tpu.memory_space<hbm>>) dst(%dma_wait3A_102 : memref<128x128xf32, #tpu.memory_space<vmem>>)
    %barrier3A_108 = arith.constant 0 : index
    tpu.barrier barrier_id(%barrier3A_108)
    %run_scoped3A_109 = arith.constant 0 : i32
    "tpu.region"() ({
      %run_scoped3A_123 = tpu.sem_alloc : memref<!tpu.dma_semaphore, #tpu.memory_space<semaphore_mem>>
      %dma_start3A_124 = arith.constant 0 : i32
      %dma_start3A_125 = arith.constant 0 : i32
      %dma_start3A_126 = tpu.memref_slice %arg10[%run_scoped3A_109, %dma_start3A_124, %dma_start3A_125] : memref<2x128x128xf32, #tpu.memory_space<vmem>> -> memref<1x128x128xf32, #tpu.memory_space<vmem>>
      %dma_start3A_127 = tpu.memref_squeeze %dma_start3A_126 : memref<1x128x128xf32, #tpu.memory_space<vmem>> -> memref<128x128xf32, #tpu.memory_space<vmem>>
      %dma_start3A_128 = arith.constant 0 : i32
      %dma_start3A_129 = tpu.memref_slice %arg14[%mul3A_0, %dma_start3A_128] : memref<5248x128xf32, #tpu.memory_space<vmem_shared>> -> memref<128x128xf32, #tpu.memory_space<vmem_shared>>
      %dma_start3A_130 = arith.constant 0 : i32
      %dma_start3A_131 = arith.constant 0 : i32
      %dma_start3A_132 = tpu.memref_slice %arg10[%run_scoped3A_109, %dma_start3A_130, %dma_start3A_131] : memref<2x128x128xf32, #tpu.memory_space<vmem>> -> memref<1x128x128xf32, #tpu.memory_space<vmem>>
      %dma_start3A_133 = tpu.memref_squeeze %dma_start3A_132 : memref<1x128x128xf32, #tpu.memory_space<vmem>> -> memref<128x128xf32, #tpu.memory_space<vmem>>
      %dma_start3A_134 = arith.constant 0 : i32
      %dma_start3A_135 = tpu.memref_slice %arg14[%mul3A_0, %dma_start3A_134] : memref<5248x128xf32, #tpu.memory_space<vmem_shared>> -> memref<128x128xf32, #tpu.memory_space<vmem_shared>>
      tpu.enqueue_dma source(%dma_start3A_135 : memref<128x128xf32, #tpu.memory_space<vmem_shared>>) target(%dma_start3A_133 : memref<128x128xf32, #tpu.memory_space<vmem>>) target_semaphore(%run_scoped3A_123 : memref<!tpu.dma_semaphore, #tpu.memory_space<semaphore_mem>>)
      %dma_wait3A_136 = arith.constant 0 : i32
      %dma_wait3A_137 = arith.constant 0 : i32
      %dma_wait3A_138 = tpu.memref_slice %arg10[%run_scoped3A_109, %dma_wait3A_136, %dma_wait3A_137] : memref<2x128x128xf32, #tpu.memory_space<vmem>> -> memref<1x128x128xf32, #tpu.memory_space<vmem>>
      %dma_wait3A_139 = tpu.memref_squeeze %dma_wait3A_138 : memref<1x128x128xf32, #tpu.memory_space<vmem>> -> memref<128x128xf32, #tpu.memory_space<vmem>>
      %dma_wait3A_140 = arith.constant 0 : i32
      %dma_wait3A_141 = tpu.memref_slice %arg14[%mul3A_0, %dma_wait3A_140] : memref<5248x128xf32, #tpu.memory_space<vmem_shared>> -> memref<128x128xf32, #tpu.memory_space<vmem_shared>>
      %dma_wait3A_142 = arith.constant 0 : i32
      %dma_wait3A_143 = arith.constant 0 : i32
      %dma_wait3A_144 = tpu.memref_slice %arg10[%run_scoped3A_109, %dma_wait3A_142, %dma_wait3A_143] : memref<2x128x128xf32, #tpu.memory_space<vmem>> -> memref<1x128x128xf32, #tpu.memory_space<vmem>>
      %dma_wait3A_145 = tpu.memref_squeeze %dma_wait3A_144 : memref<1x128x128xf32, #tpu.memory_space<vmem>> -> memref<128x128xf32, #tpu.memory_space<vmem>>
      %dma_wait3A_146 = arith.constant 0 : i32
      %dma_wait3A_147 = tpu.memref_slice %arg14[%mul3A_0, %dma_wait3A_146] : memref<5248x128xf32, #tpu.memory_space<vmem_shared>> -> memref<128x128xf32, #tpu.memory_space<vmem_shared>>
      tpu.wait_dma2 semaphore(%run_scoped3A_123 : memref<!tpu.dma_semaphore, #tpu.memory_space<semaphore_mem>>) src(%dma_wait3A_147 : memref<128x128xf32, #tpu.memory_space<vmem_shared>>) dst(%dma_wait3A_145 : memref<128x128xf32, #tpu.memory_space<vmem>>)
      tpu.yield
    }) : () -> ()
    %run_scoped3A_110 = arith.constant 0 : i32
    "tpu.region"() ({
      %run_scoped3A_123 = tpu.sem_alloc : memref<!tpu.dma_semaphore, #tpu.memory_space<semaphore_mem>>
      %dma_start3A_124 = arith.constant 0 : i32
      %dma_start3A_125 = arith.constant 0 : i32
      %dma_start3A_126 = tpu.memref_slice %arg10[%run_scoped3A_110, %dma_start3A_124, %dma_start3A_125] : memref<2x128x128xf32, #tpu.memory_space<vmem>> -> memref<1x128x128xf32, #tpu.memory_space<vmem>>
      %dma_start3A_127 = tpu.memref_squeeze %dma_start3A_126 : memref<1x128x128xf32, #tpu.memory_space<vmem>> -> memref<128x128xf32, #tpu.memory_space<vmem>>
      %dma_start3A_128 = arith.constant 0 : i32
      %dma_start3A_129 = tpu.memref_slice %arg7[%arg0, %mul3A_0, %dma_start3A_128] : memref<2x5248x128xf32, #tpu.memory_space<hbm>> -> memref<1x128x128xf32, #tpu.memory_space<hbm>>
      %dma_start3A_130 = tpu.memref_squeeze %dma_start3A_129 : memref<1x128x128xf32, #tpu.memory_space<hbm>> -> memref<128x128xf32, #tpu.memory_space<hbm>>
      %dma_start3A_131 = arith.constant 0 : i32
      %dma_start3A_132 = tpu.memref_slice %arg7[%arg0, %mul3A_0, %dma_start3A_131] : memref<2x5248x128xf32, #tpu.memory_space<hbm>> -> memref<1x128x128xf32, #tpu.memory_space<hbm>>
      %dma_start3A_133 = tpu.memref_squeeze %dma_start3A_132 : memref<1x128x128xf32, #tpu.memory_space<hbm>> -> memref<128x128xf32, #tpu.memory_space<hbm>>
      %dma_start3A_134 = arith.constant 0 : i32
      %dma_start3A_135 = arith.constant 0 : i32
      %dma_start3A_136 = tpu.memref_slice %arg10[%run_scoped3A_110, %dma_start3A_134, %dma_start3A_135] : memref<2x128x128xf32, #tpu.memory_space<vmem>> -> memref<1x128x128xf32, #tpu.memory_space<vmem>>
      %dma_start3A_137 = tpu.memref_squeeze %dma_start3A_136 : memref<1x128x128xf32, #tpu.memory_space<vmem>> -> memref<128x128xf32, #tpu.memory_space<vmem>>
      tpu.enqueue_dma source(%dma_start3A_137 : memref<128x128xf32, #tpu.memory_space<vmem>>) target(%dma_start3A_133 : memref<128x128xf32, #tpu.memory_space<hbm>>) target_semaphore(%run_scoped3A_123 : memref<!tpu.dma_semaphore, #tpu.memory_space<semaphore_mem>>)
      %dma_wait3A_138 = arith.constant 0 : i32
      %dma_wait3A_139 = arith.constant 0 : i32
      %dma_wait3A_140 = tpu.memref_slice %arg10[%run_scoped3A_110, %dma_wait3A_138, %dma_wait3A_139] : memref<2x128x128xf32, #tpu.memory_space<vmem>> -> memref<1x128x128xf32, #tpu.memory_space<vmem>>
      %dma_wait3A_141 = tpu.memref_squeeze %dma_wait3A_140 : memref<1x128x128xf32, #tpu.memory_space<vmem>> -> memref<128x128xf32, #tpu.memory_space<vmem>>
      %dma_wait3A_142 = arith.constant 0 : i32
      %dma_wait3A_143 = tpu.memref_slice %arg7[%arg0, %mul3A_0, %dma_wait3A_142] : memref<2x5248x128xf32, #tpu.memory_space<hbm>> -> memref<1x128x128xf32, #tpu.memory_space<hbm>>
      %dma_wait3A_144 = tpu.memref_squeeze %dma_wait3A_143 : memref<1x128x128xf32, #tpu.memory_space<hbm>> -> memref<128x128xf32, #tpu.memory_space<hbm>>
      %dma_wait3A_145 = arith.constant 0 : i32
      %dma_wait3A_146 = tpu.memref_slice %arg7[%arg0, %mul3A_0, %dma_wait3A_145] : memref<2x5248x128xf32, #tpu.memory_space<hbm>> -> memref<1x128x128xf32, #tpu.memory_space<hbm>>
      %dma_wait3A_147 = tpu.memref_squeeze %dma_wait3A_146 : memref<1x128x128xf32, #tpu.memory_space<hbm>> -> memref<128x128xf32, #tpu.memory_space<hbm>>
      %dma_wait3A_148 = arith.constant 0 : i32
      %dma_wait3A_149 = arith.constant 0 : i32
      %dma_wait3A_150 = tpu.memref_slice %arg10[%run_scoped3A_110, %dma_wait3A_148, %dma_wait3A_149] : memref<2x128x128xf32, #tpu.memory_space<vmem>> -> memref<1x128x128xf32, #tpu.memory_space<vmem>>
      %dma_wait3A_151 = tpu.memref_squeeze %dma_wait3A_150 : memref<1x128x128xf32, #tpu.memory_space<vmem>> -> memref<128x128xf32, #tpu.memory_space<vmem>>
      tpu.wait_dma2 semaphore(%run_scoped3A_123 : memref<!tpu.dma_semaphore, #tpu.memory_space<semaphore_mem>>) src(%dma_wait3A_151 : memref<128x128xf32, #tpu.memory_space<vmem>>) dst(%dma_wait3A_147 : memref<128x128xf32, #tpu.memory_space<hbm>>)
      tpu.yield
    }) : () -> ()
    %add3A_111 = arith.constant 128 : i32
    %add3A_112 = arith.addi %mul3A_0, %add3A_111 : i32
    %run_scoped3A_113 = arith.constant 1 : i32
    "tpu.region"() ({
      %run_scoped3A_123 = tpu.sem_alloc : memref<!tpu.dma_semaphore, #tpu.memory_space<semaphore_mem>>
      %dma_start3A_124 = arith.constant 0 : i32
      %dma_start3A_125 = arith.constant 0 : i32
      %dma_start3A_126 = tpu.memref_slice %arg10[%run_scoped3A_113, %dma_start3A_124, %dma_start3A_125] : memref<2x128x128xf32, #tpu.memory_space<vmem>> -> memref<1x128x128xf32, #tpu.memory_space<vmem>>
      %dma_start3A_127 = tpu.memref_squeeze %dma_start3A_126 : memref<1x128x128xf32, #tpu.memory_space<vmem>> -> memref<128x128xf32, #tpu.memory_space<vmem>>
      %dma_start3A_128 = arith.constant 0 : i32
      %dma_start3A_129 = tpu.memref_slice %arg14[%add3A_112, %dma_start3A_128] : memref<5248x128xf32, #tpu.memory_space<vmem_shared>> -> memref<128x128xf32, #tpu.memory_space<vmem_shared>>
      %dma_start3A_130 = arith.constant 0 : i32
      %dma_start3A_131 = arith.constant 0 : i32
      %dma_start3A_132 = tpu.memref_slice %arg10[%run_scoped3A_113, %dma_start3A_130, %dma_start3A_131] : memref<2x128x128xf32, #tpu.memory_space<vmem>> -> memref<1x128x128xf32, #tpu.memory_space<vmem>>
      %dma_start3A_133 = tpu.memref_squeeze %dma_start3A_132 : memref<1x128x128xf32, #tpu.memory_space<vmem>> -> memref<128x128xf32, #tpu.memory_space<vmem>>
      %dma_start3A_134 = arith.constant 0 : i32
      %dma_start3A_135 = tpu.memref_slice %arg14[%add3A_112, %dma_start3A_134] : memref<5248x128xf32, #tpu.memory_space<vmem_shared>> -> memref<128x128xf32, #tpu.memory_space<vmem_shared>>
      tpu.enqueue_dma source(%dma_start3A_135 : memref<128x128xf32, #tpu.memory_space<vmem_shared>>) target(%dma_start3A_133 : memref<128x128xf32, #tpu.memory_space<vmem>>) target_semaphore(%run_scoped3A_123 : memref<!tpu.dma_semaphore, #tpu.memory_space<semaphore_mem>>)
      %dma_wait3A_136 = arith.constant 0 : i32
      %dma_wait3A_137 = arith.constant 0 : i32
      %dma_wait3A_138 = tpu.memref_slice %arg10[%run_scoped3A_113, %dma_wait3A_136, %dma_wait3A_137] : memref<2x128x128xf32, #tpu.memory_space<vmem>> -> memref<1x128x128xf32, #tpu.memory_space<vmem>>
      %dma_wait3A_139 = tpu.memref_squeeze %dma_wait3A_138 : memref<1x128x128xf32, #tpu.memory_space<vmem>> -> memref<128x128xf32, #tpu.memory_space<vmem>>
      %dma_wait3A_140 = arith.constant 0 : i32
      %dma_wait3A_141 = tpu.memref_slice %arg14[%add3A_112, %dma_wait3A_140] : memref<5248x128xf32, #tpu.memory_space<vmem_shared>> -> memref<128x128xf32, #tpu.memory_space<vmem_shared>>
      %dma_wait3A_142 = arith.constant 0 : i32
      %dma_wait3A_143 = arith.constant 0 : i32
      %dma_wait3A_144 = tpu.memref_slice %arg10[%run_scoped3A_113, %dma_wait3A_142, %dma_wait3A_143] : memref<2x128x128xf32, #tpu.memory_space<vmem>> -> memref<1x128x128xf32, #tpu.memory_space<vmem>>
      %dma_wait3A_145 = tpu.memref_squeeze %dma_wait3A_144 : memref<1x128x128xf32, #tpu.memory_space<vmem>> -> memref<128x128xf32, #tpu.memory_space<vmem>>
      %dma_wait3A_146 = arith.constant 0 : i32
      %dma_wait3A_147 = tpu.memref_slice %arg14[%add3A_112, %dma_wait3A_146] : memref<5248x128xf32, #tpu.memory_space<vmem_shared>> -> memref<128x128xf32, #tpu.memory_space<vmem_shared>>
      tpu.wait_dma2 semaphore(%run_scoped3A_123 : memref<!tpu.dma_semaphore, #tpu.memory_space<semaphore_mem>>) src(%dma_wait3A_147 : memref<128x128xf32, #tpu.memory_space<vmem_shared>>) dst(%dma_wait3A_145 : memref<128x128xf32, #tpu.memory_space<vmem>>)
      tpu.yield
    }) : () -> ()
    %add3A_114 = arith.constant 128 : i32
    %add3A_115 = arith.addi %mul3A_0, %add3A_114 : i32
    %run_scoped3A_116 = arith.constant 1 : i32
    "tpu.region"() ({
      %run_scoped3A_123 = tpu.sem_alloc : memref<!tpu.dma_semaphore, #tpu.memory_space<semaphore_mem>>
      %dma_start3A_124 = arith.constant 0 : i32
      %dma_start3A_125 = arith.constant 0 : i32
      %dma_start3A_126 = tpu.memref_slice %arg10[%run_scoped3A_116, %dma_start3A_124, %dma_start3A_125] : memref<2x128x128xf32, #tpu.memory_space<vmem>> -> memref<1x128x128xf32, #tpu.memory_space<vmem>>
      %dma_start3A_127 = tpu.memref_squeeze %dma_start3A_126 : memref<1x128x128xf32, #tpu.memory_space<vmem>> -> memref<128x128xf32, #tpu.memory_space<vmem>>
      %dma_start3A_128 = arith.constant 0 : i32
      %dma_start3A_129 = tpu.memref_slice %arg7[%arg0, %add3A_115, %dma_start3A_128] : memref<2x5248x128xf32, #tpu.memory_space<hbm>> -> memref<1x128x128xf32, #tpu.memory_space<hbm>>
      %dma_start3A_130 = tpu.memref_squeeze %dma_start3A_129 : memref<1x128x128xf32, #tpu.memory_space<hbm>> -> memref<128x128xf32, #tpu.memory_space<hbm>>
      %dma_start3A_131 = arith.constant 0 : i32
      %dma_start3A_132 = tpu.memref_slice %arg7[%arg0, %add3A_115, %dma_start3A_131] : memref<2x5248x128xf32, #tpu.memory_space<hbm>> -> memref<1x128x128xf32, #tpu.memory_space<hbm>>
      %dma_start3A_133 = tpu.memref_squeeze %dma_start3A_132 : memref<1x128x128xf32, #tpu.memory_space<hbm>> -> memref<128x128xf32, #tpu.memory_space<hbm>>
      %dma_start3A_134 = arith.constant 0 : i32
      %dma_start3A_135 = arith.constant 0 : i32
      %dma_start3A_136 = tpu.memref_slice %arg10[%run_scoped3A_116, %dma_start3A_134, %dma_start3A_135] : memref<2x128x128xf32, #tpu.memory_space<vmem>> -> memref<1x128x128xf32, #tpu.memory_space<vmem>>
      %dma_start3A_137 = tpu.memref_squeeze %dma_start3A_136 : memref<1x128x128xf32, #tpu.memory_space<vmem>> -> memref<128x128xf32, #tpu.memory_space<vmem>>
      tpu.enqueue_dma source(%dma_start3A_137 : memref<128x128xf32, #tpu.memory_space<vmem>>) target(%dma_start3A_133 : memref<128x128xf32, #tpu.memory_space<hbm>>) target_semaphore(%run_scoped3A_123 : memref<!tpu.dma_semaphore, #tpu.memory_space<semaphore_mem>>)
      %dma_wait3A_138 = arith.constant 0 : i32
      %dma_wait3A_139 = arith.constant 0 : i32
      %dma_wait3A_140 = tpu.memref_slice %arg10[%run_scoped3A_116, %dma_wait3A_138, %dma_wait3A_139] : memref<2x128x128xf32, #tpu.memory_space<vmem>> -> memref<1x128x128xf32, #tpu.memory_space<vmem>>
      %dma_wait3A_141 = tpu.memref_squeeze %dma_wait3A_140 : memref<1x128x128xf32, #tpu.memory_space<vmem>> -> memref<128x128xf32, #tpu.memory_space<vmem>>
      %dma_wait3A_142 = arith.constant 0 : i32
      %dma_wait3A_143 = tpu.memref_slice %arg7[%arg0, %add3A_115, %dma_wait3A_142] : memref<2x5248x128xf32, #tpu.memory_space<hbm>> -> memref<1x128x128xf32, #tpu.memory_space<hbm>>
      %dma_wait3A_144 = tpu.memref_squeeze %dma_wait3A_143 : memref<1x128x128xf32, #tpu.memory_space<hbm>> -> memref<128x128xf32, #tpu.memory_space<hbm>>
      %dma_wait3A_145 = arith.constant 0 : i32
      %dma_wait3A_146 = tpu.memref_slice %arg7[%arg0, %add3A_115, %dma_wait3A_145] : memref<2x5248x128xf32, #tpu.memory_space<hbm>> -> memref<1x128x128xf32, #tpu.memory_space<hbm>>
      %dma_wait3A_147 = tpu.memref_squeeze %dma_wait3A_146 : memref<1x128x128xf32, #tpu.memory_space<hbm>> -> memref<128x128xf32, #tpu.memory_space<hbm>>
      %dma_wait3A_148 = arith.constant 0 : i32
      %dma_wait3A_149 = arith.constant 0 : i32
      %dma_wait3A_150 = tpu.memref_slice %arg10[%run_scoped3A_116, %dma_wait3A_148, %dma_wait3A_149] : memref<2x128x128xf32, #tpu.memory_space<vmem>> -> memref<1x128x128xf32, #tpu.memory_space<vmem>>
      %dma_wait3A_151 = tpu.memref_squeeze %dma_wait3A_150 : memref<1x128x128xf32, #tpu.memory_space<vmem>> -> memref<128x128xf32, #tpu.memory_space<vmem>>
      tpu.wait_dma2 semaphore(%run_scoped3A_123 : memref<!tpu.dma_semaphore, #tpu.memory_space<semaphore_mem>>) src(%dma_wait3A_151 : memref<128x128xf32, #tpu.memory_space<vmem>>) dst(%dma_wait3A_147 : memref<128x128xf32, #tpu.memory_space<hbm>>)
      tpu.yield
    }) : () -> ()
    %add3A_117 = arith.constant 256 : i32
    %add3A_118 = arith.addi %mul3A_0, %add3A_117 : i32
    %run_scoped3A_119 = arith.constant 0 : i32
    "tpu.region"() ({
      %run_scoped3A_123 = tpu.sem_alloc : memref<!tpu.dma_semaphore, #tpu.memory_space<semaphore_mem>>
      %dma_start3A_124 = arith.constant 0 : i32
      %dma_start3A_125 = arith.constant 0 : i32
      %dma_start3A_126 = tpu.memref_slice %arg10[%run_scoped3A_119, %dma_start3A_124, %dma_start3A_125] : memref<2x128x128xf32, #tpu.memory_space<vmem>> -> memref<1x72x128xf32, #tpu.memory_space<vmem>>
      %dma_start3A_127 = tpu.memref_squeeze %dma_start3A_126 : memref<1x72x128xf32, #tpu.memory_space<vmem>> -> memref<72x128xf32, #tpu.memory_space<vmem>>
      %dma_start3A_128 = arith.constant 0 : i32
      %dma_start3A_129 = tpu.memref_slice %arg14[%add3A_118, %dma_start3A_128] : memref<5248x128xf32, #tpu.memory_space<vmem_shared>> -> memref<72x128xf32, #tpu.memory_space<vmem_shared>>
      %dma_start3A_130 = arith.constant 0 : i32
      %dma_start3A_131 = arith.constant 0 : i32
      %dma_start3A_132 = tpu.memref_slice %arg10[%run_scoped3A_119, %dma_start3A_130, %dma_start3A_131] : memref<2x128x128xf32, #tpu.memory_space<vmem>> -> memref<1x72x128xf32, #tpu.memory_space<vmem>>
      %dma_start3A_133 = tpu.memref_squeeze %dma_start3A_132 : memref<1x72x128xf32, #tpu.memory_space<vmem>> -> memref<72x128xf32, #tpu.memory_space<vmem>>
      %dma_start3A_134 = arith.constant 0 : i32
      %dma_start3A_135 = tpu.memref_slice %arg14[%add3A_118, %dma_start3A_134] : memref<5248x128xf32, #tpu.memory_space<vmem_shared>> -> memref<72x128xf32, #tpu.memory_space<vmem_shared>>
      tpu.enqueue_dma source(%dma_start3A_135 : memref<72x128xf32, #tpu.memory_space<vmem_shared>>) target(%dma_start3A_133 : memref<72x128xf32, #tpu.memory_space<vmem>>) target_semaphore(%run_scoped3A_123 : memref<!tpu.dma_semaphore, #tpu.memory_space<semaphore_mem>>)
      %dma_wait3A_136 = arith.constant 0 : i32
      %dma_wait3A_137 = arith.constant 0 : i32
      %dma_wait3A_138 = tpu.memref_slice %arg10[%run_scoped3A_119, %dma_wait3A_136, %dma_wait3A_137] : memref<2x128x128xf32, #tpu.memory_space<vmem>> -> memref<1x72x128xf32, #tpu.memory_space<vmem>>
      %dma_wait3A_139 = tpu.memref_squeeze %dma_wait3A_138 : memref<1x72x128xf32, #tpu.memory_space<vmem>> -> memref<72x128xf32, #tpu.memory_space<vmem>>
      %dma_wait3A_140 = arith.constant 0 : i32
      %dma_wait3A_141 = tpu.memref_slice %arg14[%add3A_118, %dma_wait3A_140] : memref<5248x128xf32, #tpu.memory_space<vmem_shared>> -> memref<72x128xf32, #tpu.memory_space<vmem_shared>>
      %dma_wait3A_142 = arith.constant 0 : i32
      %dma_wait3A_143 = arith.constant 0 : i32
      %dma_wait3A_144 = tpu.memref_slice %arg10[%run_scoped3A_119, %dma_wait3A_142, %dma_wait3A_143] : memref<2x128x128xf32, #tpu.memory_space<vmem>> -> memref<1x72x128xf32, #tpu.memory_space<vmem>>
      %dma_wait3A_145 = tpu.memref_squeeze %dma_wait3A_144 : memref<1x72x128xf32, #tpu.memory_space<vmem>> -> memref<72x128xf32, #tpu.memory_space<vmem>>
      %dma_wait3A_146 = arith.constant 0 : i32
      %dma_wait3A_147 = tpu.memref_slice %arg14[%add3A_118, %dma_wait3A_146] : memref<5248x128xf32, #tpu.memory_space<vmem_shared>> -> memref<72x128xf32, #tpu.memory_space<vmem_shared>>
      tpu.wait_dma2 semaphore(%run_scoped3A_123 : memref<!tpu.dma_semaphore, #tpu.memory_space<semaphore_mem>>) src(%dma_wait3A_147 : memref<72x128xf32, #tpu.memory_space<vmem_shared>>) dst(%dma_wait3A_145 : memref<72x128xf32, #tpu.memory_space<vmem>>)
      tpu.yield
    }) : () -> ()
    %add3A_120 = arith.constant 256 : i32
    %add3A_121 = arith.addi %mul3A_0, %add3A_120 : i32
    %run_scoped3A_122 = arith.constant 0 : i32
    "tpu.region"() ({
      %run_scoped3A_123 = tpu.sem_alloc : memref<!tpu.dma_semaphore, #tpu.memory_space<semaphore_mem>>
      %dma_start3A_124 = arith.constant 0 : i32
      %dma_start3A_125 = arith.constant 0 : i32
      %dma_start3A_126 = tpu.memref_slice %arg10[%run_scoped3A_122, %dma_start3A_124, %dma_start3A_125] : memref<2x128x128xf32, #tpu.memory_space<vmem>> -> memref<1x72x128xf32, #tpu.memory_space<vmem>>
      %dma_start3A_127 = tpu.memref_squeeze %dma_start3A_126 : memref<1x72x128xf32, #tpu.memory_space<vmem>> -> memref<72x128xf32, #tpu.memory_space<vmem>>
      %dma_start3A_128 = arith.constant 0 : i32
      %dma_start3A_129 = tpu.memref_slice %arg7[%arg0, %add3A_121, %dma_start3A_128] : memref<2x5248x128xf32, #tpu.memory_space<hbm>> -> memref<1x72x128xf32, #tpu.memory_space<hbm>>
      %dma_start3A_130 = tpu.memref_squeeze %dma_start3A_129 : memref<1x72x128xf32, #tpu.memory_space<hbm>> -> memref<72x128xf32, #tpu.memory_space<hbm>>
      %dma_start3A_131 = arith.constant 0 : i32
      %dma_start3A_132 = tpu.memref_slice %arg7[%arg0, %add3A_121, %dma_start3A_131] : memref<2x5248x128xf32, #tpu.memory_space<hbm>> -> memref<1x72x128xf32, #tpu.memory_space<hbm>>
      %dma_start3A_133 = tpu.memref_squeeze %dma_start3A_132 : memref<1x72x128xf32, #tpu.memory_space<hbm>> -> memref<72x128xf32, #tpu.memory_space<hbm>>
      %dma_start3A_134 = arith.constant 0 : i32
      %dma_start3A_135 = arith.constant 0 : i32
      %dma_start3A_136 = tpu.memref_slice %arg10[%run_scoped3A_122, %dma_start3A_134, %dma_start3A_135] : memref<2x128x128xf32, #tpu.memory_space<vmem>> -> memref<1x72x128xf32, #tpu.memory_space<vmem>>
      %dma_start3A_137 = tpu.memref_squeeze %dma_start3A_136 : memref<1x72x128xf32, #tpu.memory_space<vmem>> -> memref<72x128xf32, #tpu.memory_space<vmem>>
      tpu.enqueue_dma source(%dma_start3A_137 : memref<72x128xf32, #tpu.memory_space<vmem>>) target(%dma_start3A_133 : memref<72x128xf32, #tpu.memory_space<hbm>>) target_semaphore(%run_scoped3A_123 : memref<!tpu.dma_semaphore, #tpu.memory_space<semaphore_mem>>)
      %dma_wait3A_138 = arith.constant 0 : i32
      %dma_wait3A_139 = arith.constant 0 : i32
      %dma_wait3A_140 = tpu.memref_slice %arg10[%run_scoped3A_122, %dma_wait3A_138, %dma_wait3A_139] : memref<2x128x128xf32, #tpu.memory_space<vmem>> -> memref<1x72x128xf32, #tpu.memory_space<vmem>>
      %dma_wait3A_141 = tpu.memref_squeeze %dma_wait3A_140 : memref<1x72x128xf32, #tpu.memory_space<vmem>> -> memref<72x128xf32, #tpu.memory_space<vmem>>
      %dma_wait3A_142 = arith.constant 0 : i32
      %dma_wait3A_143 = tpu.memref_slice %arg7[%arg0, %add3A_121, %dma_wait3A_142] : memref<2x5248x128xf32, #tpu.memory_space<hbm>> -> memref<1x72x128xf32, #tpu.memory_space<hbm>>
      %dma_wait3A_144 = tpu.memref_squeeze %dma_wait3A_143 : memref<1x72x128xf32, #tpu.memory_space<hbm>> -> memref<72x128xf32, #tpu.memory_space<hbm>>
      %dma_wait3A_145 = arith.constant 0 : i32
      %dma_wait3A_146 = tpu.memref_slice %arg7[%arg0, %add3A_121, %dma_wait3A_145] : memref<2x5248x128xf32, #tpu.memory_space<hbm>> -> memref<1x72x128xf32, #tpu.memory_space<hbm>>
      %dma_wait3A_147 = tpu.memref_squeeze %dma_wait3A_146 : memref<1x72x128xf32, #tpu.memory_space<hbm>> -> memref<72x128xf32, #tpu.memory_space<hbm>>
      %dma_wait3A_148 = arith.constant 0 : i32
      %dma_wait3A_149 = arith.constant 0 : i32
      %dma_wait3A_150 = tpu.memref_slice %arg10[%run_scoped3A_122, %dma_wait3A_148, %dma_wait3A_149] : memref<2x128x128xf32, #tpu.memory_space<vmem>> -> memref<1x72x128xf32, #tpu.memory_space<vmem>>
      %dma_wait3A_151 = tpu.memref_squeeze %dma_wait3A_150 : memref<1x72x128xf32, #tpu.memory_space<vmem>> -> memref<72x128xf32, #tpu.memory_space<vmem>>
      tpu.wait_dma2 semaphore(%run_scoped3A_123 : memref<!tpu.dma_semaphore, #tpu.memory_space<semaphore_mem>>) src(%dma_wait3A_151 : memref<72x128xf32, #tpu.memory_space<vmem>>) dst(%dma_wait3A_147 : memref<72x128xf32, #tpu.memory_space<hbm>>)
      tpu.yield
    }) : () -> ()
    return
  }
}

#map = affine_map<(d0, d1) -> (0, 0)>
#map1 = affine_map<(d0, d1) -> (0)>
module attributes {stable_mosaic.version = 14 : i64} {
  func.func @_deg_body(%arg0: i32, %arg1: i32, %arg2: memref<1280x128xi32, #tpu.memory_space<hbm>>, %arg3: memref<1280x128xi32, #tpu.memory_space<hbm>>, %arg4: memref<10240xf32, #tpu.memory_space<hbm>>, %arg5: memref<40960xf32, #tpu.memory_space<hbm>>, %arg6: memref<40x128xi32, #tpu.memory_space<vmem>>, %arg7: memref<40x128xi32, #tpu.memory_space<vmem>>, %arg8: memref<128xf32, #tpu.memory_space<vmem>>, %arg9: memref<640xf32, #tpu.memory_space<vmem>>, %arg10: memref<10240xf32, #tpu.memory_space<vmem_shared>>, %arg11: memref<10240xf32, #tpu.memory_space<vmem_shared>>) attributes {dimension_semantics = [#tpu.dimension_semantics<core_parallel>, #tpu.dimension_semantics<subcore_parallel>], iteration_bounds = array<i64: 2, 16>, scalar_prefetch = 0 : i64, scratch_operands = 6 : i64, tpu.core_type = #tpu.core_type<sc_vector_subcore>, window_params = [{transform_indices = #map}, {transform_indices = #map}, {transform_indices = #map1}, {transform_indices = #map1}]} {
    %mul3A = arith.constant 2 : i32
    %mul3A_0 = arith.muli %arg1, %mul3A : i32
    %add3A = arith.addi %mul3A_0, %arg0 : i32
    %broadcast_in_dim3A = arith.constant 1.000000e+00 : f32
    %broadcast_in_dim3A_1 = vector.broadcast %broadcast_in_dim3A : f32 to vector<16xf32>
    %swap3A = arith.constant 0 : index
    %swap3A_2 = tpu.vector_load %arg8[%swap3A] {strides = array<i32>} : memref<128xf32, #tpu.memory_space<vmem>>, vector<16xf32>,
    %swap3A_3 = vector.shape_cast %swap3A_2 : vector<16xf32> to vector<16xf32>
    %swap3A_4 = vector.shape_cast %broadcast_in_dim3A_1 : vector<16xf32> to vector<16xf32>
    tpu.vector_store %arg8[%swap3A], %swap3A_4 {strides = array<i32>} : memref<128xf32, #tpu.memory_space<vmem>>, vector<16xf32>,
    %broadcast_in_dim3A_5 = arith.constant 1.000000e+00 : f32
    %broadcast_in_dim3A_6 = vector.broadcast %broadcast_in_dim3A_5 : f32 to vector<16xf32>
    %swap3A_7 = arith.constant 16 : index
    %swap3A_8 = tpu.vector_load %arg8[%swap3A_7] {strides = array<i32>} : memref<128xf32, #tpu.memory_space<vmem>>, vector<16xf32>,
    %swap3A_9 = vector.shape_cast %swap3A_8 : vector<16xf32> to vector<16xf32>
    %swap3A_10 = vector.shape_cast %broadcast_in_dim3A_6 : vector<16xf32> to vector<16xf32>
    tpu.vector_store %arg8[%swap3A_7], %swap3A_10 {strides = array<i32>} : memref<128xf32, #tpu.memory_space<vmem>>, vector<16xf32>,
    %broadcast_in_dim3A_11 = arith.constant 1.000000e+00 : f32
    %broadcast_in_dim3A_12 = vector.broadcast %broadcast_in_dim3A_11 : f32 to vector<16xf32>
    %swap3A_13 = arith.constant 32 : index
    %swap3A_14 = tpu.vector_load %arg8[%swap3A_13] {strides = array<i32>} : memref<128xf32, #tpu.memory_space<vmem>>, vector<16xf32>,
    %swap3A_15 = vector.shape_cast %swap3A_14 : vector<16xf32> to vector<16xf32>
    %swap3A_16 = vector.shape_cast %broadcast_in_dim3A_12 : vector<16xf32> to vector<16xf32>
    tpu.vector_store %arg8[%swap3A_13], %swap3A_16 {strides = array<i32>} : memref<128xf32, #tpu.memory_space<vmem>>, vector<16xf32>,
    %broadcast_in_dim3A_17 = arith.constant 1.000000e+00 : f32
    %broadcast_in_dim3A_18 = vector.broadcast %broadcast_in_dim3A_17 : f32 to vector<16xf32>
    %swap3A_19 = arith.constant 48 : index
    %swap3A_20 = tpu.vector_load %arg8[%swap3A_19] {strides = array<i32>} : memref<128xf32, #tpu.memory_space<vmem>>, vector<16xf32>,
    %swap3A_21 = vector.shape_cast %swap3A_20 : vector<16xf32> to vector<16xf32>
    %swap3A_22 = vector.shape_cast %broadcast_in_dim3A_18 : vector<16xf32> to vector<16xf32>
    tpu.vector_store %arg8[%swap3A_19], %swap3A_22 {strides = array<i32>} : memref<128xf32, #tpu.memory_space<vmem>>, vector<16xf32>,
    %broadcast_in_dim3A_23 = arith.constant 1.000000e+00 : f32
    %broadcast_in_dim3A_24 = vector.broadcast %broadcast_in_dim3A_23 : f32 to vector<16xf32>
    %swap3A_25 = arith.constant 64 : index
    %swap3A_26 = tpu.vector_load %arg8[%swap3A_25] {strides = array<i32>} : memref<128xf32, #tpu.memory_space<vmem>>, vector<16xf32>,
    %swap3A_27 = vector.shape_cast %swap3A_26 : vector<16xf32> to vector<16xf32>
    %swap3A_28 = vector.shape_cast %broadcast_in_dim3A_24 : vector<16xf32> to vector<16xf32>
    tpu.vector_store %arg8[%swap3A_25], %swap3A_28 {strides = array<i32>} : memref<128xf32, #tpu.memory_space<vmem>>, vector<16xf32>,
    %broadcast_in_dim3A_29 = arith.constant 1.000000e+00 : f32
    %broadcast_in_dim3A_30 = vector.broadcast %broadcast_in_dim3A_29 : f32 to vector<16xf32>
    %swap3A_31 = arith.constant 80 : index
    %swap3A_32 = tpu.vector_load %arg8[%swap3A_31] {strides = array<i32>} : memref<128xf32, #tpu.memory_space<vmem>>, vector<16xf32>,
    %swap3A_33 = vector.shape_cast %swap3A_32 : vector<16xf32> to vector<16xf32>
    %swap3A_34 = vector.shape_cast %broadcast_in_dim3A_30 : vector<16xf32> to vector<16xf32>
    tpu.vector_store %arg8[%swap3A_31], %swap3A_34 {strides = array<i32>} : memref<128xf32, #tpu.memory_space<vmem>>, vector<16xf32>,
    %broadcast_in_dim3A_35 = arith.constant 1.000000e+00 : f32
    %broadcast_in_dim3A_36 = vector.broadcast %broadcast_in_dim3A_35 : f32 to vector<16xf32>
    %swap3A_37 = arith.constant 96 : index
    %swap3A_38 = tpu.vector_load %arg8[%swap3A_37] {strides = array<i32>} : memref<128xf32, #tpu.memory_space<vmem>>, vector<16xf32>,
    %swap3A_39 = vector.shape_cast %swap3A_38 : vector<16xf32> to vector<16xf32>
    %swap3A_40 = vector.shape_cast %broadcast_in_dim3A_36 : vector<16xf32> to vector<16xf32>
    tpu.vector_store %arg8[%swap3A_37], %swap3A_40 {strides = array<i32>} : memref<128xf32, #tpu.memory_space<vmem>>, vector<16xf32>,
    %broadcast_in_dim3A_41 = arith.constant 1.000000e+00 : f32
    %broadcast_in_dim3A_42 = vector.broadcast %broadcast_in_dim3A_41 : f32 to vector<16xf32>
    %swap3A_43 = arith.constant 112 : index
    %swap3A_44 = tpu.vector_load %arg8[%swap3A_43] {strides = array<i32>} : memref<128xf32, #tpu.memory_space<vmem>>, vector<16xf32>,
    %swap3A_45 = vector.shape_cast %swap3A_44 : vector<16xf32> to vector<16xf32>
    %swap3A_46 = vector.shape_cast %broadcast_in_dim3A_42 : vector<16xf32> to vector<16xf32>
    tpu.vector_store %arg8[%swap3A_43], %swap3A_46 {strides = array<i32>} : memref<128xf32, #tpu.memory_space<vmem>>, vector<16xf32>,
    "tpu.region"() ({
      %run_scoped3A = tpu.sem_alloc : memref<!tpu.dma_semaphore, #tpu.memory_space<semaphore_mem>>
      %dma_start3A = arith.constant 0 : i32
      %dma_start3A_83 = tpu.memref_slice %arg4[%dma_start3A] : memref<10240xf32, #tpu.memory_space<hbm>> -> memref<640xf32, #tpu.memory_space<hbm>>
      %dma_start3A_84 = arith.constant 0 : i32
      %dma_start3A_85 = tpu.memref_slice %arg4[%dma_start3A_84] : memref<10240xf32, #tpu.memory_space<hbm>> -> memref<640xf32, #tpu.memory_space<hbm>>
      tpu.enqueue_dma source(%dma_start3A_85 : memref<640xf32, #tpu.memory_space<hbm>>) target(%arg9 : memref<640xf32, #tpu.memory_space<vmem>>) target_semaphore(%run_scoped3A : memref<!tpu.dma_semaphore, #tpu.memory_space<semaphore_mem>>)
      %dma_wait3A = arith.constant 0 : i32
      %dma_wait3A_86 = tpu.memref_slice %arg4[%dma_wait3A] : memref<10240xf32, #tpu.memory_space<hbm>> -> memref<640xf32, #tpu.memory_space<hbm>>
      %dma_wait3A_87 = arith.constant 0 : i32
      %dma_wait3A_88 = tpu.memref_slice %arg4[%dma_wait3A_87] : memref<10240xf32, #tpu.memory_space<hbm>> -> memref<640xf32, #tpu.memory_space<hbm>>
      tpu.wait_dma2 semaphore(%run_scoped3A : memref<!tpu.dma_semaphore, #tpu.memory_space<semaphore_mem>>) src(%dma_wait3A_88 : memref<640xf32, #tpu.memory_space<hbm>>) dst(%arg9 : memref<640xf32, #tpu.memory_space<vmem>>)
      tpu.yield
    }) : () -> ()
    %mul3A_47 = arith.constant 640 : i32
    %mul3A_48 = arith.muli %arg1, %mul3A_47 : i32
    "tpu.region"() ({
      %run_scoped3A = tpu.sem_alloc : memref<!tpu.dma_semaphore, #tpu.memory_space<semaphore_mem>>
      %dma_start3A = tpu.memref_slice %arg10[%mul3A_48] : memref<10240xf32, #tpu.memory_space<vmem_shared>> -> memref<640xf32, #tpu.memory_space<vmem_shared>>
      %dma_start3A_83 = tpu.memref_slice %arg10[%mul3A_48] : memref<10240xf32, #tpu.memory_space<vmem_shared>> -> memref<640xf32, #tpu.memory_space<vmem_shared>>
      tpu.enqueue_dma source(%arg9 : memref<640xf32, #tpu.memory_space<vmem>>) target(%dma_start3A_83 : memref<640xf32, #tpu.memory_space<vmem_shared>>) target_semaphore(%run_scoped3A : memref<!tpu.dma_semaphore, #tpu.memory_space<semaphore_mem>>)
      %dma_wait3A = tpu.memref_slice %arg10[%mul3A_48] : memref<10240xf32, #tpu.memory_space<vmem_shared>> -> memref<640xf32, #tpu.memory_space<vmem_shared>>
      %dma_wait3A_84 = tpu.memref_slice %arg10[%mul3A_48] : memref<10240xf32, #tpu.memory_space<vmem_shared>> -> memref<640xf32, #tpu.memory_space<vmem_shared>>
      tpu.wait_dma2 semaphore(%run_scoped3A : memref<!tpu.dma_semaphore, #tpu.memory_space<semaphore_mem>>) src(%arg9 : memref<640xf32, #tpu.memory_space<vmem>>) dst(%dma_wait3A_84 : memref<640xf32, #tpu.memory_space<vmem_shared>>)
      tpu.yield
    }) : () -> ()
    %mul3A_49 = arith.constant 640 : i32
    %mul3A_50 = arith.muli %arg1, %mul3A_49 : i32
    "tpu.region"() ({
      %run_scoped3A = tpu.sem_alloc : memref<!tpu.dma_semaphore, #tpu.memory_space<semaphore_mem>>
      %dma_start3A = tpu.memref_slice %arg11[%mul3A_50] : memref<10240xf32, #tpu.memory_space<vmem_shared>> -> memref<640xf32, #tpu.memory_space<vmem_shared>>
      %dma_start3A_83 = tpu.memref_slice %arg11[%mul3A_50] : memref<10240xf32, #tpu.memory_space<vmem_shared>> -> memref<640xf32, #tpu.memory_space<vmem_shared>>
      tpu.enqueue_dma source(%arg9 : memref<640xf32, #tpu.memory_space<vmem>>) target(%dma_start3A_83 : memref<640xf32, #tpu.memory_space<vmem_shared>>) target_semaphore(%run_scoped3A : memref<!tpu.dma_semaphore, #tpu.memory_space<semaphore_mem>>)
      %dma_wait3A = tpu.memref_slice %arg11[%mul3A_50] : memref<10240xf32, #tpu.memory_space<vmem_shared>> -> memref<640xf32, #tpu.memory_space<vmem_shared>>
      %dma_wait3A_84 = tpu.memref_slice %arg11[%mul3A_50] : memref<10240xf32, #tpu.memory_space<vmem_shared>> -> memref<640xf32, #tpu.memory_space<vmem_shared>>
      tpu.wait_dma2 semaphore(%run_scoped3A : memref<!tpu.dma_semaphore, #tpu.memory_space<semaphore_mem>>) src(%arg9 : memref<640xf32, #tpu.memory_space<vmem>>) dst(%dma_wait3A_84 : memref<640xf32, #tpu.memory_space<vmem_shared>>)
      tpu.yield
    }) : () -> ()
    %mul3A_51 = arith.constant 40 : i32
    %mul3A_52 = arith.muli %add3A, %mul3A_51 : i32
    "tpu.region"() ({
      %run_scoped3A = tpu.sem_alloc : memref<!tpu.dma_semaphore, #tpu.memory_space<semaphore_mem>>
      %dma_start3A = arith.constant 0 : i32
      %dma_start3A_83 = tpu.memref_slice %arg2[%mul3A_52, %dma_start3A] : memref<1280x128xi32, #tpu.memory_space<hbm>> -> memref<40x128xi32, #tpu.memory_space<hbm>>
      %dma_start3A_84 = arith.constant 0 : i32
      %dma_start3A_85 = tpu.memref_slice %arg2[%mul3A_52, %dma_start3A_84] : memref<1280x128xi32, #tpu.memory_space<hbm>> -> memref<40x128xi32, #tpu.memory_space<hbm>>
      tpu.enqueue_dma source(%dma_start3A_85 : memref<40x128xi32, #tpu.memory_space<hbm>>) target(%arg6 : memref<40x128xi32, #tpu.memory_space<vmem>>) target_semaphore(%run_scoped3A : memref<!tpu.dma_semaphore, #tpu.memory_space<semaphore_mem>>)
      %dma_wait3A = arith.constant 0 : i32
      %dma_wait3A_86 = tpu.memref_slice %arg2[%mul3A_52, %dma_wait3A] : memref<1280x128xi32, #tpu.memory_space<hbm>> -> memref<40x128xi32, #tpu.memory_space<hbm>>
      %dma_wait3A_87 = arith.constant 0 : i32
      %dma_wait3A_88 = tpu.memref_slice %arg2[%mul3A_52, %dma_wait3A_87] : memref<1280x128xi32, #tpu.memory_space<hbm>> -> memref<40x128xi32, #tpu.memory_space<hbm>>
      tpu.wait_dma2 semaphore(%run_scoped3A : memref<!tpu.dma_semaphore, #tpu.memory_space<semaphore_mem>>) src(%dma_wait3A_88 : memref<40x128xi32, #tpu.memory_space<hbm>>) dst(%arg6 : memref<40x128xi32, #tpu.memory_space<vmem>>)
      tpu.yield
    }) : () -> ()
    %mul3A_53 = arith.constant 40 : i32
    %mul3A_54 = arith.muli %add3A, %mul3A_53 : i32
    "tpu.region"() ({
      %run_scoped3A = tpu.sem_alloc : memref<!tpu.dma_semaphore, #tpu.memory_space<semaphore_mem>>
      %dma_start3A = arith.constant 0 : i32
      %dma_start3A_83 = tpu.memref_slice %arg3[%mul3A_54, %dma_start3A] : memref<1280x128xi32, #tpu.memory_space<hbm>> -> memref<40x128xi32, #tpu.memory_space<hbm>>
      %dma_start3A_84 = arith.constant 0 : i32
      %dma_start3A_85 = tpu.memref_slice %arg3[%mul3A_54, %dma_start3A_84] : memref<1280x128xi32, #tpu.memory_space<hbm>> -> memref<40x128xi32, #tpu.memory_space<hbm>>
      tpu.enqueue_dma source(%dma_start3A_85 : memref<40x128xi32, #tpu.memory_space<hbm>>) target(%arg7 : memref<40x128xi32, #tpu.memory_space<vmem>>) target_semaphore(%run_scoped3A : memref<!tpu.dma_semaphore, #tpu.memory_space<semaphore_mem>>)
      %dma_wait3A = arith.constant 0 : i32
      %dma_wait3A_86 = tpu.memref_slice %arg3[%mul3A_54, %dma_wait3A] : memref<1280x128xi32, #tpu.memory_space<hbm>> -> memref<40x128xi32, #tpu.memory_space<hbm>>
      %dma_wait3A_87 = arith.constant 0 : i32
      %dma_wait3A_88 = tpu.memref_slice %arg3[%mul3A_54, %dma_wait3A_87] : memref<1280x128xi32, #tpu.memory_space<hbm>> -> memref<40x128xi32, #tpu.memory_space<hbm>>
      tpu.wait_dma2 semaphore(%run_scoped3A : memref<!tpu.dma_semaphore, #tpu.memory_space<semaphore_mem>>) src(%dma_wait3A_88 : memref<40x128xi32, #tpu.memory_space<hbm>>) dst(%arg7 : memref<40x128xi32, #tpu.memory_space<vmem>>)
      tpu.yield
    }) : () -> ()
    %barrier3A = arith.constant 0 : index
    tpu.barrier barrier_id(%barrier3A)
    %scan3A = arith.constant 0 : i32
    %scan3A_55 = arith.constant 0 : i32
    %scan3A_56 = arith.constant 40 : i32
    %scan3A_57 = arith.addi %scan3A_55, %scan3A_56 : i32
    %scan3A_58 = arith.constant 1 : i32
    scf.for %scan3A_83 = %scan3A_55 to %scan3A_57 step %scan3A_58  : i32 {
      "tpu.region"() ({
        %run_scoped3A = tpu.sem_alloc : memref<!tpu.dma_semaphore, #tpu.memory_space<semaphore_mem>>
        %dma_start3A = arith.constant 0 : i32
        %dma_start3A_84 = tpu.memref_slice %arg6[%scan3A_83, %dma_start3A] : memref<40x128xi32, #tpu.memory_space<vmem>> -> memref<1x128xi32, #tpu.memory_space<vmem>>
        %dma_start3A_85 = tpu.memref_squeeze %dma_start3A_84 : memref<1x128xi32, #tpu.memory_space<vmem>> -> memref<128xi32, #tpu.memory_space<vmem>>
        %dma_start3A_86 = arith.constant 0 : i32
        %dma_start3A_87 = tpu.memref_slice %arg10[%dma_start3A_86] : memref<10240xf32, #tpu.memory_space<vmem_shared>> -> memref<10240xf32, #tpu.memory_space<vmem_shared>>
        tpu.enqueue_indirect_dma source(%arg8 : memref<128xf32, #tpu.memory_space<vmem>>) target(%dma_start3A_87 : memref<10240xf32, #tpu.memory_space<vmem_shared>>) offsets(%dma_start3A_85 : memref<128xi32, #tpu.memory_space<vmem>>) semaphore(%run_scoped3A : memref<!tpu.dma_semaphore, #tpu.memory_space<semaphore_mem>>) {add = true}
        %dma_wait3A = arith.constant 0 : i32
        %dma_wait3A_88 = tpu.memref_slice %arg6[%scan3A_83, %dma_wait3A] : memref<40x128xi32, #tpu.memory_space<vmem>> -> memref<1x128xi32, #tpu.memory_space<vmem>>
        %dma_wait3A_89 = tpu.memref_squeeze %dma_wait3A_88 : memref<1x128xi32, #tpu.memory_space<vmem>> -> memref<128xi32, #tpu.memory_space<vmem>>
        %dma_wait3A_90 = arith.constant 0 : i32
        %dma_wait3A_91 = tpu.memref_slice %arg10[%dma_wait3A_90] : memref<10240xf32, #tpu.memory_space<vmem_shared>> -> memref<10240xf32, #tpu.memory_space<vmem_shared>>
        tpu.wait_indirect_dma semaphore(%run_scoped3A : memref<!tpu.dma_semaphore, #tpu.memory_space<semaphore_mem>>) src(%arg8 : memref<128xf32, #tpu.memory_space<vmem>>) dst(%dma_wait3A_91 : memref<10240xf32, #tpu.memory_space<vmem_shared>>)
        tpu.yield
      }) : () -> ()
      "tpu.region"() ({
        %run_scoped3A = tpu.sem_alloc : memref<!tpu.dma_semaphore, #tpu.memory_space<semaphore_mem>>
        %dma_start3A = arith.constant 0 : i32
        %dma_start3A_84 = tpu.memref_slice %arg7[%scan3A_83, %dma_start3A] : memref<40x128xi32, #tpu.memory_space<vmem>> -> memref<1x128xi32, #tpu.memory_space<vmem>>
        %dma_start3A_85 = tpu.memref_squeeze %dma_start3A_84 : memref<1x128xi32, #tpu.memory_space<vmem>> -> memref<128xi32, #tpu.memory_space<vmem>>
        %dma_start3A_86 = arith.constant 0 : i32
        %dma_start3A_87 = tpu.memref_slice %arg11[%dma_start3A_86] : memref<10240xf32, #tpu.memory_space<vmem_shared>> -> memref<10240xf32, #tpu.memory_space<vmem_shared>>
        tpu.enqueue_indirect_dma source(%arg8 : memref<128xf32, #tpu.memory_space<vmem>>) target(%dma_start3A_87 : memref<10240xf32, #tpu.memory_space<vmem_shared>>) offsets(%dma_start3A_85 : memref<128xi32, #tpu.memory_space<vmem>>) semaphore(%run_scoped3A : memref<!tpu.dma_semaphore, #tpu.memory_space<semaphore_mem>>) {add = true}
        %dma_wait3A = arith.constant 0 : i32
        %dma_wait3A_88 = tpu.memref_slice %arg7[%scan3A_83, %dma_wait3A] : memref<40x128xi32, #tpu.memory_space<vmem>> -> memref<1x128xi32, #tpu.memory_space<vmem>>
        %dma_wait3A_89 = tpu.memref_squeeze %dma_wait3A_88 : memref<1x128xi32, #tpu.memory_space<vmem>> -> memref<128xi32, #tpu.memory_space<vmem>>
        %dma_wait3A_90 = arith.constant 0 : i32
        %dma_wait3A_91 = tpu.memref_slice %arg11[%dma_wait3A_90] : memref<10240xf32, #tpu.memory_space<vmem_shared>> -> memref<10240xf32, #tpu.memory_space<vmem_shared>>
        tpu.wait_indirect_dma semaphore(%run_scoped3A : memref<!tpu.dma_semaphore, #tpu.memory_space<semaphore_mem>>) src(%arg8 : memref<128xf32, #tpu.memory_space<vmem>>) dst(%dma_wait3A_91 : memref<10240xf32, #tpu.memory_space<vmem_shared>>)
        tpu.yield
      }) : () -> ()
    }
    %scan3A_59 = arith.constant 40 : i32
    %barrier3A_60 = arith.constant 0 : index
    tpu.barrier barrier_id(%barrier3A_60)
    %mul3A_61 = arith.constant 640 : i32
    %mul3A_62 = arith.muli %arg1, %mul3A_61 : i32
    "tpu.region"() ({
      %run_scoped3A = tpu.sem_alloc : memref<!tpu.dma_semaphore, #tpu.memory_space<semaphore_mem>>
      %dma_start3A = tpu.memref_slice %arg10[%mul3A_62] : memref<10240xf32, #tpu.memory_space<vmem_shared>> -> memref<640xf32, #tpu.memory_space<vmem_shared>>
      %dma_start3A_83 = tpu.memref_slice %arg10[%mul3A_62] : memref<10240xf32, #tpu.memory_space<vmem_shared>> -> memref<640xf32, #tpu.memory_space<vmem_shared>>
      tpu.enqueue_dma source(%dma_start3A_83 : memref<640xf32, #tpu.memory_space<vmem_shared>>) target(%arg9 : memref<640xf32, #tpu.memory_space<vmem>>) target_semaphore(%run_scoped3A : memref<!tpu.dma_semaphore, #tpu.memory_space<semaphore_mem>>)
      %dma_wait3A = tpu.memref_slice %arg10[%mul3A_62] : memref<10240xf32, #tpu.memory_space<vmem_shared>> -> memref<640xf32, #tpu.memory_space<vmem_shared>>
      %dma_wait3A_84 = tpu.memref_slice %arg10[%mul3A_62] : memref<10240xf32, #tpu.memory_space<vmem_shared>> -> memref<640xf32, #tpu.memory_space<vmem_shared>>
      tpu.wait_dma2 semaphore(%run_scoped3A : memref<!tpu.dma_semaphore, #tpu.memory_space<semaphore_mem>>) src(%dma_wait3A_84 : memref<640xf32, #tpu.memory_space<vmem_shared>>) dst(%arg9 : memref<640xf32, #tpu.memory_space<vmem>>)
      tpu.yield
    }) : () -> ()
    %mul3A_63 = arith.constant 2 : i32
    %mul3A_64 = arith.muli %arg0, %mul3A_63 : i32
    %add3A_65 = arith.constant 0 : i32
    %add3A_66 = arith.addi %mul3A_64, %add3A_65 : i32
    %mul3A_67 = arith.constant 10240 : i32
    %mul3A_68 = arith.muli %add3A_66, %mul3A_67 : i32
    %mul3A_69 = arith.constant 640 : i32
    %mul3A_70 = arith.muli %arg1, %mul3A_69 : i32
    %add3A_71 = arith.addi %mul3A_68, %mul3A_70 : i32
    "tpu.region"() ({
      %run_scoped3A = tpu.sem_alloc : memref<!tpu.dma_semaphore, #tpu.memory_space<semaphore_mem>>
      %dma_start3A = tpu.memref_slice %arg5[%add3A_71] : memref<40960xf32, #tpu.memory_space<hbm>> -> memref<640xf32, #tpu.memory_space<hbm>>
      %dma_start3A_83 = tpu.memref_slice %arg5[%add3A_71] : memref<40960xf32, #tpu.memory_space<hbm>> -> memref<640xf32, #tpu.memory_space<hbm>>
      tpu.enqueue_dma source(%arg9 : memref<640xf32, #tpu.memory_space<vmem>>) target(%dma_start3A_83 : memref<640xf32, #tpu.memory_space<hbm>>) target_semaphore(%run_scoped3A : memref<!tpu.dma_semaphore, #tpu.memory_space<semaphore_mem>>)
      %dma_wait3A = tpu.memref_slice %arg5[%add3A_71] : memref<40960xf32, #tpu.memory_space<hbm>> -> memref<640xf32, #tpu.memory_space<hbm>>
      %dma_wait3A_84 = tpu.memref_slice %arg5[%add3A_71] : memref<40960xf32, #tpu.memory_space<hbm>> -> memref<640xf32, #tpu.memory_space<hbm>>
      tpu.wait_dma2 semaphore(%run_scoped3A : memref<!tpu.dma_semaphore, #tpu.memory_space<semaphore_mem>>) src(%arg9 : memref<640xf32, #tpu.memory_space<vmem>>) dst(%dma_wait3A_84 : memref<640xf32, #tpu.memory_space<hbm>>)
      tpu.yield
    }) : () -> ()
    %mul3A_72 = arith.constant 640 : i32
    %mul3A_73 = arith.muli %arg1, %mul3A_72 : i32
    "tpu.region"() ({
      %run_scoped3A = tpu.sem_alloc : memref<!tpu.dma_semaphore, #tpu.memory_space<semaphore_mem>>
      %dma_start3A = tpu.memref_slice %arg11[%mul3A_73] : memref<10240xf32, #tpu.memory_space<vmem_shared>> -> memref<640xf32, #tpu.memory_space<vmem_shared>>
      %dma_start3A_83 = tpu.memref_slice %arg11[%mul3A_73] : memref<10240xf32, #tpu.memory_space<vmem_shared>> -> memref<640xf32, #tpu.memory_space<vmem_shared>>
      tpu.enqueue_dma source(%dma_start3A_83 : memref<640xf32, #tpu.memory_space<vmem_shared>>) target(%arg9 : memref<640xf32, #tpu.memory_space<vmem>>) target_semaphore(%run_scoped3A : memref<!tpu.dma_semaphore, #tpu.memory_space<semaphore_mem>>)
      %dma_wait3A = tpu.memref_slice %arg11[%mul3A_73] : memref<10240xf32, #tpu.memory_space<vmem_shared>> -> memref<640xf32, #tpu.memory_space<vmem_shared>>
      %dma_wait3A_84 = tpu.memref_slice %arg11[%mul3A_73] : memref<10240xf32, #tpu.memory_space<vmem_shared>> -> memref<640xf32, #tpu.memory_space<vmem_shared>>
      tpu.wait_dma2 semaphore(%run_scoped3A : memref<!tpu.dma_semaphore, #tpu.memory_space<semaphore_mem>>) src(%dma_wait3A_84 : memref<640xf32, #tpu.memory_space<vmem_shared>>) dst(%arg9 : memref<640xf32, #tpu.memory_space<vmem>>)
      tpu.yield
    }) : () -> ()
    %mul3A_74 = arith.constant 2 : i32
    %mul3A_75 = arith.muli %arg0, %mul3A_74 : i32
    %add3A_76 = arith.constant 1 : i32
    %add3A_77 = arith.addi %mul3A_75, %add3A_76 : i32
    %mul3A_78 = arith.constant 10240 : i32
    %mul3A_79 = arith.muli %add3A_77, %mul3A_78 : i32
    %mul3A_80 = arith.constant 640 : i32
    %mul3A_81 = arith.muli %arg1, %mul3A_80 : i32
    %add3A_82 = arith.addi %mul3A_79, %mul3A_81 : i32
    "tpu.region"() ({
      %run_scoped3A = tpu.sem_alloc : memref<!tpu.dma_semaphore, #tpu.memory_space<semaphore_mem>>
      %dma_start3A = tpu.memref_slice %arg5[%add3A_82] : memref<40960xf32, #tpu.memory_space<hbm>> -> memref<640xf32, #tpu.memory_space<hbm>>
      %dma_start3A_83 = tpu.memref_slice %arg5[%add3A_82] : memref<40960xf32, #tpu.memory_space<hbm>> -> memref<640xf32, #tpu.memory_space<hbm>>
      tpu.enqueue_dma source(%arg9 : memref<640xf32, #tpu.memory_space<vmem>>) target(%dma_start3A_83 : memref<640xf32, #tpu.memory_space<hbm>>) target_semaphore(%run_scoped3A : memref<!tpu.dma_semaphore, #tpu.memory_space<semaphore_mem>>)
      %dma_wait3A = tpu.memref_slice %arg5[%add3A_82] : memref<40960xf32, #tpu.memory_space<hbm>> -> memref<640xf32, #tpu.memory_space<hbm>>
      %dma_wait3A_84 = tpu.memref_slice %arg5[%add3A_82] : memref<40960xf32, #tpu.memory_space<hbm>> -> memref<640xf32, #tpu.memory_space<hbm>>
      tpu.wait_dma2 semaphore(%run_scoped3A : memref<!tpu.dma_semaphore, #tpu.memory_space<semaphore_mem>>) src(%arg9 : memref<640xf32, #tpu.memory_space<vmem>>) dst(%dma_wait3A_84 : memref<640xf32, #tpu.memory_space<hbm>>)
      tpu.yield
    }) : () -> ()
    return
  }
}

module attributes {stable_mosaic.version = 14 : i64} {
  func.func @_bigk_kernel(%arg0: i32, %arg1: memref<400x10000xf32, #tpu.memory_space<vmem>>, %arg2: memref<10000x128xf32, #tpu.memory_space<vmem>>, %arg3: memref<1x128xf32, #tpu.memory_space<vmem>>, %arg4: memref<400x128xf32, #tpu.memory_space<vmem>>) attributes {dimension_semantics = [#tpu.dimension_semantics<arbitrary>], iteration_bounds = array<i64: 25>, scalar_prefetch = 0 : i64, scratch_operands = 0 : i64, tpu.core_type = #tpu.core_type<tc>, window_params = [{transform_indices = @transform_0, window_bounds = array<i64: 400, 10000>}, {pipeline_mode = #tpu.pipeline_mode<synchronous>, transform_indices = @transform_1, window_bounds = array<i64: 10000, 128>}, {pipeline_mode = #tpu.pipeline_mode<synchronous>, transform_indices = @transform_2, window_bounds = array<i64: 1, 128>}, {transform_indices = @transform_3, window_bounds = array<i64: 400, 128>}]} {
    %get3A = arith.constant 0 : index
    %get3A_0 = arith.constant 0 : index
    %get3A_1 = vector.load %arg1[%get3A, %get3A_0] : memref<400x10000xf32, #tpu.memory_space<vmem>>, vector<400x10000xf32>
    %get3A_2 = arith.constant 0 : index
    %get3A_3 = arith.constant 0 : index
    %get3A_4 = vector.load %arg2[%get3A_2, %get3A_3] : memref<10000x128xf32, #tpu.memory_space<vmem>>, vector<10000x128xf32>
    %dot_general3A = arith.constant dense<0.000000e+00> : vector<400x128xf32>
    %dot_general3A_5 = tpu.matmul %get3A_1, %get3A_4, %dot_general3A {dimension_numbers = #tpu.dot_dimension_numbers<[1], [0], [0], [1], [0, 0, 1, 1], [], []>, transpose_lhs_hint = false} : vector<400x10000xf32>, vector<10000x128xf32>, vector<400x128xf32> -> vector<400x128xf32>
    %get3A_6 = arith.constant 0 : index
    %get3A_7 = arith.constant 0 : index
    %get3A_8 = vector.load %arg3[%get3A_6, %get3A_7] : memref<1x128xf32, #tpu.memory_space<vmem>>, vector<1x128xf32>
    %add3A = vector.broadcast %get3A_8 : vector<1x128xf32> to vector<400x128xf32>
    %add3A_9 = arith.addf %dot_general3A_5, %add3A : vector<400x128xf32>
    %max3A = arith.constant 0.000000e+00 : f32
    %max3A_10 = vector.broadcast %max3A : f32 to vector<400x128xf32>
    %max3A_11 = arith.maximumf %add3A_9, %max3A_10 : vector<400x128xf32>
    %swap3A = arith.constant 0 : index
    %swap3A_12 = arith.constant 0 : index
    %swap3A_13 = vector.load %arg4[%swap3A, %swap3A_12] : memref<400x128xf32, #tpu.memory_space<vmem>>, vector<400x128xf32>
    tpu.vector_store %arg4[%swap3A, %swap3A_12], %max3A_11 {strides = array<i32>} : memref<400x128xf32, #tpu.memory_space<vmem>>, vector<400x128xf32>,
    return
  }
  func.func @transform_0(%arg0: i32) -> (i32, i32) {
    %c0_i32 = arith.constant 0 : i32
    %c0_i32_0 = arith.constant 0 : i32
    return %arg0, %c0_i32 : i32, i32
  }
  func.func @transform_1(%arg0: i32) -> (i32, i32) {
    %c0_i32 = arith.constant 0 : i32
    %c0_i32_0 = arith.constant 0 : i32
    %c0_i32_1 = arith.constant 0 : i32
    return %c0_i32, %c0_i32_0 : i32, i32
  }
  func.func @transform_2(%arg0: i32) -> (i32, i32) {
    %c0_i32 = arith.constant 0 : i32
    %c0_i32_0 = arith.constant 0 : i32
    %c0_i32_1 = arith.constant 0 : i32
    return %c0_i32, %c0_i32_0 : i32, i32
  }
  func.func @transform_3(%arg0: i32) -> (i32, i32) {
    %c0_i32 = arith.constant 0 : i32
    %c0_i32_0 = arith.constant 0 : i32
    return %arg0, %c0_i32 : i32, i32
  }
}

module attributes {stable_mosaic.version = 14 : i64} {
  func.func @_mm_kernel(%arg0: i32, %arg1: memref<1000x128xf32, #tpu.memory_space<vmem>>, %arg2: memref<128x64xf32, #tpu.memory_space<vmem>>, %arg3: memref<1x64xf32, #tpu.memory_space<vmem>>, %arg4: memref<1000x64xf32, #tpu.memory_space<vmem>>) attributes {dimension_semantics = [#tpu.dimension_semantics<arbitrary>], iteration_bounds = array<i64: 10>, scalar_prefetch = 0 : i64, scratch_operands = 0 : i64, tpu.core_type = #tpu.core_type<tc>, window_params = [{transform_indices = @transform_0, window_bounds = array<i64: 1000, 128>}, {pipeline_mode = #tpu.pipeline_mode<synchronous>, transform_indices = @transform_1, window_bounds = array<i64: 128, 64>}, {pipeline_mode = #tpu.pipeline_mode<synchronous>, transform_indices = @transform_2, window_bounds = array<i64: 1, 64>}, {transform_indices = @transform_3, window_bounds = array<i64: 1000, 64>}]} {
    %get3A = arith.constant 0 : index
    %get3A_0 = arith.constant 0 : index
    %get3A_1 = vector.load %arg1[%get3A, %get3A_0] : memref<1000x128xf32, #tpu.memory_space<vmem>>, vector<1000x128xf32>
    %get3A_2 = arith.constant 0 : index
    %get3A_3 = arith.constant 0 : index
    %get3A_4 = vector.load %arg2[%get3A_2, %get3A_3] : memref<128x64xf32, #tpu.memory_space<vmem>>, vector<128x64xf32>
    %dot_general3A = arith.constant dense<0.000000e+00> : vector<1000x64xf32>
    %dot_general3A_5 = tpu.matmul %get3A_1, %get3A_4, %dot_general3A {dimension_numbers = #tpu.dot_dimension_numbers<[1], [0], [0], [1], [0, 0, 1, 1], [], []>, transpose_lhs_hint = false} : vector<1000x128xf32>, vector<128x64xf32>, vector<1000x64xf32> -> vector<1000x64xf32>
    %get3A_6 = arith.constant 0 : index
    %get3A_7 = arith.constant 0 : index
    %get3A_8 = vector.load %arg3[%get3A_6, %get3A_7] : memref<1x64xf32, #tpu.memory_space<vmem>>, vector<1x64xf32>
    %add3A = vector.broadcast %get3A_8 : vector<1x64xf32> to vector<1000x64xf32>
    %add3A_9 = arith.addf %dot_general3A_5, %add3A : vector<1000x64xf32>
    %max3A = arith.constant 0.000000e+00 : f32
    %max3A_10 = vector.broadcast %max3A : f32 to vector<1000x64xf32>
    %max3A_11 = arith.maximumf %add3A_9, %max3A_10 : vector<1000x64xf32>
    %swap3A = arith.constant 0 : index
    %swap3A_12 = arith.constant 0 : index
    %swap3A_13 = vector.load %arg4[%swap3A, %swap3A_12] : memref<1000x64xf32, #tpu.memory_space<vmem>>, vector<1000x64xf32>
    tpu.vector_store %arg4[%swap3A, %swap3A_12], %max3A_11 {strides = array<i32>} : memref<1000x64xf32, #tpu.memory_space<vmem>>, vector<1000x64xf32>,
    return
  }
  func.func @transform_0(%arg0: i32) -> (i32, i32) {
    %c0_i32 = arith.constant 0 : i32
    %c0_i32_0 = arith.constant 0 : i32
    return %arg0, %c0_i32 : i32, i32
  }
  func.func @transform_1(%arg0: i32) -> (i32, i32) {
    %c0_i32 = arith.constant 0 : i32
    %c0_i32_0 = arith.constant 0 : i32
    %c0_i32_1 = arith.constant 0 : i32
    return %c0_i32, %c0_i32_0 : i32, i32
  }
  func.func @transform_2(%arg0: i32) -> (i32, i32) {
    %c0_i32 = arith.constant 0 : i32
    %c0_i32_0 = arith.constant 0 : i32
    %c0_i32_1 = arith.constant 0 : i32
    return %c0_i32, %c0_i32_0 : i32, i32
  }
  func.func @transform_3(%arg0: i32) -> (i32, i32) {
    %c0_i32 = arith.constant 0 : i32
    %c0_i32_0 = arith.constant 0 : i32
    return %arg0, %c0_i32 : i32, i32
  }
}

module attributes {stable_mosaic.version = 14 : i64} {
  func.func @_mm_kernel(%arg0: i32, %arg1: memref<1000x64xf32, #tpu.memory_space<vmem>>, %arg2: memref<64x32xf32, #tpu.memory_space<vmem>>, %arg3: memref<1x32xf32, #tpu.memory_space<vmem>>, %arg4: memref<1000x32xf32, #tpu.memory_space<vmem>>) attributes {dimension_semantics = [#tpu.dimension_semantics<arbitrary>], iteration_bounds = array<i64: 10>, scalar_prefetch = 0 : i64, scratch_operands = 0 : i64, tpu.core_type = #tpu.core_type<tc>, window_params = [{transform_indices = @transform_0, window_bounds = array<i64: 1000, 64>}, {pipeline_mode = #tpu.pipeline_mode<synchronous>, transform_indices = @transform_1, window_bounds = array<i64: 64, 32>}, {pipeline_mode = #tpu.pipeline_mode<synchronous>, transform_indices = @transform_2, window_bounds = array<i64: 1, 32>}, {transform_indices = @transform_3, window_bounds = array<i64: 1000, 32>}]} {
    %get3A = arith.constant 0 : index
    %get3A_0 = arith.constant 0 : index
    %get3A_1 = vector.load %arg1[%get3A, %get3A_0] : memref<1000x64xf32, #tpu.memory_space<vmem>>, vector<1000x64xf32>
    %get3A_2 = arith.constant 0 : index
    %get3A_3 = arith.constant 0 : index
    %get3A_4 = vector.load %arg2[%get3A_2, %get3A_3] : memref<64x32xf32, #tpu.memory_space<vmem>>, vector<64x32xf32>
    %dot_general3A = arith.constant dense<0.000000e+00> : vector<1000x32xf32>
    %dot_general3A_5 = tpu.matmul %get3A_1, %get3A_4, %dot_general3A {dimension_numbers = #tpu.dot_dimension_numbers<[1], [0], [0], [1], [0, 0, 1, 1], [], []>, transpose_lhs_hint = false} : vector<1000x64xf32>, vector<64x32xf32>, vector<1000x32xf32> -> vector<1000x32xf32>
    %get3A_6 = arith.constant 0 : index
    %get3A_7 = arith.constant 0 : index
    %get3A_8 = vector.load %arg3[%get3A_6, %get3A_7] : memref<1x32xf32, #tpu.memory_space<vmem>>, vector<1x32xf32>
    %add3A = vector.broadcast %get3A_8 : vector<1x32xf32> to vector<1000x32xf32>
    %add3A_9 = arith.addf %dot_general3A_5, %add3A : vector<1000x32xf32>
    %max3A = arith.constant 0.000000e+00 : f32
    %max3A_10 = vector.broadcast %max3A : f32 to vector<1000x32xf32>
    %max3A_11 = arith.maximumf %add3A_9, %max3A_10 : vector<1000x32xf32>
    %swap3A = arith.constant 0 : index
    %swap3A_12 = arith.constant 0 : index
    %swap3A_13 = vector.load %arg4[%swap3A, %swap3A_12] : memref<1000x32xf32, #tpu.memory_space<vmem>>, vector<1000x32xf32>
    tpu.vector_store %arg4[%swap3A, %swap3A_12], %max3A_11 {strides = array<i32>} : memref<1000x32xf32, #tpu.memory_space<vmem>>, vector<1000x32xf32>,
    return
  }
  func.func @transform_0(%arg0: i32) -> (i32, i32) {
    %c0_i32 = arith.constant 0 : i32
    %c0_i32_0 = arith.constant 0 : i32
    return %arg0, %c0_i32 : i32, i32
  }
  func.func @transform_1(%arg0: i32) -> (i32, i32) {
    %c0_i32 = arith.constant 0 : i32
    %c0_i32_0 = arith.constant 0 : i32
    %c0_i32_1 = arith.constant 0 : i32
    return %c0_i32, %c0_i32_0 : i32, i32
  }
  func.func @transform_2(%arg0: i32) -> (i32, i32) {
    %c0_i32 = arith.constant 0 : i32
    %c0_i32_0 = arith.constant 0 : i32
    %c0_i32_1 = arith.constant 0 : i32
    return %c0_i32, %c0_i32_0 : i32, i32
  }
  func.func @transform_3(%arg0: i32) -> (i32, i32) {
    %c0_i32 = arith.constant 0 : i32
    %c0_i32_0 = arith.constant 0 : i32
    return %arg0, %c0_i32 : i32, i32
  }
}

module attributes {stable_mosaic.version = 14 : i64} {
  func.func @_mm_kernel(%arg0: i32, %arg1: memref<1000x32xf32, #tpu.memory_space<vmem>>, %arg2: memref<32x64xf32, #tpu.memory_space<vmem>>, %arg3: memref<1x64xf32, #tpu.memory_space<vmem>>, %arg4: memref<1000x64xf32, #tpu.memory_space<vmem>>) attributes {dimension_semantics = [#tpu.dimension_semantics<arbitrary>], iteration_bounds = array<i64: 10>, scalar_prefetch = 0 : i64, scratch_operands = 0 : i64, tpu.core_type = #tpu.core_type<tc>, window_params = [{transform_indices = @transform_0, window_bounds = array<i64: 1000, 32>}, {pipeline_mode = #tpu.pipeline_mode<synchronous>, transform_indices = @transform_1, window_bounds = array<i64: 32, 64>}, {pipeline_mode = #tpu.pipeline_mode<synchronous>, transform_indices = @transform_2, window_bounds = array<i64: 1, 64>}, {transform_indices = @transform_3, window_bounds = array<i64: 1000, 64>}]} {
    %get3A = arith.constant 0 : index
    %get3A_0 = arith.constant 0 : index
    %get3A_1 = vector.load %arg1[%get3A, %get3A_0] : memref<1000x32xf32, #tpu.memory_space<vmem>>, vector<1000x32xf32>
    %get3A_2 = arith.constant 0 : index
    %get3A_3 = arith.constant 0 : index
    %get3A_4 = vector.load %arg2[%get3A_2, %get3A_3] : memref<32x64xf32, #tpu.memory_space<vmem>>, vector<32x64xf32>
    %dot_general3A = arith.constant dense<0.000000e+00> : vector<1000x64xf32>
    %dot_general3A_5 = tpu.matmul %get3A_1, %get3A_4, %dot_general3A {dimension_numbers = #tpu.dot_dimension_numbers<[1], [0], [0], [1], [0, 0, 1, 1], [], []>, transpose_lhs_hint = false} : vector<1000x32xf32>, vector<32x64xf32>, vector<1000x64xf32> -> vector<1000x64xf32>
    %get3A_6 = arith.constant 0 : index
    %get3A_7 = arith.constant 0 : index
    %get3A_8 = vector.load %arg3[%get3A_6, %get3A_7] : memref<1x64xf32, #tpu.memory_space<vmem>>, vector<1x64xf32>
    %add3A = vector.broadcast %get3A_8 : vector<1x64xf32> to vector<1000x64xf32>
    %add3A_9 = arith.addf %dot_general3A_5, %add3A : vector<1000x64xf32>
    %max3A = arith.constant 0.000000e+00 : f32
    %max3A_10 = vector.broadcast %max3A : f32 to vector<1000x64xf32>
    %max3A_11 = arith.maximumf %add3A_9, %max3A_10 : vector<1000x64xf32>
    %swap3A = arith.constant 0 : index
    %swap3A_12 = arith.constant 0 : index
    %swap3A_13 = vector.load %arg4[%swap3A, %swap3A_12] : memref<1000x64xf32, #tpu.memory_space<vmem>>, vector<1000x64xf32>
    tpu.vector_store %arg4[%swap3A, %swap3A_12], %max3A_11 {strides = array<i32>} : memref<1000x64xf32, #tpu.memory_space<vmem>>, vector<1000x64xf32>,
    return
  }
  func.func @transform_0(%arg0: i32) -> (i32, i32) {
    %c0_i32 = arith.constant 0 : i32
    %c0_i32_0 = arith.constant 0 : i32
    return %arg0, %c0_i32 : i32, i32
  }
  func.func @transform_1(%arg0: i32) -> (i32, i32) {
    %c0_i32 = arith.constant 0 : i32
    %c0_i32_0 = arith.constant 0 : i32
    %c0_i32_1 = arith.constant 0 : i32
    return %c0_i32, %c0_i32_0 : i32, i32
  }
  func.func @transform_2(%arg0: i32) -> (i32, i32) {
    %c0_i32 = arith.constant 0 : i32
    %c0_i32_0 = arith.constant 0 : i32
    %c0_i32_1 = arith.constant 0 : i32
    return %c0_i32, %c0_i32_0 : i32, i32
  }
  func.func @transform_3(%arg0: i32) -> (i32, i32) {
    %c0_i32 = arith.constant 0 : i32
    %c0_i32_0 = arith.constant 0 : i32
    return %arg0, %c0_i32 : i32, i32
  }
}

module attributes {stable_mosaic.version = 14 : i64} {
  func.func @_mm_kernel(%arg0: i32, %arg1: memref<1000x64xf32, #tpu.memory_space<vmem>>, %arg2: memref<64x128xf32, #tpu.memory_space<vmem>>, %arg3: memref<1x128xf32, #tpu.memory_space<vmem>>, %arg4: memref<1000x128xf32, #tpu.memory_space<vmem>>) attributes {dimension_semantics = [#tpu.dimension_semantics<arbitrary>], iteration_bounds = array<i64: 10>, scalar_prefetch = 0 : i64, scratch_operands = 0 : i64, tpu.core_type = #tpu.core_type<tc>, window_params = [{transform_indices = @transform_0, window_bounds = array<i64: 1000, 64>}, {pipeline_mode = #tpu.pipeline_mode<synchronous>, transform_indices = @transform_1, window_bounds = array<i64: 64, 128>}, {pipeline_mode = #tpu.pipeline_mode<synchronous>, transform_indices = @transform_2, window_bounds = array<i64: 1, 128>}, {transform_indices = @transform_3, window_bounds = array<i64: 1000, 128>}]} {
    %get3A = arith.constant 0 : index
    %get3A_0 = arith.constant 0 : index
    %get3A_1 = vector.load %arg1[%get3A, %get3A_0] : memref<1000x64xf32, #tpu.memory_space<vmem>>, vector<1000x64xf32>
    %get3A_2 = arith.constant 0 : index
    %get3A_3 = arith.constant 0 : index
    %get3A_4 = vector.load %arg2[%get3A_2, %get3A_3] : memref<64x128xf32, #tpu.memory_space<vmem>>, vector<64x128xf32>
    %dot_general3A = arith.constant dense<0.000000e+00> : vector<1000x128xf32>
    %dot_general3A_5 = tpu.matmul %get3A_1, %get3A_4, %dot_general3A {dimension_numbers = #tpu.dot_dimension_numbers<[1], [0], [0], [1], [0, 0, 1, 1], [], []>, transpose_lhs_hint = false} : vector<1000x64xf32>, vector<64x128xf32>, vector<1000x128xf32> -> vector<1000x128xf32>
    %get3A_6 = arith.constant 0 : index
    %get3A_7 = arith.constant 0 : index
    %get3A_8 = vector.load %arg3[%get3A_6, %get3A_7] : memref<1x128xf32, #tpu.memory_space<vmem>>, vector<1x128xf32>
    %add3A = vector.broadcast %get3A_8 : vector<1x128xf32> to vector<1000x128xf32>
    %add3A_9 = arith.addf %dot_general3A_5, %add3A : vector<1000x128xf32>
    %max3A = arith.constant 0.000000e+00 : f32
    %max3A_10 = vector.broadcast %max3A : f32 to vector<1000x128xf32>
    %max3A_11 = arith.maximumf %add3A_9, %max3A_10 : vector<1000x128xf32>
    %swap3A = arith.constant 0 : index
    %swap3A_12 = arith.constant 0 : index
    %swap3A_13 = vector.load %arg4[%swap3A, %swap3A_12] : memref<1000x128xf32, #tpu.memory_space<vmem>>, vector<1000x128xf32>
    tpu.vector_store %arg4[%swap3A, %swap3A_12], %max3A_11 {strides = array<i32>} : memref<1000x128xf32, #tpu.memory_space<vmem>>, vector<1000x128xf32>,
    return
  }
  func.func @transform_0(%arg0: i32) -> (i32, i32) {
    %c0_i32 = arith.constant 0 : i32
    %c0_i32_0 = arith.constant 0 : i32
    return %arg0, %c0_i32 : i32, i32
  }
  func.func @transform_1(%arg0: i32) -> (i32, i32) {
    %c0_i32 = arith.constant 0 : i32
    %c0_i32_0 = arith.constant 0 : i32
    %c0_i32_1 = arith.constant 0 : i32
    return %c0_i32, %c0_i32_0 : i32, i32
  }
  func.func @transform_2(%arg0: i32) -> (i32, i32) {
    %c0_i32 = arith.constant 0 : i32
    %c0_i32_0 = arith.constant 0 : i32
    %c0_i32_1 = arith.constant 0 : i32
    return %c0_i32, %c0_i32_0 : i32, i32
  }
  func.func @transform_3(%arg0: i32) -> (i32, i32) {
    %c0_i32 = arith.constant 0 : i32
    %c0_i32_0 = arith.constant 0 : i32
    return %arg0, %c0_i32 : i32, i32
  }
}

module attributes {stable_mosaic.version = 14 : i64} {
  func.func @_wide_kernel(%arg0: i32, %arg1: i32, %arg2: memref<1000x128xf32, #tpu.memory_space<vmem>>, %arg3: memref<128x2048xf32, #tpu.memory_space<vmem>>, %arg4: memref<1x2048xf32, #tpu.memory_space<vmem>>, %arg5: memref<1000x2048xf32, #tpu.memory_space<vmem>>) attributes {dimension_semantics = [#tpu.dimension_semantics<arbitrary>, #tpu.dimension_semantics<arbitrary>], iteration_bounds = array<i64: 10, 5>, scalar_prefetch = 0 : i64, scratch_operands = 0 : i64, tpu.core_type = #tpu.core_type<tc>, window_params = [{transform_indices = @transform_0, window_bounds = array<i64: 1000, 128>}, {transform_indices = @transform_1, window_bounds = array<i64: 128, 2048>}, {transform_indices = @transform_2, window_bounds = array<i64: 1, 2048>}, {transform_indices = @transform_3, window_bounds = array<i64: 1000, 2048>}]} {
    %get3A = arith.constant 0 : index
    %get3A_0 = arith.constant 0 : index
    %get3A_1 = vector.load %arg2[%get3A, %get3A_0] : memref<1000x128xf32, #tpu.memory_space<vmem>>, vector<1000x128xf32>
    %get3A_2 = arith.constant 0 : index
    %get3A_3 = arith.constant 0 : index
    %get3A_4 = vector.load %arg3[%get3A_2, %get3A_3] : memref<128x2048xf32, #tpu.memory_space<vmem>>, vector<128x2048xf32>
    %dot_general3A = arith.constant dense<0.000000e+00> : vector<1000x2048xf32>
    %dot_general3A_5 = tpu.matmul %get3A_1, %get3A_4, %dot_general3A {dimension_numbers = #tpu.dot_dimension_numbers<[1], [0], [0], [1], [0, 0, 1, 1], [], []>, transpose_lhs_hint = false} : vector<1000x128xf32>, vector<128x2048xf32>, vector<1000x2048xf32> -> vector<1000x2048xf32>
    %get3A_6 = arith.constant 0 : index
    %get3A_7 = arith.constant 0 : index
    %get3A_8 = vector.load %arg4[%get3A_6, %get3A_7] : memref<1x2048xf32, #tpu.memory_space<vmem>>, vector<1x2048xf32>
    %add3A = vector.broadcast %get3A_8 : vector<1x2048xf32> to vector<1000x2048xf32>
    %add3A_9 = arith.addf %dot_general3A_5, %add3A : vector<1000x2048xf32>
    %logistic3A = arith.negf %add3A_9 : vector<1000x2048xf32>
    %logistic3A_10 = math.exp %logistic3A : vector<1000x2048xf32>
    %logistic3A_11 = arith.constant 1.000000e+00 : f32
    %logistic3A_12 = vector.broadcast %logistic3A_11 : f32 to vector<1000x2048xf32>
    %logistic3A_13 = arith.addf %logistic3A_12, %logistic3A_10 : vector<1000x2048xf32>
    %logistic3A_14 = arith.divf %logistic3A_12, %logistic3A_13 : vector<1000x2048xf32>
    %swap3A = arith.constant 0 : index
    %swap3A_15 = arith.constant 0 : index
    %swap3A_16 = vector.load %arg5[%swap3A, %swap3A_15] : memref<1000x2048xf32, #tpu.memory_space<vmem>>, vector<1000x2048xf32>
    tpu.vector_store %arg5[%swap3A, %swap3A_15], %logistic3A_14 {strides = array<i32>} : memref<1000x2048xf32, #tpu.memory_space<vmem>>, vector<1000x2048xf32>,
    return
  }
  func.func @transform_0(%arg0: i32, %arg1: i32) -> (i32, i32) {
    %c0_i32 = arith.constant 0 : i32
    %c0_i32_0 = arith.constant 0 : i32
    return %arg0, %c0_i32 : i32, i32
  }
  func.func @transform_1(%arg0: i32, %arg1: i32) -> (i32, i32) {
    %c0_i32 = arith.constant 0 : i32
    %c0_i32_0 = arith.constant 0 : i32
    return %c0_i32, %arg1 : i32, i32
  }
  func.func @transform_2(%arg0: i32, %arg1: i32) -> (i32, i32) {
    %c0_i32 = arith.constant 0 : i32
    %c0_i32_0 = arith.constant 0 : i32
    return %c0_i32, %arg1 : i32, i32
  }
  func.func @transform_3(%arg0: i32, %arg1: i32) -> (i32, i32) {
    %c0_i32 = arith.constant 0 : i32
    return %arg0, %arg1 : i32, i32
  }
}

module attributes {stable_mosaic.version = 14 : i64} {
  func.func @_isqrt_kernel(%arg0: memref<4x10240xf32, #tpu.memory_space<vmem>>, %arg1: memref<2x10240xf32, #tpu.memory_space<vmem>>) attributes {dimension_semantics = [], scalar_prefetch = 0 : i64, scratch_operands = 0 : i64, tpu.core_type = #tpu.core_type<tc>} {
    %get3A = arith.constant 0 : index
    %get3A_0 = arith.constant 0 : index
    %get3A_1 = vector.load %arg0[%get3A, %get3A_0] : memref<4x10240xf32, #tpu.memory_space<vmem>>, vector<1x10240xf32>
    %get3A_2 = arith.constant 2 : index
    %get3A_3 = arith.constant 0 : index
    %get3A_4 = vector.load %arg0[%get3A_2, %get3A_3] : memref<4x10240xf32, #tpu.memory_space<vmem>>, vector<1x10240xf32>
    %add3A = arith.addf %get3A_1, %get3A_4 : vector<1x10240xf32>
    %max3A = arith.constant 1.000000e+00 : f32
    %max3A_5 = vector.broadcast %max3A : f32 to vector<1x10240xf32>
    %max3A_6 = arith.maximumf %add3A, %max3A_5 : vector<1x10240xf32>
    %get3A_7 = arith.constant 1 : index
    %get3A_8 = arith.constant 0 : index
    %get3A_9 = vector.load %arg0[%get3A_7, %get3A_8] : memref<4x10240xf32, #tpu.memory_space<vmem>>, vector<1x10240xf32>
    %get3A_10 = arith.constant 3 : index
    %get3A_11 = arith.constant 0 : index
    %get3A_12 = vector.load %arg0[%get3A_10, %get3A_11] : memref<4x10240xf32, #tpu.memory_space<vmem>>, vector<1x10240xf32>
    %add3A_13 = arith.addf %get3A_9, %get3A_12 : vector<1x10240xf32>
    %max3A_14 = arith.constant 1.000000e+00 : f32
    %max3A_15 = vector.broadcast %max3A_14 : f32 to vector<1x10240xf32>
    %max3A_16 = arith.maximumf %add3A_13, %max3A_15 : vector<1x10240xf32>
    %concatenate3A = tpu.concatenate %max3A_6, %max3A_16 in 0 : vector<1x10240xf32>, vector<1x10240xf32> -> vector<2x10240xf32>
    %rsqrt3A = math.rsqrt %concatenate3A : vector<2x10240xf32>
    %swap3A = arith.constant 0 : index
    %swap3A_17 = arith.constant 0 : index
    %swap3A_18 = vector.load %arg1[%swap3A, %swap3A_17] : memref<2x10240xf32, #tpu.memory_space<vmem>>, vector<2x10240xf32>
    tpu.vector_store %arg1[%swap3A, %swap3A_17], %rsqrt3A {strides = array<i32>} : memref<2x10240xf32, #tpu.memory_space<vmem>>, vector<2x10240xf32>,
    return
  }
}

module attributes {stable_mosaic.version = 14 : i64} {
  func.func @_pre_kernel(%arg0: i32, %arg1: memref<1000x128xf32, #tpu.memory_space<vmem>>, %arg2: memref<1000x1xf32, #tpu.memory_space<vmem>>, %arg3: memref<128x128xf32, #tpu.memory_space<vmem>>, %arg4: memref<1000x128xf32, #tpu.memory_space<vmem>>) attributes {dimension_semantics = [#tpu.dimension_semantics<arbitrary>], iteration_bounds = array<i64: 10>, scalar_prefetch = 0 : i64, scratch_operands = 0 : i64, tpu.core_type = #tpu.core_type<tc>, window_params = [{transform_indices = @transform_0, window_bounds = array<i64: 1000, 128>}, {transform_indices = @transform_1, window_bounds = array<i64: 1000, 1>}, {pipeline_mode = #tpu.pipeline_mode<synchronous>, transform_indices = @transform_2, window_bounds = array<i64: 128, 128>}, {transform_indices = @transform_3, window_bounds = array<i64: 1000, 128>}]} {
    %get3A = arith.constant 0 : index
    %get3A_0 = arith.constant 0 : index
    %get3A_1 = vector.load %arg1[%get3A, %get3A_0] : memref<1000x128xf32, #tpu.memory_space<vmem>>, vector<1000x128xf32>
    %get3A_2 = arith.constant 0 : index
    %get3A_3 = arith.constant 0 : index
    %get3A_4 = vector.load %arg2[%get3A_2, %get3A_3] : memref<1000x1xf32, #tpu.memory_space<vmem>>, vector<1000x1xf32>
    %mul3A = vector.broadcast %get3A_4 : vector<1000x1xf32> to vector<1000x128xf32>
    %mul3A_5 = arith.mulf %get3A_1, %mul3A : vector<1000x128xf32>
    %get3A_6 = arith.constant 0 : index
    %get3A_7 = arith.constant 0 : index
    %get3A_8 = vector.load %arg3[%get3A_6, %get3A_7] : memref<128x128xf32, #tpu.memory_space<vmem>>, vector<128x128xf32>
    %dot_general3A = arith.constant dense<0.000000e+00> : vector<1000x128xf32>
    %dot_general3A_9 = tpu.matmul %mul3A_5, %get3A_8, %dot_general3A {dimension_numbers = #tpu.dot_dimension_numbers<[1], [0], [0], [1], [0, 0, 1, 1], [], []>, transpose_lhs_hint = false} : vector<1000x128xf32>, vector<128x128xf32>, vector<1000x128xf32> -> vector<1000x128xf32>
    %swap3A = arith.constant 0 : index
    %swap3A_10 = arith.constant 0 : index
    %swap3A_11 = vector.load %arg4[%swap3A, %swap3A_10] : memref<1000x128xf32, #tpu.memory_space<vmem>>, vector<1000x128xf32>
    tpu.vector_store %arg4[%swap3A, %swap3A_10], %dot_general3A_9 {strides = array<i32>} : memref<1000x128xf32, #tpu.memory_space<vmem>>, vector<1000x128xf32>,
    return
  }
  func.func @transform_0(%arg0: i32) -> (i32, i32) {
    %c0_i32 = arith.constant 0 : i32
    %c0_i32_0 = arith.constant 0 : i32
    return %arg0, %c0_i32 : i32, i32
  }
  func.func @transform_1(%arg0: i32) -> (i32, i32) {
    %c0_i32 = arith.constant 0 : i32
    %c0_i32_0 = arith.constant 0 : i32
    return %arg0, %c0_i32 : i32, i32
  }
  func.func @transform_2(%arg0: i32) -> (i32, i32) {
    %c0_i32 = arith.constant 0 : i32
    %c0_i32_0 = arith.constant 0 : i32
    %c0_i32_1 = arith.constant 0 : i32
    return %c0_i32, %c0_i32_0 : i32, i32
  }
  func.func @transform_3(%arg0: i32) -> (i32, i32) {
    %c0_i32 = arith.constant 0 : i32
    %c0_i32_0 = arith.constant 0 : i32
    return %arg0, %c0_i32 : i32, i32
  }
}

module attributes {stable_mosaic.version = 14 : i64} {
  func.func @_step_kernel(%arg0: i32, %arg1: memref<640x128xf32, #tpu.memory_space<vmem>>, %arg2: memref<640x128xf32, #tpu.memory_space<vmem>>, %arg3: memref<640x1xf32, #tpu.memory_space<vmem>>, %arg4: memref<1x128xf32, #tpu.memory_space<vmem>>, %arg5: memref<640x128xf32, #tpu.memory_space<vmem>>, %arg6: memref<640x1xf32, #tpu.memory_space<vmem>>, %arg7: memref<128x128xf32, #tpu.memory_space<vmem>>, %arg8: memref<640x128xf32, #tpu.memory_space<vmem>>, %arg9: memref<640x128xf32, #tpu.memory_space<vmem>>) attributes {dimension_semantics = [#tpu.dimension_semantics<arbitrary>], iteration_bounds = array<i64: 16>, scalar_prefetch = 0 : i64, scratch_operands = 0 : i64, tpu.core_type = #tpu.core_type<tc>, window_params = [{transform_indices = @transform_0, window_bounds = array<i64: 640, 128>}, {transform_indices = @transform_1, window_bounds = array<i64: 640, 128>}, {transform_indices = @transform_2, window_bounds = array<i64: 640, 1>}, {pipeline_mode = #tpu.pipeline_mode<synchronous>, transform_indices = @transform_3, window_bounds = array<i64: 1, 128>}, {transform_indices = @transform_4, window_bounds = array<i64: 640, 128>}, {transform_indices = @transform_5, window_bounds = array<i64: 640, 1>}, {pipeline_mode = #tpu.pipeline_mode<synchronous>, transform_indices = @transform_6, window_bounds = array<i64: 128, 128>}, {transform_indices = @transform_7, window_bounds = array<i64: 640, 128>}, {transform_indices = @transform_8, window_bounds = array<i64: 640, 128>}]} {
    %lt3A = arith.constant 8 : i32
    %lt3A_0 = arith.cmpi slt, %arg0, %lt3A : i32
    %get3A = arith.constant 0 : index
    %get3A_1 = arith.constant 0 : index
    %get3A_2 = vector.load %arg1[%get3A, %get3A_1] : memref<640x128xf32, #tpu.memory_space<vmem>>, vector<640x128xf32>
    %get3A_3 = arith.constant 0 : index
    %get3A_4 = arith.constant 0 : index
    %get3A_5 = vector.load %arg2[%get3A_3, %get3A_4] : memref<640x128xf32, #tpu.memory_space<vmem>>, vector<640x128xf32>
    %select_n3A = arith.select %lt3A_0, %get3A_2, %get3A_5 : vector<640x128xf32>
    %get3A_6 = arith.constant 0 : index
    %get3A_7 = arith.constant 0 : index
    %get3A_8 = vector.load %arg3[%get3A_6, %get3A_7] : memref<640x1xf32, #tpu.memory_space<vmem>>, vector<640x1xf32>
    %mul3A = vector.broadcast %get3A_8 : vector<640x1xf32> to vector<640x128xf32>
    %mul3A_9 = arith.mulf %select_n3A, %mul3A : vector<640x128xf32>
    %get3A_10 = arith.constant 0 : index
    %get3A_11 = arith.constant 0 : index
    %get3A_12 = vector.load %arg4[%get3A_10, %get3A_11] : memref<1x128xf32, #tpu.memory_space<vmem>>, vector<1x128xf32>
    %add3A = vector.broadcast %get3A_12 : vector<1x128xf32> to vector<640x128xf32>
    %add3A_13 = arith.addf %mul3A_9, %add3A : vector<640x128xf32>
    %max3A = arith.constant 0.000000e+00 : f32
    %max3A_14 = vector.broadcast %max3A : f32 to vector<640x128xf32>
    %max3A_15 = arith.maximumf %add3A_13, %max3A_14 : vector<640x128xf32>
    %get3A_16 = arith.constant 0 : index
    %get3A_17 = arith.constant 0 : index
    %get3A_18 = vector.load %arg5[%get3A_16, %get3A_17] : memref<640x128xf32, #tpu.memory_space<vmem>>, vector<640x128xf32>
    %add3A_19 = arith.addf %max3A_15, %get3A_18 : vector<640x128xf32>
    %swap3A = arith.constant 0 : index
    %swap3A_20 = arith.constant 0 : index
    %swap3A_21 = vector.load %arg9[%swap3A, %swap3A_20] : memref<640x128xf32, #tpu.memory_space<vmem>>, vector<640x128xf32>
    tpu.vector_store %arg9[%swap3A, %swap3A_20], %add3A_19 {strides = array<i32>} : memref<640x128xf32, #tpu.memory_space<vmem>>, vector<640x128xf32>,
    %get3A_22 = arith.constant 0 : index
    %get3A_23 = arith.constant 0 : index
    %get3A_24 = vector.load %arg6[%get3A_22, %get3A_23] : memref<640x1xf32, #tpu.memory_space<vmem>>, vector<640x1xf32>
    %mul3A_25 = vector.broadcast %get3A_24 : vector<640x1xf32> to vector<640x128xf32>
    %mul3A_26 = arith.mulf %add3A_19, %mul3A_25 : vector<640x128xf32>
    %get3A_27 = arith.constant 0 : index
    %get3A_28 = arith.constant 0 : index
    %get3A_29 = vector.load %arg7[%get3A_27, %get3A_28] : memref<128x128xf32, #tpu.memory_space<vmem>>, vector<128x128xf32>
    %dot_general3A = arith.constant dense<0.000000e+00> : vector<640x128xf32>
    %dot_general3A_30 = tpu.matmul %mul3A_26, %get3A_29, %dot_general3A {dimension_numbers = #tpu.dot_dimension_numbers<[1], [0], [0], [1], [0, 0, 1, 1], [], []>, transpose_lhs_hint = false} : vector<640x128xf32>, vector<128x128xf32>, vector<640x128xf32> -> vector<640x128xf32>
    %swap3A_31 = arith.constant 0 : index
    %swap3A_32 = arith.constant 0 : index
    %swap3A_33 = vector.load %arg8[%swap3A_31, %swap3A_32] : memref<640x128xf32, #tpu.memory_space<vmem>>, vector<640x128xf32>
    tpu.vector_store %arg8[%swap3A_31, %swap3A_32], %dot_general3A_30 {strides = array<i32>} : memref<640x128xf32, #tpu.memory_space<vmem>>, vector<640x128xf32>,
    return
  }
  func.func @transform_0(%arg0: i32) -> (i32, i32) {
    %min3A = arith.constant 7 : i32
    %min3A_0 = arith.minsi %arg0, %min3A : i32
    %c0_i32 = arith.constant 0 : i32
    %c0_i32_1 = arith.constant 0 : i32
    return %min3A_0, %c0_i32 : i32, i32
  }
  func.func @transform_1(%arg0: i32) -> (i32, i32) {
    %sub3A = arith.constant 8 : i32
    %sub3A_0 = arith.subi %arg0, %sub3A : i32
    %max3A = arith.constant 0 : i32
    %max3A_1 = arith.maxsi %sub3A_0, %max3A : i32
    %c0_i32 = arith.constant 0 : i32
    %c0_i32_2 = arith.constant 0 : i32
    return %max3A_1, %c0_i32 : i32, i32
  }
  func.func @transform_2(%arg0: i32) -> (i32, i32) {
    %c0_i32 = arith.constant 0 : i32
    %c0_i32_0 = arith.constant 0 : i32
    return %arg0, %c0_i32 : i32, i32
  }
  func.func @transform_3(%arg0: i32) -> (i32, i32) {
    %c0_i32 = arith.constant 0 : i32
    %c0_i32_0 = arith.constant 0 : i32
    %c0_i32_1 = arith.constant 0 : i32
    return %c0_i32, %c0_i32_0 : i32, i32
  }
  func.func @transform_4(%arg0: i32) -> (i32, i32) {
    %c0_i32 = arith.constant 0 : i32
    %c0_i32_0 = arith.constant 0 : i32
    return %arg0, %c0_i32 : i32, i32
  }
  func.func @transform_5(%arg0: i32) -> (i32, i32) {
    %c0_i32 = arith.constant 0 : i32
    %c0_i32_0 = arith.constant 0 : i32
    return %arg0, %c0_i32 : i32, i32
  }
  func.func @transform_6(%arg0: i32) -> (i32, i32) {
    %c0_i32 = arith.constant 0 : i32
    %c0_i32_0 = arith.constant 0 : i32
    %c0_i32_1 = arith.constant 0 : i32
    return %c0_i32, %c0_i32_0 : i32, i32
  }
  func.func @transform_7(%arg0: i32) -> (i32, i32) {
    %c0_i32 = arith.constant 0 : i32
    %c0_i32_0 = arith.constant 0 : i32
    return %arg0, %c0_i32 : i32, i32
  }
  func.func @transform_8(%arg0: i32) -> (i32, i32) {
    %c0_i32 = arith.constant 0 : i32
    %c0_i32_0 = arith.constant 0 : i32
    return %arg0, %c0_i32 : i32, i32
  }
}

module attributes {stable_mosaic.version = 14 : i64} {
  func.func @_zzt_kernel(%arg0: i32, %arg1: i32, %arg2: memref<1024x32xf32, #tpu.memory_space<vmem>>, %arg3: memref<1024x32xf32, #tpu.memory_space<vmem>>, %arg4: memref<1024x1024xf32, #tpu.memory_space<vmem>>) attributes {dimension_semantics = [#tpu.dimension_semantics<arbitrary>, #tpu.dimension_semantics<arbitrary>], iteration_bounds = array<i64: 10, 10>, scalar_prefetch = 0 : i64, scratch_operands = 0 : i64, tpu.core_type = #tpu.core_type<tc>, window_params = [{transform_indices = @transform_0, window_bounds = array<i64: 1024, 32>}, {transform_indices = @transform_1, window_bounds = array<i64: 1024, 32>}, {transform_indices = @transform_2, window_bounds = array<i64: 1024, 1024>}]} {
    %get3A = arith.constant 0 : index
    %get3A_0 = arith.constant 0 : index
    %get3A_1 = vector.load %arg2[%get3A, %get3A_0] : memref<1024x32xf32, #tpu.memory_space<vmem>>, vector<1024x32xf32>
    %get3A_2 = arith.constant 0 : index
    %get3A_3 = arith.constant 0 : index
    %get3A_4 = vector.load %arg3[%get3A_2, %get3A_3] : memref<1024x32xf32, #tpu.memory_space<vmem>>, vector<1024x32xf32>
    %dot_general3A = arith.constant dense<0.000000e+00> : vector<1024x1024xf32>
    %dot_general3A_5 = tpu.matmul %get3A_1, %get3A_4, %dot_general3A {dimension_numbers = #tpu.dot_dimension_numbers<[1], [1], [0], [0], [0, 0, 1, 0], [], []>, transpose_lhs_hint = false} : vector<1024x32xf32>, vector<1024x32xf32>, vector<1024x1024xf32> -> vector<1024x1024xf32>
    %logistic3A = arith.negf %dot_general3A_5 : vector<1024x1024xf32>
    %logistic3A_6 = math.exp %logistic3A : vector<1024x1024xf32>
    %logistic3A_7 = arith.constant 1.000000e+00 : f32
    %logistic3A_8 = vector.broadcast %logistic3A_7 : f32 to vector<1024x1024xf32>
    %logistic3A_9 = arith.addf %logistic3A_8, %logistic3A_6 : vector<1024x1024xf32>
    %logistic3A_10 = arith.divf %logistic3A_8, %logistic3A_9 : vector<1024x1024xf32>
    %swap3A = arith.constant 0 : index
    %swap3A_11 = arith.constant 0 : index
    %swap3A_12 = vector.load %arg4[%swap3A, %swap3A_11] : memref<1024x1024xf32, #tpu.memory_space<vmem>>, vector<1024x1024xf32>
    tpu.vector_store %arg4[%swap3A, %swap3A_11], %logistic3A_10 {strides = array<i32>} : memref<1024x1024xf32, #tpu.memory_space<vmem>>, vector<1024x1024xf32>,
    return
  }
  func.func @transform_0(%arg0: i32, %arg1: i32) -> (i32, i32) {
    %c0_i32 = arith.constant 0 : i32
    %c0_i32_0 = arith.constant 0 : i32
    return %arg0, %c0_i32 : i32, i32
  }
  func.func @transform_1(%arg0: i32, %arg1: i32) -> (i32, i32) {
    %c0_i32 = arith.constant 0 : i32
    %c0_i32_0 = arith.constant 0 : i32
    return %arg1, %c0_i32 : i32, i32
  }
  func.func @transform_2(%arg0: i32, %arg1: i32) -> (i32, i32) {
    %c0_i32 = arith.constant 0 : i32
    return %arg0, %arg1 : i32, i32
  }
}

</mosaic_0001>

<sc_bundles>
// kernel: closed_call.27.cloned.1.call-start
scs
__scs_entry_jumppad:
0x0: {  	(pc) =	sbr.rel $0x88, $3  }
0x1: {  	(tag) =	ssettag $0x0;
	lr =	simm.s32 $0x1  }
0x2: {  	[smem:$0x3F82] =	sst lr;
	_ =	strace $0xD0000000  }
0x3: {  	_ = 	snop  }
0x4: {  	_ = 	snop  }
0x5: {  	_ = 	snop  }
0x6: {  	_ = 	snop  }
0x7: {  	_ = 	snop  }
__scs_overlays_trampoline_lowered:
0x8: {  	[smem:$0x3F91] =	sst s0  }
0x9: {  	[smem:$0x3F92] =	sst s1  }
0xa: {  	[smem:$0x3F93] =	sst s2  }
0xb: {  	[smem:$0x3F94] =	sst s3  }
0xc: {  	[smem:$0x3F95] =	sst s4  }
0xd: {  	[smem:$0x3F96] =	sst s5  }
0xe: {  	[smem:$0x3F97] =	sst s6  }
0xf: {  	[smem:$0x3F98] =	sst s7  }
0x10: {  	[smem:$0x3F99] =	sst s8  }
0x11: {  	[smem:$0x3F9A] =	sst s9;
	s0 =	simm.s32 @!p0 $0x0  }
0x12: {  	s1 =	sld [smem:$0x3F80];
	s0 =	simm.s32 @p0 $0x1  }
0x13: {  	[smem:$0x3F9B] =	sst s0;
	s0 =	simm.s32 @!p1 $0x0  }
0x14: {  	s2 =	sld [smem:$0x3F7F];
	s0 =	simm.s32 @p1 $0x1  }
0x15: {  	[smem:$0x3F9C] =	sst s0;
	s0 =	simm.s32 @!p2 $0x0  }
0x16: {  	s3 =	sld [smem:$0x3FDB];
	s0 =	simm.s32 @p2 $0x1  }
0x17: {  	s4 =	simm.s32 $0x1BF5;
	[smem:$0x3F9E] =	sst s0  }
0x18: {  	s0 =	sld [smem:$0x3F81];
	_ =	swait.ge [sflag:s4], $0x0  }
0x19: {  	s7 =	sld [smem:$0x3F82]  }
0x1a: {  	s8 =	sadd.s32 $0xFFFFE003, lr  }
0x1b: {  	s9 =	sadd.s32 $0xFFFFFEF7, lr;
	s5 =	simm.s32 $0xFFFFFFFF;
	p2 =	slt.u32 s8, $0xFFFFF086  }
0x1c: {  	p1 =	slt.u32 s9, $0xF7A;
	s5 =	simm.s32 @!p2 $0x0  }
0x1d: {  	s5 =	simm.s32 @p1 $0x1;
	p0 =	seq.s32 s7, s2  }
0x1e: {  	s7 =	smul.u32 @!p0 $0xF7A, s2;
	p2 =	seq.s32 @!p0 s5, $0x0  }
0x1f: {  	s9 =	smul.u32 $0xF7A, s1;
	s8 =	simm.s32 @!p0 $0x1BF5;
	p2 =	por !p2, p0  }
0x20: {  	[sflag:s8] =	ssyncset.s32 @!p0 $0xFFFFF086;
	s6 =	sadd.s32 @!p0 s3, s7;
	s7 =	simm.s32 @!p0 $0x108  }
0x21: {  	s3 =	sadd.s32 s3, s9;
	s6 =	sadd.s32 @!p0 $0x88, s6;
	s7 =	simm.s32 @p2 $0x1082  }
0x22: {  	[simem:s7], [sflag:s8] =	dma.local @!p0 [hbm:s6], $0xF7A  }
0x23: {  	s9 =	sor.u32 $0xD0000000, s2;
	s6 =	simm.s32 $0x108;
	_ =	swait.ge @!p0 [sflag:s8], $0x0  }
0x24: {  	s3 =	sadd.s32 $0x88, s3;
	s6 =	simm.s32 @!p1 $0x1082;
	[sflag:s4] =	ssyncset.s32 $0xFFFFF086  }
0x25: {  	[simem:s6], [sflag:s4] =	dma.local [hbm:s3], $0xF7A  }
0x26: {  	[smem:$0x3F82] =	sst s1;
	(tag) =	ssettag s2;
	_ =	strace s9  }
0x27: {  	s1 =	sld [smem:$0x3F92]  }
0x28: {  	s2 =	sld [smem:$0x3F93]  }
0x29: {  	s4 =	sld [smem:$0x3F95]  }
0x2a: {  	p0 =	seq.s32 s5, $0x0;
	s5 =	sld [smem:$0x3F96]  }
0x2b: {  	s6 =	sld [smem:$0x3F97]  }
0x2c: {  	s7 =	sld [smem:$0x3F98]  }
0x2d: {  	s3 =	simm.s32 $0x108;
	s8 =	sld [smem:$0x3F99]  }
0x2e: {  	s3 =	simm.s32 @!p0 $0x1082;
	s9 =	sld [smem:$0x3F9A]  }
0x2f: {  	lr =	sadd.s32 s0, s3;
	s0 =	sld [smem:$0x3F91]  }
0x30: {  	s3 =	sld [smem:$0x3F94]  }
0x31: {  	[smem:$0x3F9D] =	sst s10  }
0x32: {  	s10 =	sld [smem:$0x3F9B];
	_ =	sdelay $0x3  }
0x33: {  	p0 =	seq.s32 s10, $0x1;
	s10 =	sld [smem:$0x3F9D];
	_ =	sdelay $0x3  }
0x34: {  	[smem:$0x3F9D] =	sst s10  }
0x35: {  	s10 =	sld [smem:$0x3F9C];
	_ =	sdelay $0x3  }
0x36: {  	p1 =	seq.s32 s10, $0x1;
	s10 =	sld [smem:$0x3F9D];
	_ =	sdelay $0x3  }
0x37: {  	[smem:$0x3F9D] =	sst s10  }
0x38: {  	s10 =	sld [smem:$0x3F9E]  }
0x39: {  	_ = 	snop;
	(pc) =	sbr.ind lr, $3  }
0x3a: {  	_ = 	snop  }
0x3b: {  	_ = 	snop  }
0x3c: {  	p2 =	seq.s32 s10, $0x1;
	s10 =	sld [smem:$0x3F9D]  }
0x3d: {  	_ =	shalt  }
0x3e: {  	_ =	shalt  }
0x3f: {  	_ =	shalt  }
0x40: {  	_ =	shalt  }
0x41: {  	_ =	shalt  }
0x42: {  	_ =	shalt  }
0x43: {  	_ =	shalt  }
0x44: {  	_ =	shalt  }
0x45: {  	_ =	shalt  }
0x46: {  	_ =	shalt  }
0x47: {  	_ =	shalt  }
0x48: {  	_ =	shalt  }
0x49: {  	_ =	shalt  }
0x4a: {  	_ =	shalt  }
0x4b: {  	_ =	shalt  }
0x4c: {  	_ =	shalt  }
0x4d: {  	_ =	shalt  }
0x4e: {  	_ =	shalt  }
0x4f: {  	_ =	shalt  }
0x50: {  	_ =	shalt  }
0x51: {  	_ =	shalt  }
0x52: {  	_ =	shalt  }
0x53: {  	_ =	shalt  }
0x54: {  	_ =	shalt  }
0x55: {  	_ =	shalt  }
0x56: {  	_ =	shalt  }
0x57: {  	_ =	shalt  }
0x58: {  	_ =	shalt  }
0x59: {  	_ =	shalt  }
0x5a: {  	_ =	shalt  }
0x5b: {  	_ =	shalt  }
0x5c: {  	_ =	shalt  }
0x5d: {  	_ =	shalt  }
0x5e: {  	_ =	shalt  }
0x5f: {  	_ =	shalt  }
0x60: {  	_ =	shalt  }
0x61: {  	_ =	shalt  }
0x62: {  	_ =	shalt  }
0x63: {  	_ =	shalt  }
0x64: {  	_ =	shalt  }
0x65: {  	_ =	shalt  }
0x66: {  	_ =	shalt  }
0x67: {  	_ =	shalt  }
0x68: {  	_ =	shalt  }
0x69: {  	_ =	shalt  }
0x6a: {  	_ =	shalt  }
0x6b: {  	_ =	shalt  }
0x6c: {  	_ =	shalt  }
0x6d: {  	_ =	shalt  }
0x6e: {  	_ =	shalt  }
0x6f: {  	_ =	shalt  }
0x70: {  	_ =	shalt  }
0x71: {  	_ =	shalt  }
0x72: {  	_ =	shalt  }
0x73: {  	_ =	shalt  }
0x74: {  	_ =	shalt  }
0x75: {  	_ =	shalt  }
0x76: {  	_ =	shalt  }
0x77: {  	_ =	shalt  }
0x78: {  	_ =	shalt  }
0x79: {  	_ =	shalt  }
0x7a: {  	_ =	shalt  }
0x7b: {  	_ =	shalt  }
0x7c: {  	_ =	shalt  }
0x7d: {  	_ =	shalt  }
0x7e: {  	_ =	shalt  }
0x7f: {  	_ =	shalt  }
0x80: {  	_ =	shalt  }
0x81: {  	_ =	shalt  }
0x82: {  	_ =	shalt  }
0x83: {  	_ =	shalt  }
0x84: {  	_ =	shalt  }
0x85: {  	_ =	shalt  }
0x86: {  	_ =	shalt  }
0x87: {  	_ =	shalt  }
.Lfunc_end0:
.L_simem_size_0:
called_computation.2_lowered:
.L_overlay_start_0:
0x88: {  	s2 =	sld [smem:$0x3FD9]  }
0x89: {  	s3 =	sld [smem:$0x3FFE];
	_ =	sdelay $0x1  }
0x8a: {  	s1 =	srdreg.scid  }
0x8b: {  	s0 =	sand.u32 $0x1, s1  }
0x8c: {  	s14 =	sshll.u32 s0, $0xA;
	s2 =	sadd.s32 s3, s2  }
0x8d: {  	s2 =	sadd.s32 s2, s14  }
0x8e: {  	[smem:$0x3FA9] =	sst s2  }
0x8f: {  	_ = 	snop  }
0x90: {  	s2 =	sld [smem:$0x3FD0];
	_ =	sdelay $0x2  }
0x91: {  	s15 =	simm.s32 $0xC;
	s4 =	simm.s32 $0x10  }
0x92: {  	[smem:s4], [sflag:s15] =	dma.local [hbm:s2], $0x1  }
0x93: {  	_ =	swait.eq [sflag:s15], $0x1  }
0x94: {  	[sflag:s15] =	ssyncset.done $0x0  }
0x95: {  	s16 =	sld [smem:$0x11];
	[sflag:s15] =	ssyncadd.s32 $0xFFFFFFFF  }
0x96: {  	s17 =	sld [smem:$0x13];
	(tm) =	ssettm $0x1  }
0x97: {  	s18 =	sld [smem:$0x3FFB];
	_ =	sdelay $0x3  }
0x98: {  	_ =	strace s18  }
0x99: {  	s4 =	sld [smem:$0x3FFC];
	_ =	sdelay $0x3  }
0x9a: {  	_ =	strace s4  }
0x9b: {  	s4 =	sld [smem:$0x3FFD];
	_ =	sdelay $0x3  }
0x9c: {  	_ =	strace s4  }
0x9d: {  	_ =	strace $0x8FFFFFFF  }
0x9e: {  	s19 =	sld [smem:$0x3FDB];
	_ =	sdelay $0x1  }
0x9f: {  	s5 =	simm.s32 $_scs_section_size  }
0xa0: {  	s6 =	simm.s32 $_size__tile_overlayer_lowered;
	s7 =	simm.s32 $_tile_overlayer_lowered  }
0xa1: {  	s22 =	simm.s32 $0x1BFF;
	s21 =	sshll.u32 s7, $0x1;
	s4 =	sadd.s32 s5, s19  }
0xa2: {  	s8 =	simm.s32 $0x0;
	s20 =	sshll.u32 s6, $0x1;
	s6 =	sadd.s32 s21, s4  }
0xa3: {  	[timem:s8], [sflag:s22] =	dma.local [hbm:s6], s20  }
0xa4: {  	_ =	swait.ge [sflag:s22], s20  }
0xa5: {  	s5 =	ssub.s32 $0x0, s20;
	[sflag:s22] =	ssyncset.done $0x0  }
0xa6: {  	[sflag:s22] =	ssyncadd.s32 s5;
	_ =	sdelay $0x1  }
0xa7: {  	s23 =	simm.s32 $0x1B8B  }
0xa8: {  	_ =	swait.ge [sflag:s23], $0x1  }
0xa9: {  	[sflag:s23] =	ssyncset.done $0x0  }
0xaa: {  	s25 =	simm.s32 $0x1B8E;
	s24 =	sld [smem:$0x3FFE];
	[sflag:s23] =	ssyncadd.s32 $0xFFFFFFFF  }
0xab: {  	s26 =	simm.s32 $execute0_lowered;
	[smem:$0x3FD2] =	sst s25  }
0xac: {  	s6 =	sshll.u32 s26, $0x1;
	_ =	strace $0x8000004F;
	[dreg:$0x1] =	wrdreg $0xFFFFFFFF  }
0xad: {  	s28 =	simm.s32 $_size_execute0_lowered;
	s4 =	sadd.s32 s4, s6;
	[dreg:$0x0] =	wrdreg $0x0  }
0xae: {  	s6 =	sshll.u32 s28, $0x1;
	[dreg:$0x2] =	wrdreg s4  }
0xaf: {  	[dreg:$0x3] =	wrdreg s6  }
0xb0: {  	[dreg:$0x4] =	wrdreg $0xC0  }
0xb1: {  	_ =	task [dreg:s8], $0x5FFFF  }
0xb2: {  	[dreg:$0x1] =	wrdreg $0xFFFFFFFF  }
0xb3: {  	[dreg:$0x0] =	wrdreg $0x60  }
0xb4: {  	[dreg:$0x2] =	wrdreg s16  }
0xb5: {  	[dreg:$0x3] =	wrdreg s17  }
0xb6: {  	[dreg:$0x4] =	wrdreg s24  }
0xb7: {  	[dreg:$0x5] =	wrdreg $0xD8800  }
0xb8: {  	[dreg:$0x6] =	wrdreg $0x9  }
0xb9: {  	_ =	task.clear_ibuf [dreg:s8], $0x7FFFF;
	_ =	strace $0x9000004F  }
0xba: {  	s29 =	simm.s32 $0x9;
	_ =	strace $0x80000051  }
0xbb: {  	_ =	swait.ge [sflag:s29], $0x1  }
0xbc: {  	[sflag:s29] =	ssyncadd.s32 $0xFFFFFFFF  }
0xbd: {  	_ =	strace $0x90000051  }
0xbe: {  	_ =	sfence  }
0xbf: {  	s30 =	sld [smem:$0x0];
	_ =	sdelay $0x2  }
0xc0: {  	s31 =	sshll.u32 s1, $0xD;
	s1 =	sshrl.u32 s1, $0x2  }
0xc1: {  	s3 =	sand.u32 $0x4000, s31;
	s1 =	sadd.s32 s1, s30  }
0xc2: {  	s0 =	sor.u32 s3, s0;
	s1 =	sshll.u32 s1, $0x11  }
0xc3: {  	s0 =	sor.u32 s1, s0  }
0xc4: {  	s0 =	sadd.s32 $0x8F2B, s0  }
0xc5: {  	[sflag:s0] =	ssyncadd.remote.s32 $0x1  }
0xc6: {  	_ =	sfence.sel $0xFFFF  }
0xc7: {  	[dreg:$0x0] =	wrdreg $0xFFFFFFFF;
	(pc) =	sbr.abs _section_cstart, $3  }
0xc8: {  	[dreg:$0x1] =	wrdreg $0xFFFFFFFF  }
0xc9: {  	_ =	task.clear_ibuf [dreg:s8], $0x2FFFF;
	_ =	strace $0x9FFFFFFF  }
0xca: {  	(tm) =	ssettm $0x7FFFFFFF  }
0xcb: {  	_ =	shalt  }
tec
execute0_lowered:
.L_overlay_start_1:
0x0: {  	(tag) =	ssettag $0x1  }
0x1: {  	s1 =	rddreg [dreg:$0x0]  }
0x2: {  	s0 =	rddreg [dreg:$0x2]  }
0x3: {  	s3 =	rddreg [dreg:$0x3];
	s4 =	simm.s32 $0x0  }
0x4: {  	s2 =	srdreg.scid;
	s6 =	stileid.u32;
	s17 =	simm.s32 $0x5800  }
0x5: {  	s18 =	simm.s32 $0x3;
	s21 =	simm.s32 $0x80;
	s22 =	simm.s32 $0x9800  }
0x6: {  	s23 =	simm.s32 $0x1;
	s24 =	simm.s32 $0x2;
	s25 =	simm.s32 $0x0  }
0x7: {  	[smem:$0x7FF] =	sst s4;
	s5 =	sadd.s32 $0x6C00, s0;
	s2 =	sand.u32 $0x1, s2  }
0x8: {  	s7 =	sadd.s32 $0x21800, s0;
	s9 =	smul.u32 $0x29000, s6;
	s8 =	sadd.s32 $0x12600, s0  }
0x9: {  	s13 =	smul.u32 $0xA400, s6;
	s0 =	sadd.s32 $0x36000, s0;
	_ =	strace $0x80000050  }
0xa: {  	[dreg:$0x5] =	wrdreg s5;
	s31 =	ssub.s32 $0x2, s2;
	s16 =	smul.u32 $0xA4000, s2  }
0xb: {  	s12 =	smul.u32 $0x2E800, s2;
	p0 =	seq.s32 s2, $0x0;
	s10 =	sshrl.u32 s31, $0x1  }
0xc: {  	s9 =	sshrl.u32 s9, $0x2;
	s14 =	sadd.s32 $0x4000, s13;
	s15 =	sadd.s32 $0x8000, s13  }
.Ltmp0:
0xd: {  	s5 =	ssub.s32 s31, s10;
	s9 =	sadd.s32 s9, s3;
	(pc) =	sbr.rel .LBB2_1-.Ltmp0, $4  }
0xe: {  	s10 =	sadd.s32 s14, s3;
	s11 =	sadd.s32 s15, s3;
	s13 =	sadd.s32 s13, s16  }
0xf: {  	s14 =	sadd.s32 s16, s14;
	s15 =	sadd.s32 s16, s15;
	s13 =	sshrl.u32 s13, $0x3  }
0x10: {  	s14 =	sshrl.u32 s14, $0x3;
	s15 =	sshrl.u32 s15, $0x3;
	s16 =	smax.u32 s5, $0x1  }
0x11: {  	s13 =	sadd.s32 s0, s13;
	s14 =	sadd.s32 s0, s14;
	s15 =	sadd.s32 s0, s15  }
.LBB2_3:
0x12: {  	s30 =	simm.s32 $0x0  }
.LBB2_8:
0x13: {  	_ =	swait.ge @p1 [sflag:s18], $0x4000;
	s0 =	ssub.s32 @p1 s20, s29  }
0x14: {  	[sflag:s18] =	ssyncset.done @p1 $0x0;
	s0 =	sshll.u32 @p1 s0, $0x9  }
0x15: {  	[sflag:s18] =	ssyncadd.s32 @p1 $0xFFFFC000;
	s0 =	sshra.s32 @p1 s0, $0x2  }
0x16: {  	[tilespmem:s22], [sflag:$0x2] =	stream.indirect.gather @p1 [hbm4b:s1+s21], $0x80, s0, s21, $0xb8;
	[tilespmem:$0x17C80] =	vst v63  }
0x17: {  	s20 =	ssub.s32 s19, s30;
	_ =	swait.ge [sflag:s23], $0x4000  }
0x18: {  	(drf) =	srem.u32 s20, s26  }
0x19: {  	[sflag:s23] =	ssyncset.done $0x0;
	s29 =	spop (drf)  }
0x1a: {  	s2 =	sadd.s32 $0xFFFFFF80, s5;
	[sflag:s23] =	ssyncadd.s32 $0xFFFFC000;
	s0 =	sxor.u32 s28, s29  }
0x1b: {  	[spmem:s3] =	stream.indirect.scatter.add.f32 [tilespmem:s17], [sflag:$0x3], $0x80, s2, s21, $0xb8;
	[tilespmem:$0x17C80] =	vst v63  }
0x1c: {  	s0 =	ssub.s32 s0, s28;
	_ =	swait.ge [sflag:s18], $0x4000  }
0x1d: {  	s0 =	sshll.u32 s0, $0x9;
	[sflag:s18] =	ssyncset.done $0x0  }
0x1e: {  	s0 =	sshra.s32 s0, $0x2;
	[sflag:s18] =	ssyncadd.s32 $0xFFFFC000  }
0x1f: {  	[tilespmem:s17], [sflag:$0x1] =	stream.indirect.gather [hbm4b:s1+s21], $0x80, s0, s21, $0xb8;
	[tilespmem:$0x17C80] =	vst v63  }
0x20: {  	_ =	swait.ge [sflag:s24], $0x4000  }
0x21: {  	[sflag:s24] =	ssyncset.done $0x0;
	s31 =	spop (drf)  }
0x22: {  	[sflag:s24] =	ssyncadd.s32 $0xFFFFC000;
	s0 =	sxor.u32 s30, s31  }
0x23: {  	[spmem:s3] =	stream.indirect.scatter.add.f32 [tilespmem:s22], [sflag:$0x3], $0x80, s5, s21, $0xb8;
	[tilespmem:$0x17C80] =	vst v63  }
0x24: {  	_ =	swait.ge [sflag:s18], $0x4000;
	s0 =	ssub.s32 s0, s30  }
0x25: {  	[sflag:s18] =	ssyncset.done $0x0;
	s0 =	sshll.u32 s0, $0x9  }
0x26: {  	[sflag:s18] =	ssyncadd.s32 $0xFFFFC000;
	s0 =	sshra.s32 s0, $0x2  }
0x27: {  	[tilespmem:s22], [sflag:$0x2] =	stream.indirect.gather [hbm4b:s1+s21], $0x80, s0, s21, $0xb8;
	[tilespmem:$0x17C80] =	vst v63  }
.LBB2_9:
0x28: {  	_ =	swait.ge [sflag:s23], $0x4000  }
0x29: {  	[sflag:s23] =	ssyncset.done $0x0  }
0x2a: {  	[sflag:s23] =	ssyncadd.s32 $0xFFFFC000  }
0x2b: {  	_ =	swait.ge [sflag:s24], $0x4000  }
0x2c: {  	[sflag:s24] =	ssyncset.done $0x0  }
0x2d: {  	[sflag:s24] =	ssyncadd.s32 $0xFFFFC000  }
0x2e: {  	[bflag:$0x0] =	sbarrier.arrive $0xFFFF  }
0x2f: {  	[tilespmem:s17], [sflag:$0x3] =	stream.linear.gather [spmem:s9], $0x4000, $0x38;
	[tilespmem:$0x17C80] =	vst v63  }
0x30: {  	_ =	swait.ge [sflag:s18], $0x4000  }
0x31: {  	[sflag:s18] =	ssyncset.done $0x0  }
0x32: {  	[sflag:s18] =	ssyncadd.s32 $0xFFFFC000  }
0x33: {  	[hbm4b:s13+s4] =	stream.linear.scatter [tilespmem:s17], [sflag:$0x3], $0x4000, $0x38;
	[tilespmem:$0x17C80] =	vst v63  }
0x34: {  	_ =	swait.ge [sflag:s18], $0x4000  }
0x35: {  	[sflag:s18] =	ssyncset.done $0x0  }
0x36: {  	[sflag:s18] =	ssyncadd.s32 $0xFFFFC000  }
0x37: {  	[tilespmem:s22], [sflag:$0x3] =	stream.linear.gather [spmem:s10], $0x4000, $0x38;
	[tilespmem:$0x17C80] =	vst v63  }
0x38: {  	_ =	swait.ge [sflag:s18], $0x4000  }
0x39: {  	[sflag:s18] =	ssyncset.done $0x0  }
0x3a: {  	[sflag:s18] =	ssyncadd.s32 $0xFFFFC000  }
0x3b: {  	[hbm4b:s14+s4] =	stream.linear.scatter [tilespmem:s22], [sflag:$0x3], $0x4000, $0x38;
	[tilespmem:$0x17C80] =	vst v63  }
0x3c: {  	_ =	swait.ge [sflag:s18], $0x4000  }
0x3d: {  	[sflag:s18] =	ssyncset.done $0x0  }
0x3e: {  	[sflag:s18] =	ssyncadd.s32 $0xFFFFC000  }
0x3f: {  	[tilespmem:s17], [sflag:$0x3] =	stream.linear.gather [spmem:s11], $0x2400, $0x38;
	[tilespmem:$0x17C80] =	vst v63  }
0x40: {  	s25 =	sadd.s32 $0x1, s25;
	_ =	swait.ge [sflag:s18], $0x2400  }
0x41: {  	p1 =	sne.s32 s25, s16;
	[sflag:s18] =	ssyncset.done $0x0  }
.Ltmp1:
0x42: {  	[sflag:s18] =	ssyncadd.s32 $0xFFFFDC00;
	(pc) =	sbr.rel @!p1 .LBB2_10-.Ltmp1, $4  }
0x43: {  	[hbm4b:s15+s4] =	stream.linear.scatter [tilespmem:s17], [sflag:$0x3], $0x2400, $0x38;
	[tilespmem:$0x17C80] =	vst v63  }
0x44: {  	_ =	swait.ge [sflag:s18], $0x2400  }
0x45: {  	[sflag:s18] =	ssyncset.done $0x0  }
0x46: {  	[sflag:s18] =	ssyncadd.s32 $0xFFFFDC00  }
.LBB2_1:
0x47: {  	[tilespmem:s17], [sflag:$0x3] =	stream.linear.gather [hbm4b:s7+s4], $0x4000, $0x38;
	[tilespmem:$0x17C80] =	vst v63  }
0x48: {  	_ =	swait.ge [sflag:s18], $0x4000  }
0x49: {  	[sflag:s18] =	ssyncset.done $0x0  }
0x4a: {  	[sflag:s18] =	ssyncadd.s32 $0xFFFFC000  }
0x4b: {  	[spmem:s9] =	stream.linear.scatter [tilespmem:s17], [sflag:$0x3], $0x4000, $0x38;
	[tilespmem:$0x17C80] =	vst v63  }
0x4c: {  	_ =	swait.ge [sflag:s18], $0x4000  }
0x4d: {  	[sflag:s18] =	ssyncset.done $0x0  }
0x4e: {  	[sflag:s18] =	ssyncadd.s32 $0xFFFFC000  }
0x4f: {  	[spmem:s10] =	stream.linear.scatter [tilespmem:s17], [sflag:$0x3], $0x4000, $0x38;
	[tilespmem:$0x17C80] =	vst v63  }
0x50: {  	_ =	swait.ge [sflag:s18], $0x4000  }
0x51: {  	[sflag:s18] =	ssyncset.done $0x0  }
0x52: {  	[sflag:s18] =	ssyncadd.s32 $0xFFFFC000  }
0x53: {  	[spmem:s11] =	stream.linear.scatter [tilespmem:s17], [sflag:$0x3], $0x2400, $0x38;
	[tilespmem:$0x17C80] =	vst v63  }
0x54: {  	_ =	swait.ge [sflag:s18], $0x2400  }
0x55: {  	[sflag:s18] =	ssyncset.done $0x0  }
0x56: {  	s0 =	simm.s32 $0xD800;
	[sflag:s18] =	ssyncadd.s32 $0xFFFFDC00  }
0x57: {  	[tilespmem:s0], [sflag:$0x3] =	stream.linear.gather [hbm4b:s8+s4], $0x80, $0x38;
	[tilespmem:$0x17C80] =	vst v63  }
0x58: {  	_ =	swait.ge [sflag:s18], $0x80  }
0x59: {  	[sflag:s18] =	ssyncset.done $0x0  }
0x5a: {  	[sflag:s18] =	ssyncadd.s32 $0xFFFFFF80  }
0x5b: {  	v0 =	vld [tilespmem:$0xD810]  }
0x5c: {  	v1 =	vld [tilespmem:$0xD820];
	_ =	sdelay $0x1  }
0x5d: {  	v2 =	vld [tilespmem:$0xD800];
	_ =	sdelay $0x1  }
0x5e: {  	v0 =	vxor.u32 $0x80000000, v0  }
0x5f: {  	v59 =	vxor.u32 $0x80000000, v1;
	(xrf0) =	vmax.scan.msk.u32 $0xffff, v0  }
0x60: {  	(xrf0) =	vmax.scan.msk.u32 $0xffff, v59  }
0x61: {  	v60 =	vxor.u32 $0x80000000, v2  }
0x62: {  	(xrf0) =	vmax.scan.msk.u32 $0xffff, v60;
	_ =	sdelay $0x2  }
0x63: {  	v61, _, _ =	vpop (xrf0)  }
0x64: {  	v62, _, _ =	vpop (xrf0);
	(v2sf) =	vpush v61, $0xF  }
0x65: {  	(v2sf) =	vpush v62, $0xF  }
0x66: {  	v63, _, _ =	vpop (xrf0)  }
0x67: {  	(v2sf) =	vpush v63, $0xF;
	_ =	sdelay $0xb  }
0x68: {  	s0 =	spop (v2sf)  }
0x69: {  	s2 =	spop (v2sf)  }
0x6a: {  	s2 =	smov.u32 @p0 s0  }
0x6b: {  	s6 =	stileid.u32;
	s5 =	spop (v2sf);
	s0 =	sxor.u32 $0x80000000, s2  }
0x6c: {  	s5 =	sxor.u32 $0x80000000, s5;
	s19 =	smul.u32 s6, s0  }
0x6d: {  	s30 =	simm.s32 $0x2C00;
	s5 =	simm.s32 @p0 $0x0  }
0x6e: {  	s28 =	rddreg [dreg:$0x1];
	p2 =	sgt.s32 s2, $0xFFFFFFFF;
	s5 =	sadd.s32 s19, s5  }
0x6f: {  	s2 =	sand.u32 $0x1, s2;
	p1 =	slt.s32 s0, $0x1;
	s19 =	sshll.u32 s5, $0x4  }
0x70: {  	p6 =	seq.s32 s2, $0x1;
	s5 =	sshll.u32 s5, $0x7;
	s19 =	sand.u32 $0x1FFFFFF0, s19  }
0x71: {  	s31 =	sshrl.u32 s0, $0x1F;
	s5 =	sand.u32 $0x7FFFFC00, s5;
	s19 =	sadd.s32 s28, s19  }
0x72: {  	[tilespmem:s4], [sflag:$0x3] =	stream.linear.gather [hbm4b:s19+s4], $0x2C00, $0x38;
	[tilespmem:$0x17C80] =	vst v63  }
0x73: {  	p1 =	por p2, p1;
	s5 =	sadd.s32 s12, s5;
	_ =	swait.ge [sflag:s18], $0x2C00  }
0x74: {  	s5 =	sshrl.u32 s5, $0x3;
	[sflag:s18] =	ssyncset.done $0x0;
	s29 =	rddreg [dreg:$0x5]  }
0x75: {  	p1 =	por !p1, !p6;
	[sflag:s18] =	ssyncadd.s32 $0xFFFFD400;
	s5 =	sadd.s32 s29, s5  }
0x76: {  	[tilespmem:s30], [sflag:$0x3] =	stream.linear.gather [hbm4b:s5+s4], $0x2C00, $0x38;
	[tilespmem:$0x17C80] =	vst v63  }
0x77: {  	s2 =	sadd.s32 s31, s0;
	p1 =	por !p1, !p1;
	s5 =	simm.s32 $0x1  }
0x78: {  	s2 =	sshra.s32 s2, $0x1;
	s5 =	simm.s32 @!p1 $0x0  }
0x79: {  	_ =	swait.ge [sflag:s18], $0x2C00;
	s2 =	ssub.s32 s2, s5  }
0x7a: {  	[sflag:s18] =	ssyncset.done $0x0;
	p1 =	slt.s32 s2, $0x1  }
.Ltmp2:
0x7b: {  	[sflag:s18] =	ssyncadd.s32 $0xFFFFD400;
	(pc) =	sbr.rel @p1 .LBB2_9-.Ltmp2, $4  }
0x7c: {  	[bflag:$0x0] =	sbarrier.arrive $0xFFFF  }
0x7d: {  	[tilespmem:s17], [sflag:$0x1] =	stream.indirect.gather [hbm4b:s1+s21], $0x80, s4, s21, $0xb8;
	[tilespmem:$0x17C80] =	vst v63  }
0x7e: {  	s5 =	simm.s32 $0x2C80  }
0x7f: {  	[tilespmem:s22], [sflag:$0x2] =	stream.indirect.gather [hbm4b:s1+s21], $0x80, s21, s21, $0xb8;
	[tilespmem:$0x17C80] =	vst v63  }
0x80: {  	p2 =	sne.s32 s2, $0x1;
	s19 =	sshra.s32 s0, $0x1F;
	s28 =	simm.s32 $0x0  }
.Ltmp3:
0x81: {  	s0 =	sxor.u32 s19, s0;
	s30 =	sxor.u32 s28, s24;
	(pc) =	sbr.rel @!p2 .LBB2_3-.Ltmp3, $4  }
0x82: {  	s26 =	ssub.s32 s0, s19;
	s31 =	ssub.s32 s30, s28  }
0x83: {  	(drf) =	srem.u32 s31, s26  }
0x84: {  	s20 =	simm.s32 $0x3;
	s29 =	simm.s32 $0x0  }
0x85: {  	s2 =	sadd.s32 $0xFFFFFFFF, s2;
	p1 =	por $0x0, $0x0;
	s19 =	sxor.u32 s29, s20  }
0x86: {  	_ =	sdelay $0x1  }
0x87: {  	_ =	swait.ge [sflag:s23], $0x4000  }
0x88: {  	s0 =	ssub.s32 s19, s29;
	[sflag:s23] =	ssyncset.done $0x0  }
0x89: {  	s6 =	simm.s32 $0x2C00;
	(drf) =	srem.u32 s0, s26;
	[sflag:s23] =	ssyncadd.s32 $0xFFFFC000  }
0x8a: {  	[spmem:s3] =	stream.indirect.scatter.add.f32 [tilespmem:s17], [sflag:$0x3], $0x80, s6, s21, $0xb8;
	[tilespmem:$0x17C80] =	vst v63  }
0x8b: {  	p2 =	sne.s32 s2, $0x1;
	s20 =	spop (drf)  }
0x8c: {  	s31 =	sadd.s32 $0xFFFFFFFF, s2;
	s2 =	simm.s32 $0x4;
	s20 =	sxor.u32 s28, s20  }
0x8d: {  	s19 =	simm.s32 $0x5;
	_ =	swait.ge [sflag:s18], $0x4000;
	s0 =	ssub.s32 s20, s28  }
0x8e: {  	s30 =	simm.s32 $0x0;
	[sflag:s18] =	ssyncset.done $0x0;
	s0 =	sshll.u32 s0, $0x9  }
0x8f: {  	s28 =	simm.s32 $0x0;
	[sflag:s18] =	ssyncadd.s32 $0xFFFFC000;
	s0 =	sshra.s32 s0, $0x2  }
0x90: {  	[tilespmem:s17], [sflag:$0x1] =	stream.indirect.gather [hbm4b:s1+s21], $0x80, s0, s21, $0xb8;
	[tilespmem:$0x17C80] =	vst v63  }
.Ltmp4:
0x91: {  	p1 =	por $0x1, $0x1;
	s6 =	sxor.u32 s28, s2;
	(pc) =	sbr.rel @!p2 .LBB2_5-.Ltmp4, $4  }
0x92: {  	s19 =	sxor.u32 s30, s19;
	s20 =	ssub.s32 s6, s28;
	_ =	swait.ge [sflag:s24], $0x4000  }
0x93: {  	[sflag:s24] =	ssyncset.done $0x0;
	(drf) =	srem.u32 s20, s26;
	s20 =	spop (drf)  }
0x94: {  	s0 =	simm.s32 $0x2D80;
	[sflag:s24] =	ssyncadd.s32 $0xFFFFC000;
	s20 =	sxor.u32 s29, s20  }
0x95: {  	[spmem:s3] =	stream.indirect.scatter.add.f32 [tilespmem:s22], [sflag:$0x3], $0x80, s5, s21, $0xb8;
	[tilespmem:$0x17C80] =	vst v63  }
.LBB2_6:
0x96: {  	s5 =	ssub.s32 s19, s30;
	_ =	swait.ge [sflag:s18], $0x4000;
	s19 =	ssub.s32 s20, s29  }
0x97: {  	p2 =	sne.s32 s31, $0x1;
	[sflag:s18] =	ssyncset.done $0x0;
	s19 =	sshll.u32 s19, $0x9  }
0x98: {  	s31 =	sadd.s32 $0xFFFFFFFF, s31;
	[sflag:s18] =	ssyncadd.s32 $0xFFFFC000;
	s19 =	sshra.s32 s19, $0x2  }
0x99: {  	[tilespmem:s22], [sflag:$0x2] =	stream.indirect.gather [hbm4b:s1+s21], $0x80, s19, s21, $0xb8;
	[tilespmem:$0x17C80] =	vst v63  }
0x9a: {  	s6 =	smov.u32 s0;
	s29 =	smov.u32 s30;
	_ =	swait.ge [sflag:s23], $0x4000  }
0x9b: {  	s19 =	sadd.s32 $0xFFFFFF80, s0;
	[sflag:s23] =	ssyncset.done $0x0  }
0x9c: {  	[sflag:s23] =	ssyncadd.s32 $0xFFFFC000;
	s20 =	spop (drf);
	(drf) =	srem.u32 s5, s26  }
0x9d: {  	[spmem:s3] =	stream.indirect.scatter.add.f32 [tilespmem:s17], [sflag:$0x3], $0x80, s19, s21, $0xb8;
	[tilespmem:$0x17C80] =	vst v63  }
0x9e: {  	s2 =	sadd.s32 $0x2, s2;
	s5 =	sxor.u32 s28, s20;
	_ =	swait.ge [sflag:s18], $0x4000  }
0x9f: {  	s0 =	sadd.s32 $0x100, s0;
	s19 =	sadd.s32 $0x1, s2;
	s5 =	ssub.s32 s5, s28  }
0xa0: {  	s30 =	sshra.s32 s19, $0x1F;
	s5 =	sshll.u32 s5, $0x9;
	[sflag:s18] =	ssyncset.done $0x0  }
0xa1: {  	s28 =	sshra.s32 s2, $0x1F;
	s5 =	sshra.s32 s5, $0x2  }
0xa2: {  	s20 =	sxor.u32 s28, s2;
	[sflag:s18] =	ssyncadd.s32 $0xFFFFC000  }
0xa3: {  	[tilespmem:s17], [sflag:$0x1] =	stream.indirect.gather [hbm4b:s1+s21], $0x80, s5, s21, $0xb8;
	[tilespmem:$0x17C80] =	vst v63  }
.Ltmp5:
0xa4: {  	_ = 	snop;
	(pc) =	sbr.rel @p2 .LBB2_6-.Ltmp5, $4  }
0xa5: {  	s5 =	ssub.s32 s20, s28;
	_ =	swait.ge [sflag:s24], $0x4000  }
0xa6: {  	(drf) =	srem.u32 s5, s26;
	[sflag:s24] =	ssyncset.done $0x0;
	s5 =	spop (drf)  }
0xa7: {  	s19 =	sxor.u32 s30, s19;
	[sflag:s24] =	ssyncadd.s32 $0xFFFFC000;
	s20 =	sxor.u32 s29, s5  }
0xa8: {  	[spmem:s3] =	stream.indirect.scatter.add.f32 [tilespmem:s22], [sflag:$0x3], $0x80, s6, s21, $0xb8;
	[tilespmem:$0x17C80] =	vst v63  }
.Ltmp6:
0xa9: {  	(pc) =	sbr.rel .LBB2_8-.Ltmp6, $2  }
0xaa: {  	_ =	sdelay $0x2  }
0xab: {  	s5 =	smov.u32 s0  }
.LBB2_5:
.Ltmp7:
0xac: {  	(pc) =	sbr.rel .LBB2_8-.Ltmp7, $2  }
0xad: {  	_ =	sdelay $0x2  }
0xae: {  	s5 =	simm.s32 $0x2D80  }
.LBB2_10:
0xaf: {  	_ =	sfence.sel $0x180000  }
0xb0: {  	[bflag:$0x0] =	sbarrier.arrive $0xFFFF  }
0xb1: {  	_ =	strace $0x90000050  }
0xb2: {  	s0 =	stileid.u32;
	[bflag:$0x2] =	sbarrier.arrive $0xFFFF  }
0xb3: {  	p0 =	sne.s32 s0, $0x0;
	s0 =	rddreg [dreg:$0x4]  }
0xb4: {  	s0 =	sadd.s32 @!p0 $0x100000, s0  }
0xb5: {  	[sflag:s0] =	ssyncadd.tile.s32 @!p0 $0x1;
	_ =	shalt  }
.Lfunc_end2:
_tile_overlayer_lowered:
.L_overlay_start_2:
0xb6: {  	(tag) =	ssettag $0x2  }
0xb7: {  	s0 =	rddreg [dreg:$0x0];
	s2 =	stileid.u32  }
0xb8: {  	s1 =	rddreg [dreg:$0x1];
	p0 =	sne.s32 s2, $0x0  }
0xb9: {  	s3 =	rddreg [dreg:$0x2];
	[bflag:$0x3] =	sbarrier.arrive $0xFFFF;
	s2 =	simm.s32 @!p0 $0x1C03  }
0xba: {  	[timem:s3], [sflag:s2] =	dma.local @!p0 [hbm:s0], s1  }
0xbb: {  	s0 =	simm.s32 @!p0 $0x3  }
0xbc: {  	_ =	swait.ge @!p0 [sflag:s0], s1  }
0xbd: {  	s1 =	ssub.s32 @!p0 $0x0, s1;
	[sflag:s0] =	ssyncset.done @!p0 $0x0  }
0xbe: {  	[sflag:s0] =	ssyncadd.s32 @!p0 s1  }
0xbf: {  	[bflag:$0x3] =	sbarrier.arrive $0xFFFF  }
0xc0: {  	_ =	shalt  }

// kernel: gather_offload_async_start.1
scs
__scs_entry_jumppad:
0x0: {  	(pc) =	sbr.rel $0x88, $3  }
0x1: {  	(tag) =	ssettag $0x0;
	lr =	simm.s32 $0x1  }
0x2: {  	[smem:$0x3F82] =	sst lr;
	_ =	strace $0xD0000000  }
0x3: {  	_ = 	snop  }
0x4: {  	_ = 	snop  }
0x5: {  	_ = 	snop  }
0x6: {  	_ = 	snop  }
0x7: {  	_ = 	snop  }
__scs_overlays_trampoline_lowered:
0x8: {  	[smem:$0x3F91] =	sst s0  }
0x9: {  	[smem:$0x3F92] =	sst s1  }
0xa: {  	[smem:$0x3F93] =	sst s2  }
0xb: {  	[smem:$0x3F94] =	sst s3  }
0xc: {  	[smem:$0x3F95] =	sst s4  }
0xd: {  	[smem:$0x3F96] =	sst s5  }
0xe: {  	[smem:$0x3F97] =	sst s6  }
0xf: {  	[smem:$0x3F98] =	sst s7  }
0x10: {  	[smem:$0x3F99] =	sst s8  }
0x11: {  	[smem:$0x3F9A] =	sst s9;
	s0 =	simm.s32 @!p0 $0x0  }
0x12: {  	s1 =	sld [smem:$0x3F80];
	s0 =	simm.s32 @p0 $0x1  }
0x13: {  	[smem:$0x3F9B] =	sst s0;
	s0 =	simm.s32 @!p1 $0x0  }
0x14: {  	s2 =	sld [smem:$0x3F7F];
	s0 =	simm.s32 @p1 $0x1  }
0x15: {  	[smem:$0x3F9C] =	sst s0;
	s0 =	simm.s32 @!p2 $0x0  }
0x16: {  	s3 =	sld [smem:$0x3FDB];
	s0 =	simm.s32 @p2 $0x1  }
0x17: {  	s4 =	simm.s32 $0x1BF5;
	[smem:$0x3F9E] =	sst s0  }
0x18: {  	s0 =	sld [smem:$0x3F81];
	_ =	swait.ge [sflag:s4], $0x0  }
0x19: {  	s7 =	sld [smem:$0x3F82]  }
0x1a: {  	s8 =	sadd.s32 $0xFFFFE003, lr  }
0x1b: {  	s9 =	sadd.s32 $0xFFFFFEF7, lr;
	s5 =	simm.s32 $0xFFFFFFFF;
	p2 =	slt.u32 s8, $0xFFFFF086  }
0x1c: {  	p1 =	slt.u32 s9, $0xF7A;
	s5 =	simm.s32 @!p2 $0x0  }
0x1d: {  	s5 =	simm.s32 @p1 $0x1;
	p0 =	seq.s32 s7, s2  }
0x1e: {  	s7 =	smul.u32 @!p0 $0xF7A, s2;
	p2 =	seq.s32 @!p0 s5, $0x0  }
0x1f: {  	s9 =	smul.u32 $0xF7A, s1;
	s8 =	simm.s32 @!p0 $0x1BF5;
	p2 =	por !p2, p0  }
0x20: {  	[sflag:s8] =	ssyncset.s32 @!p0 $0xFFFFF086;
	s6 =	sadd.s32 @!p0 s3, s7;
	s7 =	simm.s32 @!p0 $0x108  }
0x21: {  	s3 =	sadd.s32 s3, s9;
	s6 =	sadd.s32 @!p0 $0x88, s6;
	s7 =	simm.s32 @p2 $0x1082  }
0x22: {  	[simem:s7], [sflag:s8] =	dma.local @!p0 [hbm:s6], $0xF7A  }
0x23: {  	s9 =	sor.u32 $0xD0000000, s2;
	s6 =	simm.s32 $0x108;
	_ =	swait.ge @!p0 [sflag:s8], $0x0  }
0x24: {  	s3 =	sadd.s32 $0x88, s3;
	s6 =	simm.s32 @!p1 $0x1082;
	[sflag:s4] =	ssyncset.s32 $0xFFFFF086  }
0x25: {  	[simem:s6], [sflag:s4] =	dma.local [hbm:s3], $0xF7A  }
0x26: {  	[smem:$0x3F82] =	sst s1;
	(tag) =	ssettag s2;
	_ =	strace s9  }
0x27: {  	s1 =	sld [smem:$0x3F92]  }
0x28: {  	s2 =	sld [smem:$0x3F93]  }
0x29: {  	s4 =	sld [smem:$0x3F95]  }
0x2a: {  	p0 =	seq.s32 s5, $0x0;
	s5 =	sld [smem:$0x3F96]  }
0x2b: {  	s6 =	sld [smem:$0x3F97]  }
0x2c: {  	s7 =	sld [smem:$0x3F98]  }
0x2d: {  	s3 =	simm.s32 $0x108;
	s8 =	sld [smem:$0x3F99]  }
0x2e: {  	s3 =	simm.s32 @!p0 $0x1082;
	s9 =	sld [smem:$0x3F9A]  }
0x2f: {  	lr =	sadd.s32 s0, s3;
	s0 =	sld [smem:$0x3F91]  }
0x30: {  	s3 =	sld [smem:$0x3F94]  }
0x31: {  	[smem:$0x3F9D] =	sst s10  }
0x32: {  	s10 =	sld [smem:$0x3F9B];
	_ =	sdelay $0x3  }
0x33: {  	p0 =	seq.s32 s10, $0x1;
	s10 =	sld [smem:$0x3F9D];
	_ =	sdelay $0x3  }
0x34: {  	[smem:$0x3F9D] =	sst s10  }
0x35: {  	s10 =	sld [smem:$0x3F9C];
	_ =	sdelay $0x3  }
0x36: {  	p1 =	seq.s32 s10, $0x1;
	s10 =	sld [smem:$0x3F9D];
	_ =	sdelay $0x3  }
0x37: {  	[smem:$0x3F9D] =	sst s10  }
0x38: {  	s10 =	sld [smem:$0x3F9E]  }
0x39: {  	_ = 	snop;
	(pc) =	sbr.ind lr, $3  }
0x3a: {  	_ = 	snop  }
0x3b: {  	_ = 	snop  }
0x3c: {  	p2 =	seq.s32 s10, $0x1;
	s10 =	sld [smem:$0x3F9D]  }
0x3d: {  	_ =	shalt  }
0x3e: {  	_ =	shalt  }
0x3f: {  	_ =	shalt  }
0x40: {  	_ =	shalt  }
0x41: {  	_ =	shalt  }
0x42: {  	_ =	shalt  }
0x43: {  	_ =	shalt  }
0x44: {  	_ =	shalt  }
0x45: {  	_ =	shalt  }
0x46: {  	_ =	shalt  }
0x47: {  	_ =	shalt  }
0x48: {  	_ =	shalt  }
0x49: {  	_ =	shalt  }
0x4a: {  	_ =	shalt  }
0x4b: {  	_ =	shalt  }
0x4c: {  	_ =	shalt  }
0x4d: {  	_ =	shalt  }
0x4e: {  	_ =	shalt  }
0x4f: {  	_ =	shalt  }
0x50: {  	_ =	shalt  }
0x51: {  	_ =	shalt  }
0x52: {  	_ =	shalt  }
0x53: {  	_ =	shalt  }
0x54: {  	_ =	shalt  }
0x55: {  	_ =	shalt  }
0x56: {  	_ =	shalt  }
0x57: {  	_ =	shalt  }
0x58: {  	_ =	shalt  }
0x59: {  	_ =	shalt  }
0x5a: {  	_ =	shalt  }
0x5b: {  	_ =	shalt  }
0x5c: {  	_ =	shalt  }
0x5d: {  	_ =	shalt  }
0x5e: {  	_ =	shalt  }
0x5f: {  	_ =	shalt  }
0x60: {  	_ =	shalt  }
0x61: {  	_ =	shalt  }
0x62: {  	_ =	shalt  }
0x63: {  	_ =	shalt  }
0x64: {  	_ =	shalt  }
0x65: {  	_ =	shalt  }
0x66: {  	_ =	shalt  }
0x67: {  	_ =	shalt  }
0x68: {  	_ =	shalt  }
0x69: {  	_ =	shalt  }
0x6a: {  	_ =	shalt  }
0x6b: {  	_ =	shalt  }
0x6c: {  	_ =	shalt  }
0x6d: {  	_ =	shalt  }
0x6e: {  	_ =	shalt  }
0x6f: {  	_ =	shalt  }
0x70: {  	_ =	shalt  }
0x71: {  	_ =	shalt  }
0x72: {  	_ =	shalt  }
0x73: {  	_ =	shalt  }
0x74: {  	_ =	shalt  }
0x75: {  	_ =	shalt  }
0x76: {  	_ =	shalt  }
0x77: {  	_ =	shalt  }
0x78: {  	_ =	shalt  }
0x79: {  	_ =	shalt  }
0x7a: {  	_ =	shalt  }
0x7b: {  	_ =	shalt  }
0x7c: {  	_ =	shalt  }
0x7d: {  	_ =	shalt  }
0x7e: {  	_ =	shalt  }
0x7f: {  	_ =	shalt  }
0x80: {  	_ =	shalt  }
0x81: {  	_ =	shalt  }
0x82: {  	_ =	shalt  }
0x83: {  	_ =	shalt  }
0x84: {  	_ =	shalt  }
0x85: {  	_ =	shalt  }
0x86: {  	_ =	shalt  }
0x87: {  	_ =	shalt  }
.Lfunc_end0:
.L_simem_size_0:
called_computation.1_lowered:
.L_overlay_start_0:
0x88: {  	s2 =	sld [smem:$0x3FD9]  }
0x89: {  	s3 =	sld [smem:$0x3FFE];
	_ =	sdelay $0x1  }
0x8a: {  	s1 =	srdreg.scid  }
0x8b: {  	s0 =	sand.u32 $0x1, s1  }
0x8c: {  	s16 =	sshll.u32 s0, $0xA;
	s2 =	sadd.s32 s3, s2  }
0x8d: {  	s2 =	sadd.s32 s2, s16  }
0x8e: {  	[smem:$0x3FA9] =	sst s2  }
0x8f: {  	_ = 	snop  }
0x90: {  	(tm) =	ssettm $0x1  }
0x91: {  	s17 =	sld [smem:$0x3FFB];
	_ =	sdelay $0x3  }
0x92: {  	_ =	strace s17  }
0x93: {  	s2 =	sld [smem:$0x3FFC];
	_ =	sdelay $0x3  }
0x94: {  	_ =	strace s2  }
0x95: {  	s2 =	sld [smem:$0x3FFD];
	_ =	sdelay $0x3  }
0x96: {  	_ =	strace s2  }
0x97: {  	_ =	strace $0x8FFFFFFF  }
0x98: {  	s18 =	sld [smem:$0x3FDB];
	_ =	sdelay $0x1  }
0x99: {  	s19 =	simm.s32 $_scs_section_size  }
0x9a: {  	s4 =	simm.s32 $_size__tile_overlayer_lowered;
	s5 =	simm.s32 $_tile_overlayer_lowered  }
0x9b: {  	s22 =	simm.s32 $0x1BFF;
	s21 =	sshll.u32 s5, $0x1;
	s2 =	sadd.s32 s19, s18  }
0x9c: {  	s6 =	simm.s32 $0x0;
	s20 =	sshll.u32 s4, $0x1;
	s4 =	sadd.s32 s21, s2  }
0x9d: {  	[timem:s6], [sflag:s22] =	dma.local [hbm:s4], s20  }
0x9e: {  	_ =	swait.ge [sflag:s22], s20  }
0x9f: {  	s3 =	ssub.s32 $0x0, s20;
	[sflag:s22] =	ssyncset.done $0x0  }
0xa0: {  	[sflag:s22] =	ssyncadd.s32 s3;
	_ =	sdelay $0x1  }
0xa1: {  	s23 =	simm.s32 $0x1B8B  }
0xa2: {  	_ =	swait.ge [sflag:s23], $0x1  }
0xa3: {  	[sflag:s23] =	ssyncset.done $0x0  }
0xa4: {  	s25 =	simm.s32 $0x1B8E;
	s24 =	sld [smem:$0x3FFE];
	[sflag:s23] =	ssyncadd.s32 $0xFFFFFFFF  }
0xa5: {  	s26 =	simm.s32 $execute0_lowered;
	[smem:$0x3FD2] =	sst s25  }
0xa6: {  	s4 =	sshll.u32 s26, $0x1;
	_ =	strace $0x80000046;
	[dreg:$0x1] =	wrdreg $0xFFFFFFFF  }
0xa7: {  	s28 =	simm.s32 $_size_execute0_lowered;
	s2 =	sadd.s32 s2, s4;
	[dreg:$0x0] =	wrdreg $0x0  }
0xa8: {  	s4 =	sshll.u32 s28, $0x1;
	[dreg:$0x2] =	wrdreg s2  }
0xa9: {  	[dreg:$0x3] =	wrdreg s4  }
0xaa: {  	[dreg:$0x4] =	wrdreg $0xC0  }
0xab: {  	_ =	task [dreg:s6], $0x5FFFF  }
0xac: {  	[dreg:$0x1] =	wrdreg $0xFFFFFFFF  }
0xad: {  	[dreg:$0x0] =	wrdreg $0x60  }
0xae: {  	[dreg:$0x2] =	wrdreg s24  }
0xaf: {  	[dreg:$0x3] =	wrdreg $0xA  }
0xb0: {  	_ =	task.clear_ibuf [dreg:s6], $0x4FFFF;
	_ =	strace $0x90000046  }
0xb1: {  	s29 =	simm.s32 $0xA;
	_ =	strace $0x80000048  }
0xb2: {  	_ =	swait.ge [sflag:s29], $0x1  }
0xb3: {  	[sflag:s29] =	ssyncadd.s32 $0xFFFFFFFF  }
0xb4: {  	_ =	strace $0x90000048  }
0xb5: {  	_ =	sfence  }
0xb6: {  	s30 =	sld [smem:$0x0];
	_ =	sdelay $0x2  }
0xb7: {  	s31 =	sshll.u32 s1, $0xD;
	s1 =	sshrl.u32 s1, $0x2  }
0xb8: {  	s3 =	sand.u32 $0x4000, s31;
	s1 =	sadd.s32 s1, s30  }
0xb9: {  	s0 =	sor.u32 s3, s0;
	s1 =	sshll.u32 s1, $0x11  }
0xba: {  	s0 =	sor.u32 s1, s0  }
0xbb: {  	s0 =	sadd.s32 $0x8F2B, s0  }
0xbc: {  	[sflag:s0] =	ssyncadd.remote.s32 $0x1  }
0xbd: {  	_ =	sfence.sel $0xFFFF  }
0xbe: {  	[dreg:$0x0] =	wrdreg $0xFFFFFFFF;
	(pc) =	sbr.abs _section_cstart, $3  }
0xbf: {  	[dreg:$0x1] =	wrdreg $0xFFFFFFFF  }
0xc0: {  	_ =	task.clear_ibuf [dreg:s6], $0x2FFFF;
	_ =	strace $0x9FFFFFFF  }
0xc1: {  	(tm) =	ssettm $0x7FFFFFFF  }
tec
execute0_lowered:
.L_overlay_start_1:
0x0: {  	(tag) =	ssettag $0x1  }
0x1: {  	s0 =	srdreg.scid;
	s5 =	rddreg [dreg:$0x0]  }
0x2: {  	s1 =	stileid.u32;
	s6 =	simm.s32 $0x1;
	s9 =	simm.s32 $0x1  }
0x3: {  	s10 =	simm.s32 $0x3;
	s13 =	simm.s32 $0x0;
	s2 =	sshll.u32 s0, $0xC  }
0x4: {  	s12 =	simm.s32 $0x0;
	s3 =	sshll.u32 s1, $0xD;
	s2 =	sand.u32 $0x1000, s2  }
0x5: {  	s0 =	rddreg [dreg:$0x1];
	_ =	strace $0x80000047;
	s2 =	sor.u32 s3, s2  }
0x6: {  	s4 =	sadd.s32 $0x10C00, s5;
	[sflag:s6] =	ssyncpa.u1 $0x0;
	s8 =	ssub.s32 $0x28000, s2  }
.Ltmp0:
0x7: {  	s3 =	sadd.s32 $0xBC00, s5;
	s7 =	sand.u32 $0x1F000, s8;
	(pc) =	sbr.rel .LBB2_1-.Ltmp0, $4  }
0x8: {  	s5 =	sadd.s32 $0x15C00, s5;
	s11 =	smov.u32 s2;
	p0 =	sne.s32 s7, $0x0  }
0x9: {  	s8 =	sshrl.u32 s8, $0x11;
	s7 =	simm.s32 $0x2;
	s9 =	simm.s32 @!p0 $0x0  }
0xa: {  	[sflag:s7] =	ssyncpa.u1 $0x0;
	p0 =	por $0x0, $0x0;
	s8 =	sadd.s32 s9, s8  }
0xb: {  	vm0 =	vmmov $0xffff;
	[sflag:s10] =	ssyncpa.u1 $0x0;
	s10 =	simm.s32 $0x0;
	s9 =	sadd.s32 $0x1, s8  }
.LBB2_4:
0xc: {  	v2 =	vnsel vm1, $0x0, v2  }
0xd: {  	vm1 =	vgt.s32 v0, $0x0;
	v2 =	vmin.u32 v2, $0x27FFF  }
0xe: {  	v0 =	vnsel vm1, $0x0, v0  }
0xf: {  	v0 =	vmin.u32 v0, $0x27FFF  }
0x10: {  	[tilespmem:s15], [sflag:$0x1] =	stream.indirect_vreg.gather [hbm4b:s3+s10], $0x1, v1, vm0, $0x4038;
	[tilespmem:$0x4000] =	vst v63  }
0x11: {  	(ifvalue) =	ssetifvalue $0x7FFFFFFF  }
0x12: {  	[tilespmem:s16], [sflag:$0x1] =	stream.indirect_vreg.gather [hbm4b:s3+s10], $0x1, v2, vm0, $0x4038;
	[tilespmem:$0x4000] =	vst v63  }
0x13: {  	s29 =	sadd.s32 $0x10, s16;
	(ifvalue) =	ssetifvalue $0x7FFFFFFF  }
0x14: {  	[tilespmem:s29], [sflag:$0x1] =	stream.indirect_vreg.gather [hbm4b:s3+s10], $0x1, v0, vm0, $0x4038;
	[tilespmem:$0x4000] =	vst v63  }
0x15: {  	_ =	swait.ge [sflag:s6], $0x1000  }
0x16: {  	s30 =	sshrl.u32 s13, $0x3;
	[sflag:s6] =	ssyncset.done $0x0  }
0x17: {  	s31 =	sand.u32 $0x7, s13;
	s15 =	sadd.s32 s5, s30;
	[sflag:s6] =	ssyncadd.s32 $0xFFFFF000  }
0x18: {  	[hbm4b:s15+s31] =	stream.linear.scatter [tilespmem:s14], [sflag:$0x3], $0x1000, $0x38;
	[tilespmem:$0x4000] =	vst v63  }
.LBB2_5:
0x19: {  	s15 =	sadd.s32 $0x20000, s11  }
0x1a: {  	p2 =	sgt.s32 s15, $0x27FFF  }
0x1b: {  	s15 =	smov.u32 @p2 s2;
	p2 =	sne.s32 s12, s9  }
.Ltmp1:
0x1c: {  	p1 =	slt.u32 s12, $0x2;
	(pc) =	sbr.rel @!p2 .LBB2_6-.Ltmp1, $4  }
0x1d: {  	s14 =	simm.s32 @!p1 $0x3  }
0x1e: {  	s16 =	sadd.s32 $0x1, s12;
	_ =	swait.ge @!p1 [sflag:s14], $0x1000  }
0x1f: {  	s13 =	smov.u32 s11;
	p0 =	por !p0, !p0;
	[sflag:s14] =	ssyncset.done @!p1 $0x0  }
0x20: {  	s12 =	smov.u32 s16;
	s11 =	smov.u32 s15;
	[sflag:s14] =	ssyncadd.s32 @!p1 $0xFFFFF000  }
.LBB2_1:
0x21: {  	p1 =	sge.u32 s12, s8  }
0x22: {  	s14 =	sxor.u32 @!p1 $0xFFFFFFFF, s12  }
0x23: {  	s31 =	sadd.s32 $0xFFFFFFFF, s12;
	s15 =	sshrl.u32 @!p1 s11, $0x3;
	s14 =	sshll.u32 @!p1 s14, $0xC  }
0x24: {  	s16 =	sand.u32 @!p1 $0x7, s11;
	s15 =	sadd.s32 @!p1 s4, s15;
	s14 =	sand.u32 @!p1 $0x1000, s14  }
0x25: {  	[tilespmem:s14], [sflag:$0x2] =	stream.linear.gather @!p1 [hbm4b:s15+s16], $0x1000, $0x38;
	[tilespmem:$0x4000] =	vst v63  }
0x26: {  	p1 =	sge.u32 s31, s8  }
.Ltmp2:
0x27: {  	_ = 	snop;
	(pc) =	sbr.rel @p1 .LBB2_5-.Ltmp2, $1  }
0x28: {  	_ =	sdelay $0x3  }
0x29: {  	s14 =	simm.s32 $0x1  }
0x2a: {  	_ =	swait.ge [sflag:s7], $0x1000;
	s14 =	simm.s32 @!p0 $0x0  }
0x2b: {  	[sflag:s7] =	ssyncset.done $0x0;
	s14 =	sshll.u32 s14, $0xC  }
0x2c: {  	[sflag:s7] =	ssyncadd.s32 $0xFFFFF000;
	(ifvalue) =	ssetifvalue $0x7FFFFFFF;
	v0 =	vld.msk [tilespmem:s14+$0x0 ss:$0x1], $0xffff;
	_ =	sdelay $0x4  }
0x2d: {  	s15 =	sadd.s32 $0x10, s14;
	vm1 =	vgt.s32 v0, $0x0  }
0x2e: {  	v2 =	vld.msk [tilespmem:s15+$0x0 ss:$0x1], $0xffff;
	v1 =	vnsel vm1, $0x0, v0  }
0x2f: {  	v1 =	vmin.u32 v1, $0x27FFF;
	_ =	sdelay $0x1  }
0x30: {  	s16 =	sshll.u32 s12, $0xC;
	s18 =	simm.s32 $0x20  }
0x31: {  	s16 =	sand.u32 $0x1000, s16;
	s17 =	sadd.s32 $0x10, s15;
	s15 =	sor.u32 $0x2000, s14  }
0x32: {  	s14 =	sor.u32 $0x2000, s16;
	s16 =	sadd.s32 $0x10, s15;
	v0 =	vld.msk [tilespmem:s17+$0x0 ss:$0x1], $0xffff;
	vm1 =	vgt.s32 v2, $0x0;
	(ifvalue) =	ssetifvalue $0x7FFFFFFF  }
.LBB2_3:
0x33: {  	[tilespmem:s15], [sflag:$0x1] =	stream.indirect_vreg.gather [hbm4b:s3+s10], $0x1, v1, vm0, $0x4038;
	[tilespmem:$0x4000] =	vst v63  }
0x34: {  	s18 =	sadd.s32 $0x10, s18  }
0x35: {  	v2 =	vnsel vm1, $0x0, v2;
	p1 =	slt.u32 s18, $0xFF0  }
.Ltmp3:
0x36: {  	s15 =	smov.u32 s16;
	v1 =	vmin.u32 v2, $0x27FFF;
	(pc) =	sbr.rel @p1 .LBB2_3-.Ltmp3, $3  }
0x37: {  	_ =	sdelay $0x1  }
0x38: {  	s17 =	sadd.s32 $0x10, s17  }
0x39: {  	vm1 =	vgt.s32 v0, $0x0;
	s16 =	sadd.s32 $0x10, s16;
	v2 =	vmov v0;
	(ifvalue) =	ssetifvalue $0x7FFFFFFF;
	v0 =	vld.msk [tilespmem:s17+$0x0 ss:$0x1], $0xffff  }
.Ltmp4:
0x3a: {  	_ = 	snop;
	(pc) =	sbr.rel .LBB2_4-.Ltmp4, $1  }
0x3b: {  	_ =	sdelay $0x3  }
.LBB2_6:
0x3c: {  	_ =	sfence.sel $0x180000  }
0x3d: {  	s2 =	simm.s32 $0x2;
	[bflag:$0x0] =	sbarrier.arrive $0xFFFF  }
0x3e: {  	s30 =	simm.s32 $0x3;
	[sflag:s2] =	ssyncpa.u1 $0x1  }
0x3f: {  	s31 =	simm.s32 $0x1;
	[sflag:s30] =	ssyncpa.u1 $0x1  }
0x40: {  	[sflag:s31] =	ssyncpa.u1 $0x1  }
0x41: {  	p0 =	sne.s32 s1, $0x0;
	_ =	strace $0x90000047  }
0x42: {  	s0 =	sadd.s32 @!p0 $0x100000, s0;
	[bflag:$0x2] =	sbarrier.arrive $0xFFFF  }
0x43: {  	[sflag:s0] =	ssyncadd.tile.s32 @!p0 $0x1;
	_ =	shalt  }
.Lfunc_end2:
_tile_overlayer_lowered:
.L_overlay_start_2:
0x44: {  	(tag) =	ssettag $0x2  }
0x45: {  	s0 =	rddreg [dreg:$0x0];
	s2 =	stileid.u32  }
0x46: {  	s1 =	rddreg [dreg:$0x1];
	p0 =	sne.s32 s2, $0x0  }
0x47: {  	s3 =	rddreg [dreg:$0x2];
	[bflag:$0x3] =	sbarrier.arrive $0xFFFF;
	s2 =	simm.s32 @!p0 $0x1C01  }
0x48: {  	[timem:s3], [sflag:s2] =	dma.local @!p0 [hbm:s0], s1  }
0x49: {  	s0 =	simm.s32 @!p0 $0x1  }
0x4a: {  	_ =	swait.ge @!p0 [sflag:s0], s1  }
0x4b: {  	s1 =	ssub.s32 @!p0 $0x0, s1;
	[sflag:s0] =	ssyncset.done @!p0 $0x0  }
0x4c: {  	[sflag:s0] =	ssyncadd.s32 @!p0 s1  }
0x4d: {  	[bflag:$0x3] =	sbarrier.arrive $0xFFFF  }
0x4e: {  	_ =	shalt  }

// kernel: gather_offload_async_start
scs
__scs_entry_jumppad:
0x0: {  	(pc) =	sbr.rel $0x88, $3  }
0x1: {  	(tag) =	ssettag $0x0;
	lr =	simm.s32 $0x1  }
0x2: {  	[smem:$0x3F82] =	sst lr;
	_ =	strace $0xD0000000  }
0x3: {  	_ = 	snop  }
0x4: {  	_ = 	snop  }
0x5: {  	_ = 	snop  }
0x6: {  	_ = 	snop  }
0x7: {  	_ = 	snop  }
__scs_overlays_trampoline_lowered:
0x8: {  	[smem:$0x3F91] =	sst s0  }
0x9: {  	[smem:$0x3F92] =	sst s1  }
0xa: {  	[smem:$0x3F93] =	sst s2  }
0xb: {  	[smem:$0x3F94] =	sst s3  }
0xc: {  	[smem:$0x3F95] =	sst s4  }
0xd: {  	[smem:$0x3F96] =	sst s5  }
0xe: {  	[smem:$0x3F97] =	sst s6  }
0xf: {  	[smem:$0x3F98] =	sst s7  }
0x10: {  	[smem:$0x3F99] =	sst s8  }
0x11: {  	[smem:$0x3F9A] =	sst s9;
	s0 =	simm.s32 @!p0 $0x0  }
0x12: {  	s1 =	sld [smem:$0x3F80];
	s0 =	simm.s32 @p0 $0x1  }
0x13: {  	[smem:$0x3F9B] =	sst s0;
	s0 =	simm.s32 @!p1 $0x0  }
0x14: {  	s2 =	sld [smem:$0x3F7F];
	s0 =	simm.s32 @p1 $0x1  }
0x15: {  	[smem:$0x3F9C] =	sst s0;
	s0 =	simm.s32 @!p2 $0x0  }
0x16: {  	s3 =	sld [smem:$0x3FDB];
	s0 =	simm.s32 @p2 $0x1  }
0x17: {  	s4 =	simm.s32 $0x1BF5;
	[smem:$0x3F9E] =	sst s0  }
0x18: {  	s0 =	sld [smem:$0x3F81];
	_ =	swait.ge [sflag:s4], $0x0  }
0x19: {  	s7 =	sld [smem:$0x3F82]  }
0x1a: {  	s8 =	sadd.s32 $0xFFFFE003, lr  }
0x1b: {  	s9 =	sadd.s32 $0xFFFFFEF7, lr;
	s5 =	simm.s32 $0xFFFFFFFF;
	p2 =	slt.u32 s8, $0xFFFFF086  }
0x1c: {  	p1 =	slt.u32 s9, $0xF7A;
	s5 =	simm.s32 @!p2 $0x0  }
0x1d: {  	s5 =	simm.s32 @p1 $0x1;
	p0 =	seq.s32 s7, s2  }
0x1e: {  	s7 =	smul.u32 @!p0 $0xF7A, s2;
	p2 =	seq.s32 @!p0 s5, $0x0  }
0x1f: {  	s9 =	smul.u32 $0xF7A, s1;
	s8 =	simm.s32 @!p0 $0x1BF5;
	p2 =	por !p2, p0  }
0x20: {  	[sflag:s8] =	ssyncset.s32 @!p0 $0xFFFFF086;
	s6 =	sadd.s32 @!p0 s3, s7;
	s7 =	simm.s32 @!p0 $0x108  }
0x21: {  	s3 =	sadd.s32 s3, s9;
	s6 =	sadd.s32 @!p0 $0x88, s6;
	s7 =	simm.s32 @p2 $0x1082  }
0x22: {  	[simem:s7], [sflag:s8] =	dma.local @!p0 [hbm:s6], $0xF7A  }
0x23: {  	s9 =	sor.u32 $0xD0000000, s2;
	s6 =	simm.s32 $0x108;
	_ =	swait.ge @!p0 [sflag:s8], $0x0  }
0x24: {  	s3 =	sadd.s32 $0x88, s3;
	s6 =	simm.s32 @!p1 $0x1082;
	[sflag:s4] =	ssyncset.s32 $0xFFFFF086  }
0x25: {  	[simem:s6], [sflag:s4] =	dma.local [hbm:s3], $0xF7A  }
0x26: {  	[smem:$0x3F82] =	sst s1;
	(tag) =	ssettag s2;
	_ =	strace s9  }
0x27: {  	s1 =	sld [smem:$0x3F92]  }
0x28: {  	s2 =	sld [smem:$0x3F93]  }
0x29: {  	s4 =	sld [smem:$0x3F95]  }
0x2a: {  	p0 =	seq.s32 s5, $0x0;
	s5 =	sld [smem:$0x3F96]  }
0x2b: {  	s6 =	sld [smem:$0x3F97]  }
0x2c: {  	s7 =	sld [smem:$0x3F98]  }
0x2d: {  	s3 =	simm.s32 $0x108;
	s8 =	sld [smem:$0x3F99]  }
0x2e: {  	s3 =	simm.s32 @!p0 $0x1082;
	s9 =	sld [smem:$0x3F9A]  }
0x2f: {  	lr =	sadd.s32 s0, s3;
	s0 =	sld [smem:$0x3F91]  }
0x30: {  	s3 =	sld [smem:$0x3F94]  }
0x31: {  	[smem:$0x3F9D] =	sst s10  }
0x32: {  	s10 =	sld [smem:$0x3F9B];
	_ =	sdelay $0x3  }
0x33: {  	p0 =	seq.s32 s10, $0x1;
	s10 =	sld [smem:$0x3F9D];
	_ =	sdelay $0x3  }
0x34: {  	[smem:$0x3F9D] =	sst s10  }
0x35: {  	s10 =	sld [smem:$0x3F9C];
	_ =	sdelay $0x3  }
0x36: {  	p1 =	seq.s32 s10, $0x1;
	s10 =	sld [smem:$0x3F9D];
	_ =	sdelay $0x3  }
0x37: {  	[smem:$0x3F9D] =	sst s10  }
0x38: {  	s10 =	sld [smem:$0x3F9E]  }
0x39: {  	_ = 	snop;
	(pc) =	sbr.ind lr, $3  }
0x3a: {  	_ = 	snop  }
0x3b: {  	_ = 	snop  }
0x3c: {  	p2 =	seq.s32 s10, $0x1;
	s10 =	sld [smem:$0x3F9D]  }
0x3d: {  	_ =	shalt  }
0x3e: {  	_ =	shalt  }
0x3f: {  	_ =	shalt  }
0x40: {  	_ =	shalt  }
0x41: {  	_ =	shalt  }
0x42: {  	_ =	shalt  }
0x43: {  	_ =	shalt  }
0x44: {  	_ =	shalt  }
0x45: {  	_ =	shalt  }
0x46: {  	_ =	shalt  }
0x47: {  	_ =	shalt  }
0x48: {  	_ =	shalt  }
0x49: {  	_ =	shalt  }
0x4a: {  	_ =	shalt  }
0x4b: {  	_ =	shalt  }
0x4c: {  	_ =	shalt  }
0x4d: {  	_ =	shalt  }
0x4e: {  	_ =	shalt  }
0x4f: {  	_ =	shalt  }
0x50: {  	_ =	shalt  }
0x51: {  	_ =	shalt  }
0x52: {  	_ =	shalt  }
0x53: {  	_ =	shalt  }
0x54: {  	_ =	shalt  }
0x55: {  	_ =	shalt  }
0x56: {  	_ =	shalt  }
0x57: {  	_ =	shalt  }
0x58: {  	_ =	shalt  }
0x59: {  	_ =	shalt  }
0x5a: {  	_ =	shalt  }
0x5b: {  	_ =	shalt  }
0x5c: {  	_ =	shalt  }
0x5d: {  	_ =	shalt  }
0x5e: {  	_ =	shalt  }
0x5f: {  	_ =	shalt  }
0x60: {  	_ =	shalt  }
0x61: {  	_ =	shalt  }
0x62: {  	_ =	shalt  }
0x63: {  	_ =	shalt  }
0x64: {  	_ =	shalt  }
0x65: {  	_ =	shalt  }
0x66: {  	_ =	shalt  }
0x67: {  	_ =	shalt  }
0x68: {  	_ =	shalt  }
0x69: {  	_ =	shalt  }
0x6a: {  	_ =	shalt  }
0x6b: {  	_ =	shalt  }
0x6c: {  	_ =	shalt  }
0x6d: {  	_ =	shalt  }
0x6e: {  	_ =	shalt  }
0x6f: {  	_ =	shalt  }
0x70: {  	_ =	shalt  }
0x71: {  	_ =	shalt  }
0x72: {  	_ =	shalt  }
0x73: {  	_ =	shalt  }
0x74: {  	_ =	shalt  }
0x75: {  	_ =	shalt  }
0x76: {  	_ =	shalt  }
0x77: {  	_ =	shalt  }
0x78: {  	_ =	shalt  }
0x79: {  	_ =	shalt  }
0x7a: {  	_ =	shalt  }
0x7b: {  	_ =	shalt  }
0x7c: {  	_ =	shalt  }
0x7d: {  	_ =	shalt  }
0x7e: {  	_ =	shalt  }
0x7f: {  	_ =	shalt  }
0x80: {  	_ =	shalt  }
0x81: {  	_ =	shalt  }
0x82: {  	_ =	shalt  }
0x83: {  	_ =	shalt  }
0x84: {  	_ =	shalt  }
0x85: {  	_ =	shalt  }
0x86: {  	_ =	shalt  }
0x87: {  	_ =	shalt  }
.Lfunc_end0:
.L_simem_size_0:
called_computation_lowered:
.L_overlay_start_0:
0x88: {  	s2 =	sld [smem:$0x3FD9]  }
0x89: {  	s3 =	sld [smem:$0x3FFE];
	_ =	sdelay $0x1  }
0x8a: {  	s1 =	srdreg.scid  }
0x8b: {  	s0 =	sand.u32 $0x1, s1  }
0x8c: {  	s15 =	sshll.u32 s0, $0xA;
	s2 =	sadd.s32 s3, s2  }
0x8d: {  	s2 =	sadd.s32 s2, s15  }
0x8e: {  	[smem:$0x3FA9] =	sst s2  }
0x8f: {  	_ = 	snop  }
0x90: {  	s2 =	sld [smem:$0x3FD0];
	_ =	sdelay $0x2  }
0x91: {  	s16 =	simm.s32 $0xC;
	s4 =	simm.s32 $0x10  }
0x92: {  	[smem:s4], [sflag:s16] =	dma.local [hbm:s2], $0x1  }
0x93: {  	_ =	swait.eq [sflag:s16], $0x1  }
0x94: {  	[sflag:s16] =	ssyncset.done $0x0  }
0x95: {  	[sflag:s16] =	ssyncadd.s32 $0xFFFFFFFF  }
0x96: {  	s17 =	sld [smem:$0x13];
	(tm) =	ssettm $0x1  }
0x97: {  	s18 =	sld [smem:$0x3FFB];
	_ =	sdelay $0x3  }
0x98: {  	_ =	strace s18  }
0x99: {  	s2 =	sld [smem:$0x3FFC];
	_ =	sdelay $0x3  }
0x9a: {  	_ =	strace s2  }
0x9b: {  	s2 =	sld [smem:$0x3FFD];
	_ =	sdelay $0x3  }
0x9c: {  	_ =	strace s2  }
0x9d: {  	_ =	strace $0x8FFFFFFF  }
0x9e: {  	s19 =	sld [smem:$0x3FDB];
	_ =	sdelay $0x1  }
0x9f: {  	s20 =	simm.s32 $_scs_section_size  }
0xa0: {  	s5 =	simm.s32 $_size__tile_overlayer_lowered;
	s6 =	simm.s32 $_tile_overlayer_lowered  }
0xa1: {  	s7 =	simm.s32 $0x1BFF;
	s21 =	sshll.u32 s6, $0x1;
	s4 =	sadd.s32 s20, s19  }
0xa2: {  	s22 =	simm.s32 $0x0;
	s5 =	sshll.u32 s5, $0x1;
	s6 =	sadd.s32 s21, s4  }
0xa3: {  	[timem:s22], [sflag:s7] =	dma.local [hbm:s6], s5  }
0xa4: {  	_ =	swait.ge [sflag:s7], s5  }
0xa5: {  	s5 =	ssub.s32 $0x0, s5;
	[sflag:s7] =	ssyncset.done $0x0  }
0xa6: {  	[sflag:s7] =	ssyncadd.s32 s5;
	_ =	sdelay $0x1  }
0xa7: {  	s23 =	simm.s32 $0x1B8B  }
0xa8: {  	_ =	swait.ge [sflag:s23], $0x1  }
0xa9: {  	[sflag:s23] =	ssyncset.done $0x0  }
0xaa: {  	[sflag:s23] =	ssyncadd.s32 $0xFFFFFFFF  }
0xab: {  	s5 =	sld [smem:$0x0]  }
0xac: {  	s6 =	sand.u32 $0xFFFFFFFE, s1  }
0xad: {  	p0 =	sne.s32 s1, s6  }
0xae: {  	s6 =	sshll.u32 @p0 s6, $0xE  }
0xaf: {  	s6 =	sadd.s32 @p0 $0x11B8D, s6;
	s7 =	sshll.u32 @p0 s5, $0x11  }
0xb0: {  	s6 =	sor.u32 @p0 s7, s6  }
0xb1: {  	[sflag:s6] =	ssyncadd.remote.s32 @p0 $0x1;
	_ =	sdelay $0x1  }
0xb2: {  	s6 =	simm.s32 @p0 $0x1B8D  }
0xb3: {  	_ =	swait.eq @p0 [sflag:s6], $0x1  }
0xb4: {  	[sflag:s6] =	ssyncadd.s32 @p0 $0xFFFFFFFF  }
0xb5: {  	s7 =	sshll.u32 @!p0 s1, $0xE  }
0xb6: {  	s7 =	sor.u32 @!p0 $0x4000, s7;
	s6 =	simm.s32 @!p0 $0x1B8D  }
0xb7: {  	s5 =	sshll.u32 @!p0 s5, $0x11;
	s7 =	sadd.s32 @!p0 $0x11B8D, s7;
	_ =	swait.eq @!p0 [sflag:s6], $0x1  }
0xb8: {  	s5 =	sor.u32 @!p0 s5, s7;
	[sflag:s6] =	ssyncadd.s32 @!p0 $0xFFFFFFFF  }
0xb9: {  	s25 =	simm.s32 $0x1B8E;
	s24 =	sld [smem:$0x3FFE];
	[sflag:s5] =	ssyncadd.remote.s32 @!p0 $0x1  }
0xba: {  	s26 =	simm.s32 $execute0_lowered;
	[smem:$0x3FD2] =	sst s25  }
0xbb: {  	s6 =	sshll.u32 s26, $0x1;
	_ =	strace $0x80000049;
	[dreg:$0x1] =	wrdreg $0xFFFFFFFF  }
0xbc: {  	s28 =	simm.s32 $_size_execute0_lowered;
	s4 =	sadd.s32 s4, s6;
	[dreg:$0x0] =	wrdreg $0x0  }
0xbd: {  	s6 =	sshll.u32 s28, $0x1;
	[dreg:$0x2] =	wrdreg s4  }
0xbe: {  	[dreg:$0x3] =	wrdreg s6  }
0xbf: {  	[dreg:$0x4] =	wrdreg $0xC0  }
0xc0: {  	_ =	task [dreg:s22], $0x5FFFF  }
0xc1: {  	[dreg:$0x1] =	wrdreg $0xFFFFFFFF  }
0xc2: {  	[dreg:$0x0] =	wrdreg $0x60  }
0xc3: {  	[dreg:$0x2] =	wrdreg s17  }
0xc4: {  	[dreg:$0x3] =	wrdreg s24  }
0xc5: {  	[dreg:$0x4] =	wrdreg $0x9  }
0xc6: {  	_ =	task.clear_ibuf [dreg:s22], $0x5FFFF;
	_ =	strace $0x90000049  }
0xc7: {  	s29 =	simm.s32 $0x9;
	_ =	strace $0x8000004B  }
0xc8: {  	_ =	swait.ge [sflag:s29], $0x1  }
0xc9: {  	[sflag:s29] =	ssyncadd.s32 $0xFFFFFFFF  }
0xca: {  	_ =	strace $0x9000004B  }
0xcb: {  	_ =	sfence  }
0xcc: {  	s30 =	sld [smem:$0x0];
	_ =	sdelay $0x2  }
0xcd: {  	s31 =	sshll.u32 s1, $0xD;
	s1 =	sshrl.u32 s1, $0x2  }
0xce: {  	s4 =	sand.u32 $0x4000, s31;
	s1 =	sadd.s32 s1, s30  }
0xcf: {  	s0 =	sor.u32 s4, s0;
	s1 =	sshll.u32 s1, $0x11  }
0xd0: {  	s0 =	sor.u32 s1, s0  }
0xd1: {  	s0 =	sadd.s32 $0x8F2B, s0  }
0xd2: {  	[sflag:s0] =	ssyncadd.remote.s32 $0x1  }
0xd3: {  	_ =	sfence.sel $0xFFFF  }
0xd4: {  	[dreg:$0x0] =	wrdreg $0xFFFFFFFF;
	(pc) =	sbr.abs _section_cstart, $3  }
0xd5: {  	[dreg:$0x1] =	wrdreg $0xFFFFFFFF  }
0xd6: {  	_ =	task.clear_ibuf [dreg:s22], $0x2FFFF;
	_ =	strace $0x9FFFFFFF  }
0xd7: {  	(tm) =	ssettm $0x7FFFFFFF  }
tec
execute0_lowered:
.L_overlay_start_1:
0x0: {  	(tag) =	ssettag $0x1  }
0x1: {  	s1 =	srdreg.scid;
	s2 =	rddreg [dreg:$0x0]  }
0x2: {  	s0 =	stileid.u32;
	s5 =	rddreg [dreg:$0x1];
	s6 =	simm.s32 $0x1  }
0x3: {  	s9 =	simm.s32 $0x1;
	s10 =	simm.s32 $0x3;
	s1 =	sshll.u32 s1, $0xC  }
0x4: {  	s13 =	simm.s32 $0x0;
	s3 =	sshll.u32 s0, $0xD;
	s4 =	sand.u32 $0x1000, s1  }
0x5: {  	s12 =	simm.s32 $0x0;
	s1 =	rddreg [dreg:$0x2];
	s3 =	sor.u32 s3, s4  }
0x6: {  	_ =	strace $0x8000004A;
	s4 =	sadd.s32 $0x10C00, s5;
	s8 =	ssub.s32 $0x28000, s3  }
.Ltmp0:
0x7: {  	s5 =	sadd.s32 $0x1AC00, s5;
	s7 =	sand.u32 $0x1F000, s8;
	(pc) =	sbr.rel .LBB2_1-.Ltmp0, $4  }
0x8: {  	[sflag:s6] =	ssyncpa.u1 $0x0;
	s11 =	smov.u32 s3;
	p0 =	sne.s32 s7, $0x0  }
0x9: {  	s8 =	sshrl.u32 s8, $0x11;
	s7 =	simm.s32 $0x2;
	s9 =	simm.s32 @!p0 $0x0  }
0xa: {  	[sflag:s7] =	ssyncpa.u1 $0x0;
	p0 =	por $0x0, $0x0;
	s8 =	sadd.s32 s9, s8  }
0xb: {  	vm0 =	vmmov $0xffff;
	[sflag:s10] =	ssyncpa.u1 $0x0;
	s10 =	simm.s32 $0x0;
	s9 =	sadd.s32 $0x1, s8  }
.LBB2_4:
0xc: {  	v2 =	vnsel vm1, $0x0, v2  }
0xd: {  	vm1 =	vgt.s32 v0, $0x0;
	v2 =	vmin.u32 v2, $0x27FFF  }
0xe: {  	v0 =	vnsel vm1, $0x0, v0  }
0xf: {  	v0 =	vmin.u32 v0, $0x27FFF  }
0x10: {  	[tilespmem:s15], [sflag:$0x1] =	stream.indirect_vreg.gather [hbm4b:s2+s10], $0x1, v1, vm0, $0x4038;
	[tilespmem:$0x4000] =	vst v63  }
0x11: {  	(ifvalue) =	ssetifvalue $0x7FFFFFFF  }
0x12: {  	[tilespmem:s16], [sflag:$0x1] =	stream.indirect_vreg.gather [hbm4b:s2+s10], $0x1, v2, vm0, $0x4038;
	[tilespmem:$0x4000] =	vst v63  }
0x13: {  	s29 =	sadd.s32 $0x10, s16;
	(ifvalue) =	ssetifvalue $0x7FFFFFFF  }
0x14: {  	[tilespmem:s29], [sflag:$0x1] =	stream.indirect_vreg.gather [hbm4b:s2+s10], $0x1, v0, vm0, $0x4038;
	[tilespmem:$0x4000] =	vst v63  }
0x15: {  	_ =	swait.ge [sflag:s6], $0x1000  }
0x16: {  	s30 =	sshrl.u32 s13, $0x3;
	[sflag:s6] =	ssyncset.done $0x0  }
0x17: {  	s31 =	sand.u32 $0x7, s13;
	s15 =	sadd.s32 s5, s30;
	[sflag:s6] =	ssyncadd.s32 $0xFFFFF000  }
0x18: {  	[hbm4b:s15+s31] =	stream.linear.scatter [tilespmem:s14], [sflag:$0x3], $0x1000, $0x38;
	[tilespmem:$0x4000] =	vst v63  }
.LBB2_5:
0x19: {  	s15 =	sadd.s32 $0x20000, s11  }
0x1a: {  	p2 =	sgt.s32 s15, $0x27FFF  }
0x1b: {  	s15 =	smov.u32 @p2 s3;
	p2 =	sne.s32 s12, s9  }
.Ltmp1:
0x1c: {  	p1 =	slt.u32 s12, $0x2;
	(pc) =	sbr.rel @!p2 .LBB2_6-.Ltmp1, $4  }
0x1d: {  	s14 =	simm.s32 @!p1 $0x3  }
0x1e: {  	s16 =	sadd.s32 $0x1, s12;
	_ =	swait.ge @!p1 [sflag:s14], $0x1000  }
0x1f: {  	s13 =	smov.u32 s11;
	p0 =	por !p0, !p0;
	[sflag:s14] =	ssyncset.done @!p1 $0x0  }
0x20: {  	s12 =	smov.u32 s16;
	s11 =	smov.u32 s15;
	[sflag:s14] =	ssyncadd.s32 @!p1 $0xFFFFF000  }
.LBB2_1:
0x21: {  	p1 =	sge.u32 s12, s8  }
0x22: {  	s14 =	sxor.u32 @!p1 $0xFFFFFFFF, s12  }
0x23: {  	s31 =	sadd.s32 $0xFFFFFFFF, s12;
	s15 =	sshrl.u32 @!p1 s11, $0x3;
	s14 =	sshll.u32 @!p1 s14, $0xC  }
0x24: {  	s16 =	sand.u32 @!p1 $0x7, s11;
	s15 =	sadd.s32 @!p1 s4, s15;
	s14 =	sand.u32 @!p1 $0x1000, s14  }
0x25: {  	[tilespmem:s14], [sflag:$0x2] =	stream.linear.gather @!p1 [hbm4b:s15+s16], $0x1000, $0x38;
	[tilespmem:$0x4000] =	vst v63  }
0x26: {  	p1 =	sge.u32 s31, s8  }
.Ltmp2:
0x27: {  	_ = 	snop;
	(pc) =	sbr.rel @p1 .LBB2_5-.Ltmp2, $1  }
0x28: {  	_ =	sdelay $0x3  }
0x29: {  	s14 =	simm.s32 $0x1  }
0x2a: {  	_ =	swait.ge [sflag:s7], $0x1000;
	s14 =	simm.s32 @!p0 $0x0  }
0x2b: {  	[sflag:s7] =	ssyncset.done $0x0;
	s14 =	sshll.u32 s14, $0xC  }
0x2c: {  	[sflag:s7] =	ssyncadd.s32 $0xFFFFF000;
	(ifvalue) =	ssetifvalue $0x7FFFFFFF;
	v0 =	vld.msk [tilespmem:s14+$0x0 ss:$0x1], $0xffff;
	_ =	sdelay $0x4  }
0x2d: {  	s15 =	sadd.s32 $0x10, s14;
	vm1 =	vgt.s32 v0, $0x0  }
0x2e: {  	v2 =	vld.msk [tilespmem:s15+$0x0 ss:$0x1], $0xffff;
	v1 =	vnsel vm1, $0x0, v0  }
0x2f: {  	v1 =	vmin.u32 v1, $0x27FFF;
	_ =	sdelay $0x1  }
0x30: {  	s16 =	sshll.u32 s12, $0xC;
	s18 =	simm.s32 $0x20  }
0x31: {  	s16 =	sand.u32 $0x1000, s16;
	s17 =	sadd.s32 $0x10, s15;
	s15 =	sor.u32 $0x2000, s14  }
0x32: {  	s14 =	sor.u32 $0x2000, s16;
	s16 =	sadd.s32 $0x10, s15;
	v0 =	vld.msk [tilespmem:s17+$0x0 ss:$0x1], $0xffff;
	vm1 =	vgt.s32 v2, $0x0;
	(ifvalue) =	ssetifvalue $0x7FFFFFFF  }
.LBB2_3:
0x33: {  	[tilespmem:s15], [sflag:$0x1] =	stream.indirect_vreg.gather [hbm4b:s2+s10], $0x1, v1, vm0, $0x4038;
	[tilespmem:$0x4000] =	vst v63  }
0x34: {  	s18 =	sadd.s32 $0x10, s18  }
0x35: {  	v2 =	vnsel vm1, $0x0, v2;
	p1 =	slt.u32 s18, $0xFF0  }
.Ltmp3:
0x36: {  	s15 =	smov.u32 s16;
	v1 =	vmin.u32 v2, $0x27FFF;
	(pc) =	sbr.rel @p1 .LBB2_3-.Ltmp3, $3  }
0x37: {  	_ =	sdelay $0x1  }
0x38: {  	s17 =	sadd.s32 $0x10, s17  }
0x39: {  	vm1 =	vgt.s32 v0, $0x0;
	s16 =	sadd.s32 $0x10, s16;
	v2 =	vmov v0;
	(ifvalue) =	ssetifvalue $0x7FFFFFFF;
	v0 =	vld.msk [tilespmem:s17+$0x0 ss:$0x1], $0xffff  }
.Ltmp4:
0x3a: {  	_ = 	snop;
	(pc) =	sbr.rel .LBB2_4-.Ltmp4, $1  }
0x3b: {  	_ =	sdelay $0x3  }
.LBB2_6:
0x3c: {  	_ =	sfence.sel $0x180000  }
0x3d: {  	s2 =	simm.s32 $0x2;
	[bflag:$0x0] =	sbarrier.arrive $0xFFFF  }
0x3e: {  	s30 =	simm.s32 $0x3;
	[sflag:s2] =	ssyncpa.u1 $0x1  }
0x3f: {  	s31 =	simm.s32 $0x1;
	[sflag:s30] =	ssyncpa.u1 $0x1  }
0x40: {  	[sflag:s31] =	ssyncpa.u1 $0x1  }
0x41: {  	p0 =	sne.s32 s0, $0x0;
	_ =	strace $0x9000004A  }
0x42: {  	s0 =	sadd.s32 @!p0 $0x100000, s1;
	[bflag:$0x2] =	sbarrier.arrive $0xFFFF  }
0x43: {  	[sflag:s0] =	ssyncadd.tile.s32 @!p0 $0x1;
	_ =	shalt  }
.Lfunc_end2:
_tile_overlayer_lowered:
.L_overlay_start_2:
0x44: {  	(tag) =	ssettag $0x2  }
0x45: {  	s0 =	rddreg [dreg:$0x0];
	s2 =	stileid.u32  }
0x46: {  	s1 =	rddreg [dreg:$0x1];
	p0 =	sne.s32 s2, $0x0  }
0x47: {  	s3 =	rddreg [dreg:$0x2];
	[bflag:$0x3] =	sbarrier.arrive $0xFFFF;
	s2 =	simm.s32 @!p0 $0x1C01  }
0x48: {  	[timem:s3], [sflag:s2] =	dma.local @!p0 [hbm:s0], s1  }
0x49: {  	s0 =	simm.s32 @!p0 $0x1  }
0x4a: {  	_ =	swait.ge @!p0 [sflag:s0], s1  }
0x4b: {  	s1 =	ssub.s32 @!p0 $0x0, s1;
	[sflag:s0] =	ssyncset.done @!p0 $0x0  }
0x4c: {  	[sflag:s0] =	ssyncadd.s32 @!p0 s1  }
0x4d: {  	[bflag:$0x3] =	sbarrier.arrive $0xFFFF  }
0x4e: {  	_ =	shalt  }

// kernel: kernel.12.cloned.1.call-start
scs
__scs_entry_jumppad:
0x0: {  	(pc) =	sbr.rel $0x88, $3  }
0x1: {  	(tag) =	ssettag $0x0;
	lr =	simm.s32 $0x1  }
0x2: {  	[smem:$0x3F82] =	sst lr;
	_ =	strace $0xD0000000  }
0x3: {  	_ = 	snop  }
0x4: {  	_ = 	snop  }
0x5: {  	_ = 	snop  }
0x6: {  	_ = 	snop  }
0x7: {  	_ = 	snop  }
__scs_overlays_trampoline_lowered:
0x8: {  	[smem:$0x3F91] =	sst s0  }
0x9: {  	[smem:$0x3F92] =	sst s1  }
0xa: {  	[smem:$0x3F93] =	sst s2  }
0xb: {  	[smem:$0x3F94] =	sst s3  }
0xc: {  	[smem:$0x3F95] =	sst s4  }
0xd: {  	[smem:$0x3F96] =	sst s5  }
0xe: {  	[smem:$0x3F97] =	sst s6  }
0xf: {  	[smem:$0x3F98] =	sst s7  }
0x10: {  	[smem:$0x3F99] =	sst s8  }
0x11: {  	[smem:$0x3F9A] =	sst s9;
	s0 =	simm.s32 @!p0 $0x0  }
0x12: {  	s1 =	sld [smem:$0x3F80];
	s0 =	simm.s32 @p0 $0x1  }
0x13: {  	[smem:$0x3F9B] =	sst s0;
	s0 =	simm.s32 @!p1 $0x0  }
0x14: {  	s2 =	sld [smem:$0x3F7F];
	s0 =	simm.s32 @p1 $0x1  }
0x15: {  	[smem:$0x3F9C] =	sst s0;
	s0 =	simm.s32 @!p2 $0x0  }
0x16: {  	s3 =	sld [smem:$0x3FDB];
	s0 =	simm.s32 @p2 $0x1  }
0x17: {  	s4 =	simm.s32 $0x1BF5;
	[smem:$0x3F9E] =	sst s0  }
0x18: {  	s0 =	sld [smem:$0x3F81];
	_ =	swait.ge [sflag:s4], $0x0  }
0x19: {  	s7 =	sld [smem:$0x3F82]  }
0x1a: {  	s8 =	sadd.s32 $0xFFFFE003, lr  }
0x1b: {  	s9 =	sadd.s32 $0xFFFFFEF7, lr;
	s5 =	simm.s32 $0xFFFFFFFF;
	p2 =	slt.u32 s8, $0xFFFFF086  }
0x1c: {  	p1 =	slt.u32 s9, $0xF7A;
	s5 =	simm.s32 @!p2 $0x0  }
0x1d: {  	s5 =	simm.s32 @p1 $0x1;
	p0 =	seq.s32 s7, s2  }
0x1e: {  	s7 =	smul.u32 @!p0 $0xF7A, s2;
	p2 =	seq.s32 @!p0 s5, $0x0  }
0x1f: {  	s9 =	smul.u32 $0xF7A, s1;
	s8 =	simm.s32 @!p0 $0x1BF5;
	p2 =	por !p2, p0  }
0x20: {  	[sflag:s8] =	ssyncset.s32 @!p0 $0xFFFFF086;
	s6 =	sadd.s32 @!p0 s3, s7;
	s7 =	simm.s32 @!p0 $0x108  }
0x21: {  	s3 =	sadd.s32 s3, s9;
	s6 =	sadd.s32 @!p0 $0x88, s6;
	s7 =	simm.s32 @p2 $0x1082  }
0x22: {  	[simem:s7], [sflag:s8] =	dma.local @!p0 [hbm:s6], $0xF7A  }
0x23: {  	s9 =	sor.u32 $0xD0000000, s2;
	s6 =	simm.s32 $0x108;
	_ =	swait.ge @!p0 [sflag:s8], $0x0  }
0x24: {  	s3 =	sadd.s32 $0x88, s3;
	s6 =	simm.s32 @!p1 $0x1082;
	[sflag:s4] =	ssyncset.s32 $0xFFFFF086  }
0x25: {  	[simem:s6], [sflag:s4] =	dma.local [hbm:s3], $0xF7A  }
0x26: {  	[smem:$0x3F82] =	sst s1;
	(tag) =	ssettag s2;
	_ =	strace s9  }
0x27: {  	s1 =	sld [smem:$0x3F92]  }
0x28: {  	s2 =	sld [smem:$0x3F93]  }
0x29: {  	s4 =	sld [smem:$0x3F95]  }
0x2a: {  	p0 =	seq.s32 s5, $0x0;
	s5 =	sld [smem:$0x3F96]  }
0x2b: {  	s6 =	sld [smem:$0x3F97]  }
0x2c: {  	s7 =	sld [smem:$0x3F98]  }
0x2d: {  	s3 =	simm.s32 $0x108;
	s8 =	sld [smem:$0x3F99]  }
0x2e: {  	s3 =	simm.s32 @!p0 $0x1082;
	s9 =	sld [smem:$0x3F9A]  }
0x2f: {  	lr =	sadd.s32 s0, s3;
	s0 =	sld [smem:$0x3F91]  }
0x30: {  	s3 =	sld [smem:$0x3F94]  }
0x31: {  	[smem:$0x3F9D] =	sst s10  }
0x32: {  	s10 =	sld [smem:$0x3F9B];
	_ =	sdelay $0x3  }
0x33: {  	p0 =	seq.s32 s10, $0x1;
	s10 =	sld [smem:$0x3F9D];
	_ =	sdelay $0x3  }
0x34: {  	[smem:$0x3F9D] =	sst s10  }
0x35: {  	s10 =	sld [smem:$0x3F9C];
	_ =	sdelay $0x3  }
0x36: {  	p1 =	seq.s32 s10, $0x1;
	s10 =	sld [smem:$0x3F9D];
	_ =	sdelay $0x3  }
0x37: {  	[smem:$0x3F9D] =	sst s10  }
0x38: {  	s10 =	sld [smem:$0x3F9E]  }
0x39: {  	_ = 	snop;
	(pc) =	sbr.ind lr, $3  }
0x3a: {  	_ = 	snop  }
0x3b: {  	_ = 	snop  }
0x3c: {  	p2 =	seq.s32 s10, $0x1;
	s10 =	sld [smem:$0x3F9D]  }
0x3d: {  	_ =	shalt  }
0x3e: {  	_ =	shalt  }
0x3f: {  	_ =	shalt  }
0x40: {  	_ =	shalt  }
0x41: {  	_ =	shalt  }
0x42: {  	_ =	shalt  }
0x43: {  	_ =	shalt  }
0x44: {  	_ =	shalt  }
0x45: {  	_ =	shalt  }
0x46: {  	_ =	shalt  }
0x47: {  	_ =	shalt  }
0x48: {  	_ =	shalt  }
0x49: {  	_ =	shalt  }
0x4a: {  	_ =	shalt  }
0x4b: {  	_ =	shalt  }
0x4c: {  	_ =	shalt  }
0x4d: {  	_ =	shalt  }
0x4e: {  	_ =	shalt  }
0x4f: {  	_ =	shalt  }
0x50: {  	_ =	shalt  }
0x51: {  	_ =	shalt  }
0x52: {  	_ =	shalt  }
0x53: {  	_ =	shalt  }
0x54: {  	_ =	shalt  }
0x55: {  	_ =	shalt  }
0x56: {  	_ =	shalt  }
0x57: {  	_ =	shalt  }
0x58: {  	_ =	shalt  }
0x59: {  	_ =	shalt  }
0x5a: {  	_ =	shalt  }
0x5b: {  	_ =	shalt  }
0x5c: {  	_ =	shalt  }
0x5d: {  	_ =	shalt  }
0x5e: {  	_ =	shalt  }
0x5f: {  	_ =	shalt  }
0x60: {  	_ =	shalt  }
0x61: {  	_ =	shalt  }
0x62: {  	_ =	shalt  }
0x63: {  	_ =	shalt  }
0x64: {  	_ =	shalt  }
0x65: {  	_ =	shalt  }
0x66: {  	_ =	shalt  }
0x67: {  	_ =	shalt  }
0x68: {  	_ =	shalt  }
0x69: {  	_ =	shalt  }
0x6a: {  	_ =	shalt  }
0x6b: {  	_ =	shalt  }
0x6c: {  	_ =	shalt  }
0x6d: {  	_ =	shalt  }
0x6e: {  	_ =	shalt  }
0x6f: {  	_ =	shalt  }
0x70: {  	_ =	shalt  }
0x71: {  	_ =	shalt  }
0x72: {  	_ =	shalt  }
0x73: {  	_ =	shalt  }
0x74: {  	_ =	shalt  }
0x75: {  	_ =	shalt  }
0x76: {  	_ =	shalt  }
0x77: {  	_ =	shalt  }
0x78: {  	_ =	shalt  }
0x79: {  	_ =	shalt  }
0x7a: {  	_ =	shalt  }
0x7b: {  	_ =	shalt  }
0x7c: {  	_ =	shalt  }
0x7d: {  	_ =	shalt  }
0x7e: {  	_ =	shalt  }
0x7f: {  	_ =	shalt  }
0x80: {  	_ =	shalt  }
0x81: {  	_ =	shalt  }
0x82: {  	_ =	shalt  }
0x83: {  	_ =	shalt  }
0x84: {  	_ =	shalt  }
0x85: {  	_ =	shalt  }
0x86: {  	_ =	shalt  }
0x87: {  	_ =	shalt  }
.Lfunc_end0:
.L_simem_size_0:
called_computation.3_lowered:
.L_overlay_start_0:
0x88: {  	s2 =	sld [smem:$0x3FD9]  }
0x89: {  	s3 =	sld [smem:$0x3FFE];
	_ =	sdelay $0x1  }
0x8a: {  	s1 =	srdreg.scid  }
0x8b: {  	s0 =	sand.u32 $0x1, s1  }
0x8c: {  	s17 =	sshll.u32 s0, $0xA;
	s2 =	sadd.s32 s3, s2  }
0x8d: {  	s2 =	sadd.s32 s2, s17  }
0x8e: {  	[smem:$0x3FA9] =	sst s2  }
0x8f: {  	_ = 	snop  }
0x90: {  	(tm) =	ssettm $0x1  }
0x91: {  	s18 =	sld [smem:$0x3FFB];
	_ =	sdelay $0x3  }
0x92: {  	_ =	strace s18  }
0x93: {  	s2 =	sld [smem:$0x3FFC];
	_ =	sdelay $0x3  }
0x94: {  	_ =	strace s2  }
0x95: {  	s2 =	sld [smem:$0x3FFD];
	_ =	sdelay $0x3  }
0x96: {  	_ =	strace s2  }
0x97: {  	_ =	strace $0x8FFFFFFF  }
0x98: {  	s19 =	sld [smem:$0x3FDB];
	_ =	sdelay $0x1  }
0x99: {  	s20 =	simm.s32 $_scs_section_size  }
0x9a: {  	s4 =	simm.s32 $_size__tile_overlayer_lowered;
	s5 =	simm.s32 $_tile_overlayer_lowered  }
0x9b: {  	s6 =	simm.s32 $0x1BFF;
	s21 =	sshll.u32 s5, $0x1;
	s3 =	sadd.s32 s20, s19  }
0x9c: {  	s22 =	simm.s32 $0x0;
	s4 =	sshll.u32 s4, $0x1;
	s5 =	sadd.s32 s21, s3  }
0x9d: {  	[timem:s22], [sflag:s6] =	dma.local [hbm:s5], s4  }
0x9e: {  	_ =	swait.ge [sflag:s6], s4  }
0x9f: {  	s4 =	ssub.s32 $0x0, s4;
	[sflag:s6] =	ssyncset.done $0x0  }
0xa0: {  	[sflag:s6] =	ssyncadd.s32 s4;
	_ =	sdelay $0x1  }
0xa1: {  	s23 =	simm.s32 $0x1B8B  }
0xa2: {  	_ =	swait.ge [sflag:s23], $0x1  }
0xa3: {  	[sflag:s23] =	ssyncset.done $0x0  }
0xa4: {  	[sflag:s23] =	ssyncadd.s32 $0xFFFFFFFF  }
0xa5: {  	s4 =	sld [smem:$0x0]  }
0xa6: {  	s5 =	sand.u32 $0xFFFFFFFE, s1  }
0xa7: {  	p0 =	sne.s32 s1, s5  }
0xa8: {  	s5 =	sshll.u32 @p0 s5, $0xE  }
0xa9: {  	s5 =	sadd.s32 @p0 $0x11B8D, s5;
	s6 =	sshll.u32 @p0 s4, $0x11  }
0xaa: {  	s5 =	sor.u32 @p0 s6, s5  }
0xab: {  	[sflag:s5] =	ssyncadd.remote.s32 @p0 $0x1;
	_ =	sdelay $0x1  }
0xac: {  	s5 =	simm.s32 @p0 $0x1B8D  }
0xad: {  	_ =	swait.eq @p0 [sflag:s5], $0x1  }
0xae: {  	[sflag:s5] =	ssyncadd.s32 @p0 $0xFFFFFFFF  }
0xaf: {  	s6 =	sshll.u32 @!p0 s1, $0xE  }
0xb0: {  	s6 =	sor.u32 @!p0 $0x4000, s6;
	s5 =	simm.s32 @!p0 $0x1B8D  }
0xb1: {  	s4 =	sshll.u32 @!p0 s4, $0x11;
	s6 =	sadd.s32 @!p0 $0x11B8D, s6;
	_ =	swait.eq @!p0 [sflag:s5], $0x1  }
0xb2: {  	s4 =	sor.u32 @!p0 s4, s6;
	[sflag:s5] =	ssyncadd.s32 @!p0 $0xFFFFFFFF  }
0xb3: {  	s25 =	simm.s32 $0x1B8E;
	s24 =	sld [smem:$0x3FFE];
	[sflag:s4] =	ssyncadd.remote.s32 @!p0 $0x1  }
0xb4: {  	s26 =	simm.s32 $execute0_lowered;
	[smem:$0x3FD2] =	sst s25  }
0xb5: {  	s5 =	sshll.u32 s26, $0x1;
	_ =	strace $0x8000004C;
	[dreg:$0x1] =	wrdreg $0xFFFFFFFF  }
0xb6: {  	s28 =	simm.s32 $_size_execute0_lowered;
	s3 =	sadd.s32 s3, s5;
	[dreg:$0x0] =	wrdreg $0x0  }
0xb7: {  	s5 =	sshll.u32 s28, $0x1;
	[dreg:$0x2] =	wrdreg s3  }
0xb8: {  	[dreg:$0x3] =	wrdreg s5  }
0xb9: {  	[dreg:$0x4] =	wrdreg $0xC0  }
0xba: {  	_ =	task [dreg:s22], $0x5FFFF  }
0xbb: {  	[dreg:$0x1] =	wrdreg $0xFFFFFFFF  }
0xbc: {  	[dreg:$0x0] =	wrdreg $0x60  }
0xbd: {  	[dreg:$0x2] =	wrdreg s24  }
0xbe: {  	[dreg:$0x3] =	wrdreg $0x2B000  }
0xbf: {  	[dreg:$0x4] =	wrdreg $0x2D800  }
0xc0: {  	[dreg:$0x5] =	wrdreg $0xB  }
0xc1: {  	_ =	task.clear_ibuf [dreg:s22], $0x6FFFF;
	_ =	strace $0x9000004C  }
0xc2: {  	s29 =	simm.s32 $0xB;
	_ =	strace $0x8000004E  }
0xc3: {  	_ =	swait.ge [sflag:s29], $0x1  }
0xc4: {  	[sflag:s29] =	ssyncadd.s32 $0xFFFFFFFF  }
0xc5: {  	_ =	strace $0x9000004E  }
0xc6: {  	_ =	sfence  }
0xc7: {  	s30 =	sld [smem:$0x0];
	_ =	sdelay $0x2  }
0xc8: {  	s31 =	sshll.u32 s1, $0xD;
	s1 =	sshrl.u32 s1, $0x2  }
0xc9: {  	s4 =	sand.u32 $0x4000, s31;
	s1 =	sadd.s32 s1, s30  }
0xca: {  	s0 =	sor.u32 s4, s0;
	s1 =	sshll.u32 s1, $0x11  }
0xcb: {  	s0 =	sor.u32 s1, s0  }
0xcc: {  	s0 =	sadd.s32 $0x8F2B, s0  }
0xcd: {  	[sflag:s0] =	ssyncadd.remote.s32 $0x1  }
0xce: {  	_ =	sfence.sel $0xFFFF  }
0xcf: {  	[dreg:$0x0] =	wrdreg $0xFFFFFFFF;
	(pc) =	sbr.abs _section_cstart, $3  }
0xd0: {  	[dreg:$0x1] =	wrdreg $0xFFFFFFFF  }
0xd1: {  	_ =	task.clear_ibuf [dreg:s22], $0x2FFFF;
	_ =	strace $0x9FFFFFFF  }
0xd2: {  	(tm) =	ssettm $0x7FFFFFFF  }
0xd3: {  	_ =	shalt  }
tec
execute0_lowered:
.L_overlay_start_1:
0x0: {  	(tag) =	ssettag $0x1  }
0x1: {  	s6 =	rddreg [dreg:$0x0]  }
0x2: {  	s1 =	srdreg.scid;
	s2 =	rddreg [dreg:$0x1]  }
0x3: {  	s0 =	stileid.u32;
	s3 =	rddreg [dreg:$0x2];
	s4 =	simm.s32 $0x0  }
0x4: {  	s14 =	simm.s32 $0x1;
	s15 =	simm.s32 $0x1400;
	s16 =	simm.s32 $0x80  }
0x5: {  	s17 =	simm.s32 $0x2800;
	s18 =	simm.s32 $0x0;
	s5 =	sand.u32 $0x1, s1  }
0x6: {  	s29 =	sshll.u32 s0, $0x1;
	s8 =	smul.u32 $0x280, s0;
	[smem:$0x7FF] =	sst s4  }
0x7: {  	s1 =	sor.u32 s5, s29;
	s9 =	smul.u32 $0x5000, s5;
	s31 =	ssub.s32 $0x2, s5  }
0x8: {  	s5 =	sadd.s32 $0x1FC00, s6;
	s7 =	smul.u32 $0x280, s1;
	s1 =	rddreg [dreg:$0x3]  }
0x9: {  	_ =	strace $0x8000004D;
	s11 =	sshrl.u32 s31, $0x1;
	s30 =	sadd.s32 s8, s9  }
0xa: {  	s13 =	ssub.s32 s31, s11;
	s10 =	sadd.s32 s7, s6;
	s7 =	sshrl.u32 s30, $0x3  }
0xb: {  	s12 =	sadd.s32 s7, s6;
	s6 =	sadd.s32 s8, s2;
	s7 =	sadd.s32 s8, s3  }
0xc: {  	s8 =	sadd.s32 $0x6C00, s10;
	s9 =	sadd.s32 $0xBC00, s10;
	s10 =	sadd.s32 $0x20200, s12  }
0xd: {  	v0 =	vimm.f32 $1.000000000e+00;
	s11 =	sadd.s32 $0x20700, s12;
	s12 =	smax.u32 s13, $0x1;
	s13 =	simm.s32 $0x2880  }
.LBB2_1:
0xe: {  	[tilespmem:$0x2800] =	vst v0  }
0xf: {  	[tilespmem:$0x2810] =	vst v0  }
0x10: {  	[tilespmem:$0x2820] =	vst v0  }
0x11: {  	[tilespmem:$0x2830] =	vst v0  }
0x12: {  	[tilespmem:$0x2840] =	vst v0  }
0x13: {  	[tilespmem:$0x2850] =	vst v0  }
0x14: {  	[tilespmem:$0x2860] =	vst v0  }
0x15: {  	[tilespmem:$0x2870] =	vst v0  }
0x16: {  	[tilespmem:s13], [sflag:$0x1] =	stream.linear.gather [hbm4b:s5+s4], $0x280, $0x38;
	[tilespmem:$0x3000] =	vst v63  }
0x17: {  	_ =	swait.ge [sflag:s14], $0x280  }
0x18: {  	[sflag:s14] =	ssyncset.done $0x0  }
0x19: {  	[sflag:s14] =	ssyncadd.s32 $0xFFFFFD80  }
0x1a: {  	[spmem:s6] =	stream.linear.scatter [tilespmem:s13], [sflag:$0x1], $0x280, $0x38;
	[tilespmem:$0x3000] =	vst v63  }
0x1b: {  	_ =	swait.ge [sflag:s14], $0x280  }
0x1c: {  	[sflag:s14] =	ssyncset.done $0x0  }
0x1d: {  	[sflag:s14] =	ssyncadd.s32 $0xFFFFFD80  }
0x1e: {  	[spmem:s7] =	stream.linear.scatter [tilespmem:s13], [sflag:$0x1], $0x280, $0x38;
	[tilespmem:$0x3000] =	vst v63  }
0x1f: {  	_ =	swait.ge [sflag:s14], $0x280  }
0x20: {  	[sflag:s14] =	ssyncset.done $0x0  }
0x21: {  	[sflag:s14] =	ssyncadd.s32 $0xFFFFFD80  }
0x22: {  	[tilespmem:s4], [sflag:$0x1] =	stream.linear.gather [hbm4b:s8+s4], $0x1400, $0x38;
	[tilespmem:$0x3000] =	vst v63  }
0x23: {  	_ =	swait.ge [sflag:s14], $0x1400  }
0x24: {  	[sflag:s14] =	ssyncset.done $0x0  }
0x25: {  	[sflag:s14] =	ssyncadd.s32 $0xFFFFEC00  }
0x26: {  	[tilespmem:s15], [sflag:$0x1] =	stream.linear.gather [hbm4b:s9+s4], $0x1400, $0x38;
	[tilespmem:$0x3000] =	vst v63  }
0x27: {  	_ =	swait.ge [sflag:s14], $0x1400  }
0x28: {  	[sflag:s14] =	ssyncset.done $0x0  }
0x29: {  	[sflag:s14] =	ssyncadd.s32 $0xFFFFEC00  }
0x2a: {  	s19 =	simm.s32 $0x0;
	[bflag:$0x0] =	sbarrier.arrive $0xFFFF  }
0x2b: {  	[spmem:s2] =	stream.indirect.scatter.add.f32 [tilespmem:s17], [sflag:$0x1], $0x1, s19, s16, $0xb8;
	[tilespmem:$0x3000] =	vst v63  }
0x2c: {  	_ =	swait.ge [sflag:s14], $0x80  }
0x2d: {  	[sflag:s14] =	ssyncset.done $0x0  }
0x2e: {  	s31 =	simm.s32 $0x1400;
	[sflag:s14] =	ssyncadd.s32 $0xFFFFFF80  }
0x2f: {  	[spmem:s3] =	stream.indirect.scatter.add.f32 [tilespmem:s17], [sflag:$0x1], $0x1, s31, s16, $0xb8;
	[tilespmem:$0x3000] =	vst v63  }
0x30: {  	_ =	swait.ge [sflag:s14], $0x80  }
0x31: {  	s20 =	simm.s32 $0x400;
	s19 =	simm.s32 $0x200;
	[sflag:s14] =	ssyncset.done $0x0  }
.LBB2_2:
0x32: {  	s21 =	sshra.s32 s19, $0x2  }
0x33: {  	[sflag:s14] =	ssyncadd.s32 $0xFFFFFF80;
	s19 =	smov.u32 s20;
	s22 =	sadd.s32 $0x200, s20  }
0x34: {  	[spmem:s2] =	stream.indirect.scatter.add.f32 [tilespmem:s17], [sflag:$0x1], $0x1, s21, s16, $0xb8;
	[tilespmem:$0x3000] =	vst v63  }
0x35: {  	p0 =	sne.s32 s20, $0x4E00;
	_ =	swait.ge [sflag:s14], $0x80  }
.Ltmp0:
0x36: {  	[sflag:s14] =	ssyncset.done $0x0;
	(pc) =	sbr.rel @p0 .LBB2_2-.Ltmp0, $4  }
0x37: {  	s20 =	sadd.s32 $0x1400, s21;
	[sflag:s14] =	ssyncadd.s32 $0xFFFFFF80  }
0x38: {  	[spmem:s3] =	stream.indirect.scatter.add.f32 [tilespmem:s17], [sflag:$0x1], $0x1, s20, s16, $0xb8;
	[tilespmem:$0x3000] =	vst v63  }
0x39: {  	_ =	swait.ge [sflag:s14], $0x80  }
0x3a: {  	s20 =	smov.u32 s22;
	[sflag:s14] =	ssyncset.done $0x0  }
0x3b: {  	s19 =	sshra.s32 s19, $0x2;
	[sflag:s14] =	ssyncadd.s32 $0xFFFFFF80  }
0x3c: {  	[spmem:s2] =	stream.indirect.scatter.add.f32 [tilespmem:s17], [sflag:$0x1], $0x1, s19, s16, $0xb8;
	[tilespmem:$0x3000] =	vst v63  }
0x3d: {  	_ =	swait.ge [sflag:s14], $0x80  }
0x3e: {  	[sflag:s14] =	ssyncset.done $0x0  }
0x3f: {  	s19 =	sadd.s32 $0x1400, s19;
	[sflag:s14] =	ssyncadd.s32 $0xFFFFFF80  }
0x40: {  	[spmem:s3] =	stream.indirect.scatter.add.f32 [tilespmem:s17], [sflag:$0x1], $0x1, s19, s16, $0xb8;
	[tilespmem:$0x3000] =	vst v63  }
0x41: {  	_ =	swait.ge [sflag:s14], $0x80  }
0x42: {  	[sflag:s14] =	ssyncset.done $0x0  }
0x43: {  	[sflag:s14] =	ssyncadd.s32 $0xFFFFFF80  }
0x44: {  	[bflag:$0x0] =	sbarrier.arrive $0xFFFF  }
0x45: {  	[tilespmem:s13], [sflag:$0x1] =	stream.linear.gather [spmem:s6], $0x280, $0x38;
	[tilespmem:$0x3000] =	vst v63  }
0x46: {  	_ =	swait.ge [sflag:s14], $0x280  }
0x47: {  	[sflag:s14] =	ssyncset.done $0x0  }
0x48: {  	[sflag:s14] =	ssyncadd.s32 $0xFFFFFD80  }
0x49: {  	[hbm4b:s10+s4] =	stream.linear.scatter [tilespmem:s13], [sflag:$0x1], $0x280, $0x38;
	[tilespmem:$0x3000] =	vst v63  }
0x4a: {  	_ =	swait.ge [sflag:s14], $0x280  }
0x4b: {  	[sflag:s14] =	ssyncset.done $0x0  }
0x4c: {  	[sflag:s14] =	ssyncadd.s32 $0xFFFFFD80  }
0x4d: {  	[tilespmem:s13], [sflag:$0x1] =	stream.linear.gather [spmem:s7], $0x280, $0x38;
	[tilespmem:$0x3000] =	vst v63  }
0x4e: {  	s18 =	sadd.s32 $0x1, s18;
	_ =	swait.ge [sflag:s14], $0x280  }
0x4f: {  	p0 =	sne.s32 s18, s12;
	[sflag:s14] =	ssyncset.done $0x0  }
.Ltmp1:
0x50: {  	[sflag:s14] =	ssyncadd.s32 $0xFFFFFD80;
	(pc) =	sbr.rel @p0 .LBB2_1-.Ltmp1, $4  }
0x51: {  	[hbm4b:s11+s4] =	stream.linear.scatter [tilespmem:s13], [sflag:$0x1], $0x280, $0x38;
	[tilespmem:$0x3000] =	vst v63  }
0x52: {  	_ =	swait.ge [sflag:s14], $0x280  }
0x53: {  	[sflag:s14] =	ssyncset.done $0x0  }
0x54: {  	[sflag:s14] =	ssyncadd.s32 $0xFFFFFD80  }
0x55: {  	_ =	sfence.sel $0x180000  }
0x56: {  	[bflag:$0x0] =	sbarrier.arrive $0xFFFF  }
0x57: {  	p0 =	sne.s32 s0, $0x0;
	_ =	strace $0x9000004D  }
0x58: {  	s0 =	sadd.s32 @!p0 $0x100000, s1;
	[bflag:$0x2] =	sbarrier.arrive $0xFFFF  }
0x59: {  	[sflag:s0] =	ssyncadd.tile.s32 @!p0 $0x1;
	_ =	shalt  }
.Lfunc_end2:
_tile_overlayer_lowered:
.L_overlay_start_2:
0x5a: {  	(tag) =	ssettag $0x2  }
0x5b: {  	s0 =	rddreg [dreg:$0x0];
	s2 =	stileid.u32  }
0x5c: {  	s1 =	rddreg [dreg:$0x1];
	p0 =	sne.s32 s2, $0x0  }
0x5d: {  	s3 =	rddreg [dreg:$0x2];
	[bflag:$0x3] =	sbarrier.arrive $0xFFFF;
	s2 =	simm.s32 @!p0 $0x1C01  }
0x5e: {  	[timem:s3], [sflag:s2] =	dma.local @!p0 [hbm:s0], s1  }
0x5f: {  	s0 =	simm.s32 @!p0 $0x1  }
0x60: {  	_ =	swait.ge @!p0 [sflag:s0], s1  }
0x61: {  	s1 =	ssub.s32 @!p0 $0x0, s1;
	[sflag:s0] =	ssyncset.done @!p0 $0x0  }
0x62: {  	[sflag:s0] =	ssyncadd.s32 @!p0 s1  }
0x63: {  	[bflag:$0x3] =	sbarrier.arrive $0xFFFF  }
0x64: {  	_ =	shalt  }

</sc_bundles>
